<compile_context>
chip_gen: v7x
topology: tpu7x:2x2x1
jax: 0.10.2.dev20260603
libtpu: 0.0.44.dev20260713+nightly
codegen_flags: <defaults>
</compile_context>

<pallas_src>
import functools

import jax
import jax.numpy as jnp
from jax import lax
from jax.experimental import pallas as pl
from jax.experimental.pallas import tpu as pltpu
from jax.experimental.pallas import tpu_sc as plsc

N = 10000
E = 320000
D = 128
DH = D // 2

NC = 2
NS = 16
CH = 128
NBUF = 4
CPT = 160
Q = 32
NGRP = CPT // Q
E_PAD = CPT * NS * CH
N_PAD = 10112
ZR = N_PAD // NS
XTAIL = N - 15 * ZR

_sc_mesh = plsc.VectorSubcoreMesh(core_axis_name="c", subcore_axis_name="s")


@functools.partial(
    pl.kernel,
    out_type=jax.ShapeDtypeStruct((N, D), jnp.float32),
    mesh=_sc_mesh,
    compiler_params=pltpu.CompilerParams(use_tc_tiling_on_sc=False),
    scratch_types=[
        pltpu.VMEM((NBUF, CH, DH), jnp.float32),
        pltpu.VMEM((2, Q, CH), jnp.int32),
        pltpu.VMEM((2, Q, CH), jnp.int32),
        pltpu.VMEM_SHARED((N_PAD, DH), jnp.float32),
        pltpu.VMEM_SHARED((N_PAD, DH), jnp.float32),
        pltpu.SemaphoreType.DMA,
        pltpu.SemaphoreType.DMA,
        pltpu.SemaphoreType.DMA,
        pltpu.SemaphoreType.DMA,
        pltpu.SemaphoreType.DMA,
        pltpu.SemaphoreType.DMA,
        pltpu.SemaphoreType.DMA,
        pltpu.SemaphoreType.DMA,
        pltpu.SemaphoreType.DMA,
        pltpu.SemaphoreType.DMA,
    ],
)
def _sc_scatter(x_hbm, srcc_hbm, dstc_hbm, mm_hbm, out_hbm,
                rows_v, srci_v, dsti_v, agg_sh, x_sh, *sems):
    cid = lax.axis_index("c")
    sid = lax.axis_index("s")
    sem_g = sems[:NBUF]
    sem_s = sems[NBUF:2 * NBUF]
    sem_i0, sem_i1 = sems[2 * NBUF:]

    pltpu.async_copy(srcc_hbm.at[sid, pl.ds(0, Q)], srci_v.at[0], sem_i0)
    pltpu.async_copy(dstc_hbm.at[sid, pl.ds(0, Q)], dsti_v.at[0], sem_i1)

    @pl.when(sid < NS - 1)
    def _():
        pltpu.async_copy(x_hbm.at[pl.ds(sid * ZR, ZR), pl.ds(cid * DH, DH)],
                         x_sh.at[pl.ds(sid * ZR, ZR)], sem_g[0])

    @pl.when(sid == NS - 1)
    def _():
        pltpu.async_copy(x_hbm.at[pl.ds(15 * ZR, XTAIL), pl.ds(cid * DH, DH)],
                         x_sh.at[pl.ds(15 * ZR, XTAIL)], sem_g[0])

    pltpu.async_copy(mm_hbm.at[cid, pl.ds(sid * ZR, ZR)],
                     agg_sh.at[pl.ds(sid * ZR, ZR)], sem_s[0])

    @pl.when(sid < NS - 1)
    def _():
        pltpu.make_async_copy(x_hbm.at[pl.ds(sid * ZR, ZR), pl.ds(cid * DH, DH)],
                              x_sh.at[pl.ds(sid * ZR, ZR)], sem_g[0]).wait()

    @pl.when(sid == NS - 1)
    def _():
        pltpu.make_async_copy(x_hbm.at[pl.ds(15 * ZR, XTAIL), pl.ds(cid * DH, DH)],
                              x_sh.at[pl.ds(15 * ZR, XTAIL)], sem_g[0]).wait()

    pltpu.make_async_copy(mm_hbm.at[cid, pl.ds(sid * ZR, ZR)],
                          agg_sh.at[pl.ds(sid * ZR, ZR)], sem_s[0]).wait()
    pltpu.make_async_copy(srcc_hbm.at[sid, pl.ds(0, Q)], srci_v.at[0], sem_i0).wait()
    pltpu.make_async_copy(dstc_hbm.at[sid, pl.ds(0, Q)], dsti_v.at[0], sem_i1).wait()
    plsc.subcore_barrier()

    def sidx(j):
        return srci_v.at[lax.rem(lax.div(j, Q), 2), lax.rem(j, Q)]

    def didx(j):
        return dsti_v.at[lax.rem(lax.div(j, Q), 2), lax.rem(j, Q)]

    for b in range(2):
        pltpu.async_copy(x_sh.at[sidx(b)], rows_v.at[b], sem_g[b])

    def group_fn(g, carry):
        for b in range(NBUF):
            j = g * NBUF + b
            b2 = (b + 2) % NBUF

            if b == 2:
                @pl.when(lax.rem(j, Q) == 2)
                def _():
                    nxt = (lax.div(j, Q) + 1) * Q
                    nbuf = lax.rem(lax.div(j, Q) + 1, 2)

                    @pl.when(nxt < CPT)
                    def _():
                        pltpu.async_copy(
                            srcc_hbm.at[sid, pl.ds(pl.multiple_of(nxt, Q), Q)],
                            srci_v.at[nbuf], sem_i0)
                        pltpu.async_copy(
                            dstc_hbm.at[sid, pl.ds(pl.multiple_of(nxt, Q), Q)],
                            dsti_v.at[nbuf], sem_i1)

                @pl.when(lax.rem(j, Q) == Q - 2)
                def _():
                    nxt = (lax.div(j, Q) + 1) * Q
                    nbuf = lax.rem(lax.div(j, Q) + 1, 2)

                    @pl.when(nxt < CPT)
                    def _():
                        pltpu.make_async_copy(
                            srcc_hbm.at[sid, pl.ds(pl.multiple_of(nxt, Q), Q)],
                            srci_v.at[nbuf], sem_i0).wait()
                        pltpu.make_async_copy(
                            dstc_hbm.at[sid, pl.ds(pl.multiple_of(nxt, Q), Q)],
                            dsti_v.at[nbuf], sem_i1).wait()

            @pl.when(j + 2 >= NBUF)
            def _():
                pltpu.make_async_copy(
                    rows_v.at[b2], agg_sh.at[didx(j - 2)], sem_s[b2]).wait()

            @pl.when(j + 2 < CPT)
            def _():
                pltpu.async_copy(x_sh.at[sidx(j + 2)], rows_v.at[b2], sem_g[b2])

            pltpu.make_async_copy(x_sh.at[sidx(j)], rows_v.at[b], sem_g[b]).wait()
            pltpu.async_copy(rows_v.at[b], agg_sh.at[didx(j)], sem_s[b], add=True)
        return carry

    lax.fori_loop(0, CPT // NBUF, group_fn, 0)
    for j in (CPT - 2, CPT - 1):
        b = j % NBUF
        pltpu.make_async_copy(rows_v.at[b], agg_sh.at[didx(j)], sem_s[b]).wait()

    plsc.subcore_barrier()

    def relu_out(base, sizes):
        pieces = []
        r0 = base
        for nr in sizes:
            pieces.append((r0, nr))
            r0 += nr
        np_ = len(pieces)

        def cin(p):
            r0, nr = pieces[p]
            pltpu.async_copy(agg_sh.at[pl.ds(r0, nr)],
                             rows_v.at[p % 3, pl.ds(0, nr)], sem_g[p % 3])

        def cout_desc(p):
            r0, nr = pieces[p]
            return pltpu.make_async_copy(
                rows_v.at[p % 3, pl.ds(0, nr)],
                out_hbm.at[pl.ds(r0, nr), pl.ds(cid * DH, DH)], sem_s[p % 3])

        for p in range(min(3, np_)):
            cin(p)
        for p in range(np_):
            s = p % 3
            if p >= 1 and p + 2 < np_:
                cout_desc(p - 1).wait()
                cin(p + 2)
            r0, nr = pieces[p]
            pltpu.make_async_copy(agg_sh.at[pl.ds(r0, nr)],
                                  rows_v.at[s, pl.ds(0, nr)], sem_g[s]).wait()
            piece = rows_v.at[s]

            def rbody(r, carry):
                for c4 in range(DH // 16):
                    sl = pl.ds(c4 * 16, 16)
                    piece[r, sl] = jnp.maximum(piece[r, sl], 0.0)
                return carry

            lax.fori_loop(0, nr, rbody, 0)
            pltpu.async_copy(rows_v.at[s, pl.ds(0, nr)],
                             out_hbm.at[pl.ds(r0, nr), pl.ds(cid * DH, DH)],
                             sem_s[s])
        for p in range(max(0, np_ - 3), np_):
            cout_desc(p).wait()

    @pl.when(sid < NS - 1)
    def _():
        relu_out(sid * ZR, (128, 128, 128, 128, ZR - 4 * 128))

    @pl.when(sid == NS - 1)
    def _():
        relu_out(15 * ZR, (128, 128, 128, 128, XTAIL - 4 * 128))


def _mm_body(x_ref, w_ref, o_ref):
    mm = jnp.dot(x_ref[...], w_ref[...], preferred_element_type=jnp.float32)
    o_ref[0] = mm[:, :DH]
    o_ref[1] = mm[:, DH:]


_BLK = 1000


def _tc_matmul(x, w):
    grid = (N // _BLK,)
    return pl.pallas_call(
        _mm_body,
        grid=grid,
        in_specs=[
            pl.BlockSpec((_BLK, D), lambda i: (i, 0)),
            pl.BlockSpec((D, D), lambda i: (0, 0)),
        ],
        out_specs=pl.BlockSpec((NC, _BLK, DH), lambda i: (0, i, 0)),
        out_shape=jax.ShapeDtypeStruct((NC, N_PAD, DH), jnp.float32),
    )(x, w)


def kernel(x, edge_index, loop_weight):
    pad = E_PAD - E
    padc = jnp.concatenate(
        [jnp.zeros((1, pad), jnp.int32), jnp.full((1, pad), N, jnp.int32)], axis=0)
    e2 = jnp.concatenate([edge_index.astype(jnp.int32), padc], axis=1)
    src_c = e2[0].reshape(NS, CPT, CH)
    dst_c = e2[1].reshape(NS, CPT, CH)
    mm = _tc_matmul(x, loop_weight)
    return _sc_scatter(x, src_c, dst_c, mm)

# --- scband reference (transcript-rebuilt; emitter-appended) ---
"""Pipeline reference for scband-rgcnlayer-19696720020163 (READ-ONLY COPY).

The authoritative reference and input builder live on the scoring server;
editing this copy changes nothing except your own understanding.
"""

import jax, jax.numpy as jnp
import numpy as np

N_NODES = 10000
N_EDGES = 320000
D_FEAT = 128


def setup_inputs(seed: int = 0) -> dict:
    key = jax.random.key(seed)
    k1, k2, k3 = jax.random.split(key, 3)
    x = jax.random.normal(k1, (N_NODES, D_FEAT), dtype=jnp.float32)
    edge_index = jax.random.randint(k2, (2, N_EDGES), 0, N_NODES, dtype=jnp.int64)
    # learned parameter: self-loop weight (in_feat x out_feat), xavier-like init
    gain = float(np.sqrt(2.0))  # relu gain
    bound = gain * float(np.sqrt(6.0 / (D_FEAT + D_FEAT)))
    loop_weight = jax.random.uniform(k3, (D_FEAT, D_FEAT), dtype=jnp.float32, minval=-bound, maxval=bound)
    return {"x": x, "edge_index": edge_index, "loop_weight": loop_weight}


def reference(x, edge_index, loop_weight):
    # self-loop message: h @ loop_weight  (dropout=0.0 -> identity)
    loop_message = jnp.dot(x, loop_weight)
    # propagate(g): message passing - gather source node features along edges,
    # scatter-add (sum-aggregate) into destination nodes
    src = edge_index[0]
    dst = edge_index[1]
    msgs = jnp.take(x, src, axis=0)                      # gather: [E, d]
    agg = jax.ops.segment_sum(msgs, dst, num_segments=x.shape[0])  # scatter-add: [N, d]
    node_repr = agg
    # bias=False, skip_connect=False, layer_norm=False
    node_repr = node_repr + loop_message                 # self_loop=True
    node_repr = jax.nn.relu(node_repr)                   # activation=relu
    return node_repr

if __name__ == "__main__":
    import jax
    _d = setup_inputs()
    print(jax.jit(kernel)(*tuple(_d.values())))

</pallas_src>

<mosaic_0001>
#map = affine_map<(d0, d1) -> (0, 0)>
#map1 = affine_map<(d0, d1) -> (0, 0, 0)>
module attributes {stable_mosaic.version = 14 : i64} {
  func.func @_sc_scatter(%arg0: i32, %arg1: i32, %arg2: memref<10000x128xf32, #tpu.memory_space<hbm>>, %arg3: memref<16x160x128xi32, #tpu.memory_space<hbm>>, %arg4: memref<16x160x128xi32, #tpu.memory_space<hbm>>, %arg5: memref<2x10112x64xf32, #tpu.memory_space<hbm>>, %arg6: memref<10000x128xf32, #tpu.memory_space<hbm>>, %arg7: memref<4x128x64xf32, #tpu.memory_space<vmem>>, %arg8: memref<2x32x128xi32, #tpu.memory_space<vmem>>, %arg9: memref<2x32x128xi32, #tpu.memory_space<vmem>>, %arg10: memref<10112x64xf32, #tpu.memory_space<vmem_shared>>, %arg11: memref<10112x64xf32, #tpu.memory_space<vmem_shared>>, %arg12: memref<!tpu.dma_semaphore, #tpu.memory_space<semaphore_mem>>, %arg13: memref<!tpu.dma_semaphore, #tpu.memory_space<semaphore_mem>>, %arg14: memref<!tpu.dma_semaphore, #tpu.memory_space<semaphore_mem>>, %arg15: memref<!tpu.dma_semaphore, #tpu.memory_space<semaphore_mem>>, %arg16: memref<!tpu.dma_semaphore, #tpu.memory_space<semaphore_mem>>, %arg17: memref<!tpu.dma_semaphore, #tpu.memory_space<semaphore_mem>>, %arg18: memref<!tpu.dma_semaphore, #tpu.memory_space<semaphore_mem>>, %arg19: memref<!tpu.dma_semaphore, #tpu.memory_space<semaphore_mem>>, %arg20: memref<!tpu.dma_semaphore, #tpu.memory_space<semaphore_mem>>, %arg21: memref<!tpu.dma_semaphore, #tpu.memory_space<semaphore_mem>>) attributes {dimension_semantics = [#tpu.dimension_semantics<core_parallel>, #tpu.dimension_semantics<subcore_parallel>], iteration_bounds = array<i64: 2, 16>, scalar_prefetch = 0 : i64, scratch_operands = 15 : i64, tpu.core_type = #tpu.core_type<sc_vector_subcore>, window_params = [{transform_indices = #map}, {transform_indices = #map1}, {transform_indices = #map1}, {transform_indices = #map1}, {transform_indices = #map}]} {
    %dma_start3A = arith.constant 0 : i32
    %dma_start3A_0 = arith.constant 0 : i32
    %dma_start3A_1 = arith.constant 0 : i32
    %dma_start3A_2 = tpu.memref_slice %arg8[%dma_start3A, %dma_start3A_0, %dma_start3A_1] : memref<2x32x128xi32, #tpu.memory_space<vmem>> -> memref<1x32x128xi32, #tpu.memory_space<vmem>>
    %dma_start3A_3 = tpu.memref_squeeze %dma_start3A_2 : memref<1x32x128xi32, #tpu.memory_space<vmem>> -> memref<32x128xi32, #tpu.memory_space<vmem>>
    %dma_start3A_4 = arith.constant 0 : i32
    %dma_start3A_5 = arith.constant 0 : i32
    %dma_start3A_6 = tpu.memref_slice %arg3[%arg1, %dma_start3A_4, %dma_start3A_5] : memref<16x160x128xi32, #tpu.memory_space<hbm>> -> memref<1x32x128xi32, #tpu.memory_space<hbm>>
    %dma_start3A_7 = tpu.memref_squeeze %dma_start3A_6 : memref<1x32x128xi32, #tpu.memory_space<hbm>> -> memref<32x128xi32, #tpu.memory_space<hbm>>
    %dma_start3A_8 = arith.constant 0 : i32
    %dma_start3A_9 = arith.constant 0 : i32
    %dma_start3A_10 = tpu.memref_slice %arg8[%dma_start3A, %dma_start3A_8, %dma_start3A_9] : memref<2x32x128xi32, #tpu.memory_space<vmem>> -> memref<1x32x128xi32, #tpu.memory_space<vmem>>
    %dma_start3A_11 = tpu.memref_squeeze %dma_start3A_10 : memref<1x32x128xi32, #tpu.memory_space<vmem>> -> memref<32x128xi32, #tpu.memory_space<vmem>>
    %dma_start3A_12 = arith.constant 0 : i32
    %dma_start3A_13 = arith.constant 0 : i32
    %dma_start3A_14 = tpu.memref_slice %arg3[%arg1, %dma_start3A_12, %dma_start3A_13] : memref<16x160x128xi32, #tpu.memory_space<hbm>> -> memref<1x32x128xi32, #tpu.memory_space<hbm>>
    %dma_start3A_15 = tpu.memref_squeeze %dma_start3A_14 : memref<1x32x128xi32, #tpu.memory_space<hbm>> -> memref<32x128xi32, #tpu.memory_space<hbm>>
    tpu.enqueue_dma source(%dma_start3A_15 : memref<32x128xi32, #tpu.memory_space<hbm>>) target(%dma_start3A_11 : memref<32x128xi32, #tpu.memory_space<vmem>>) target_semaphore(%arg20 : memref<!tpu.dma_semaphore, #tpu.memory_space<semaphore_mem>>)
    %dma_start3A_16 = arith.constant 0 : i32
    %dma_start3A_17 = arith.constant 0 : i32
    %dma_start3A_18 = arith.constant 0 : i32
    %dma_start3A_19 = tpu.memref_slice %arg9[%dma_start3A_16, %dma_start3A_17, %dma_start3A_18] : memref<2x32x128xi32, #tpu.memory_space<vmem>> -> memref<1x32x128xi32, #tpu.memory_space<vmem>>
    %dma_start3A_20 = tpu.memref_squeeze %dma_start3A_19 : memref<1x32x128xi32, #tpu.memory_space<vmem>> -> memref<32x128xi32, #tpu.memory_space<vmem>>
    %dma_start3A_21 = arith.constant 0 : i32
    %dma_start3A_22 = arith.constant 0 : i32
    %dma_start3A_23 = tpu.memref_slice %arg4[%arg1, %dma_start3A_21, %dma_start3A_22] : memref<16x160x128xi32, #tpu.memory_space<hbm>> -> memref<1x32x128xi32, #tpu.memory_space<hbm>>
    %dma_start3A_24 = tpu.memref_squeeze %dma_start3A_23 : memref<1x32x128xi32, #tpu.memory_space<hbm>> -> memref<32x128xi32, #tpu.memory_space<hbm>>
    %dma_start3A_25 = arith.constant 0 : i32
    %dma_start3A_26 = arith.constant 0 : i32
    %dma_start3A_27 = tpu.memref_slice %arg9[%dma_start3A_16, %dma_start3A_25, %dma_start3A_26] : memref<2x32x128xi32, #tpu.memory_space<vmem>> -> memref<1x32x128xi32, #tpu.memory_space<vmem>>
    %dma_start3A_28 = tpu.memref_squeeze %dma_start3A_27 : memref<1x32x128xi32, #tpu.memory_space<vmem>> -> memref<32x128xi32, #tpu.memory_space<vmem>>
    %dma_start3A_29 = arith.constant 0 : i32
    %dma_start3A_30 = arith.constant 0 : i32
    %dma_start3A_31 = tpu.memref_slice %arg4[%arg1, %dma_start3A_29, %dma_start3A_30] : memref<16x160x128xi32, #tpu.memory_space<hbm>> -> memref<1x32x128xi32, #tpu.memory_space<hbm>>
    %dma_start3A_32 = tpu.memref_squeeze %dma_start3A_31 : memref<1x32x128xi32, #tpu.memory_space<hbm>> -> memref<32x128xi32, #tpu.memory_space<hbm>>
    tpu.enqueue_dma source(%dma_start3A_32 : memref<32x128xi32, #tpu.memory_space<hbm>>) target(%dma_start3A_28 : memref<32x128xi32, #tpu.memory_space<vmem>>) target_semaphore(%arg21 : memref<!tpu.dma_semaphore, #tpu.memory_space<semaphore_mem>>)
    %lt3A = arith.constant 15 : i32
    %lt3A_33 = arith.cmpi slt, %arg1, %lt3A : i32
    %convert_element_type3A = arith.extui %lt3A_33 : i1 to i32
    %cond3A = arith.constant 0 : i32
    %cond3A_34 = arith.cmpi ne, %convert_element_type3A, %cond3A : i32
    scf.if %cond3A_34 {
      %mul3A_189 = arith.constant 632 : i32
      %mul3A_190 = arith.muli %arg1, %mul3A_189 : i32
      %mul3A_191 = arith.constant 64 : i32
      %mul3A_192 = arith.muli %arg0, %mul3A_191 : i32
      %mul3A_193 = arith.constant 632 : i32
      %mul3A_194 = arith.muli %arg1, %mul3A_193 : i32
      %dma_start3A_195 = arith.constant 0 : i32
      %dma_start3A_196 = tpu.memref_slice %arg11[%mul3A_194, %dma_start3A_195] : memref<10112x64xf32, #tpu.memory_space<vmem_shared>> -> memref<632x64xf32, #tpu.memory_space<vmem_shared>>
      %dma_start3A_197 = tpu.memref_slice %arg2[%mul3A_190, %mul3A_192] : memref<10000x128xf32, #tpu.memory_space<hbm>> -> memref<632x64xf32, #tpu.memory_space<hbm>>
      tpu.enqueue_dma source(%dma_start3A_197 : memref<632x64xf32, #tpu.memory_space<hbm>>) target(%dma_start3A_196 : memref<632x64xf32, #tpu.memory_space<vmem_shared>>) target_semaphore(%arg12 : memref<!tpu.dma_semaphore, #tpu.memory_space<semaphore_mem>>)
    } else {
    }
    %eq3A = arith.constant 15 : i32
    %eq3A_35 = arith.cmpi eq, %arg1, %eq3A : i32
    %convert_element_type3A_36 = arith.extui %eq3A_35 : i1 to i32
    %cond3A_37 = arith.constant 0 : i32
    %cond3A_38 = arith.cmpi ne, %convert_element_type3A_36, %cond3A_37 : i32
    scf.if %cond3A_38 {
      %mul3A_189 = arith.constant 64 : i32
      %mul3A_190 = arith.muli %arg0, %mul3A_189 : i32
      %dma_start3A_191 = arith.constant 9480 : i32
      %dma_start3A_192 = arith.constant 0 : i32
      %dma_start3A_193 = tpu.memref_slice %arg11[%dma_start3A_191, %dma_start3A_192] : memref<10112x64xf32, #tpu.memory_space<vmem_shared>> -> memref<520x64xf32, #tpu.memory_space<vmem_shared>>
      %dma_start3A_194 = arith.constant 9480 : i32
      %dma_start3A_195 = tpu.memref_slice %arg2[%dma_start3A_194, %mul3A_190] : memref<10000x128xf32, #tpu.memory_space<hbm>> -> memref<520x64xf32, #tpu.memory_space<hbm>>
      tpu.enqueue_dma source(%dma_start3A_195 : memref<520x64xf32, #tpu.memory_space<hbm>>) target(%dma_start3A_193 : memref<520x64xf32, #tpu.memory_space<vmem_shared>>) target_semaphore(%arg12 : memref<!tpu.dma_semaphore, #tpu.memory_space<semaphore_mem>>)
    } else {
    }
    %mul3A = arith.constant 632 : i32
    %mul3A_39 = arith.muli %arg1, %mul3A : i32
    %mul3A_40 = arith.constant 632 : i32
    %mul3A_41 = arith.muli %arg1, %mul3A_40 : i32
    %dma_start3A_42 = arith.constant 0 : i32
    %dma_start3A_43 = tpu.memref_slice %arg10[%mul3A_41, %dma_start3A_42] : memref<10112x64xf32, #tpu.memory_space<vmem_shared>> -> memref<632x64xf32, #tpu.memory_space<vmem_shared>>
    %dma_start3A_44 = arith.constant 0 : i32
    %dma_start3A_45 = tpu.memref_slice %arg5[%arg0, %mul3A_39, %dma_start3A_44] : memref<2x10112x64xf32, #tpu.memory_space<hbm>> -> memref<1x632x64xf32, #tpu.memory_space<hbm>>
    %dma_start3A_46 = tpu.memref_squeeze %dma_start3A_45 : memref<1x632x64xf32, #tpu.memory_space<hbm>> -> memref<632x64xf32, #tpu.memory_space<hbm>>
    tpu.enqueue_dma source(%dma_start3A_46 : memref<632x64xf32, #tpu.memory_space<hbm>>) target(%dma_start3A_43 : memref<632x64xf32, #tpu.memory_space<vmem_shared>>) target_semaphore(%arg16 : memref<!tpu.dma_semaphore, #tpu.memory_space<semaphore_mem>>)
    %lt3A_47 = arith.constant 15 : i32
    %lt3A_48 = arith.cmpi slt, %arg1, %lt3A_47 : i32
    %convert_element_type3A_49 = arith.extui %lt3A_48 : i1 to i32
    %cond3A_50 = arith.constant 0 : i32
    %cond3A_51 = arith.cmpi ne, %convert_element_type3A_49, %cond3A_50 : i32
    scf.if %cond3A_51 {
      %mul3A_189 = arith.constant 632 : i32
      %mul3A_190 = arith.muli %arg1, %mul3A_189 : i32
      %mul3A_191 = arith.constant 64 : i32
      %mul3A_192 = arith.muli %arg0, %mul3A_191 : i32
      %mul3A_193 = arith.constant 632 : i32
      %mul3A_194 = arith.muli %arg1, %mul3A_193 : i32
      %dma_wait3A_195 = arith.constant 0 : i32
      %dma_wait3A_196 = tpu.memref_slice %arg11[%mul3A_194, %dma_wait3A_195] : memref<10112x64xf32, #tpu.memory_space<vmem_shared>> -> memref<632x64xf32, #tpu.memory_space<vmem_shared>>
      %dma_wait3A_197 = tpu.memref_slice %arg2[%mul3A_190, %mul3A_192] : memref<10000x128xf32, #tpu.memory_space<hbm>> -> memref<632x64xf32, #tpu.memory_space<hbm>>
      tpu.wait_dma2 semaphore(%arg12 : memref<!tpu.dma_semaphore, #tpu.memory_space<semaphore_mem>>) src(%dma_wait3A_197 : memref<632x64xf32, #tpu.memory_space<hbm>>) dst(%dma_wait3A_196 : memref<632x64xf32, #tpu.memory_space<vmem_shared>>)
    } else {
    }
    %eq3A_52 = arith.constant 15 : i32
    %eq3A_53 = arith.cmpi eq, %arg1, %eq3A_52 : i32
    %convert_element_type3A_54 = arith.extui %eq3A_53 : i1 to i32
    %cond3A_55 = arith.constant 0 : i32
    %cond3A_56 = arith.cmpi ne, %convert_element_type3A_54, %cond3A_55 : i32
    scf.if %cond3A_56 {
      %mul3A_189 = arith.constant 64 : i32
      %mul3A_190 = arith.muli %arg0, %mul3A_189 : i32
      %dma_wait3A_191 = arith.constant 9480 : i32
      %dma_wait3A_192 = arith.constant 0 : i32
      %dma_wait3A_193 = tpu.memref_slice %arg11[%dma_wait3A_191, %dma_wait3A_192] : memref<10112x64xf32, #tpu.memory_space<vmem_shared>> -> memref<520x64xf32, #tpu.memory_space<vmem_shared>>
      %dma_wait3A_194 = arith.constant 9480 : i32
      %dma_wait3A_195 = tpu.memref_slice %arg2[%dma_wait3A_194, %mul3A_190] : memref<10000x128xf32, #tpu.memory_space<hbm>> -> memref<520x64xf32, #tpu.memory_space<hbm>>
      tpu.wait_dma2 semaphore(%arg12 : memref<!tpu.dma_semaphore, #tpu.memory_space<semaphore_mem>>) src(%dma_wait3A_195 : memref<520x64xf32, #tpu.memory_space<hbm>>) dst(%dma_wait3A_193 : memref<520x64xf32, #tpu.memory_space<vmem_shared>>)
    } else {
    }
    %mul3A_57 = arith.constant 632 : i32
    %mul3A_58 = arith.muli %arg1, %mul3A_57 : i32
    %mul3A_59 = arith.constant 632 : i32
    %mul3A_60 = arith.muli %arg1, %mul3A_59 : i32
    %dma_wait3A = arith.constant 0 : i32
    %dma_wait3A_61 = tpu.memref_slice %arg10[%mul3A_60, %dma_wait3A] : memref<10112x64xf32, #tpu.memory_space<vmem_shared>> -> memref<632x64xf32, #tpu.memory_space<vmem_shared>>
    %dma_wait3A_62 = arith.constant 0 : i32
    %dma_wait3A_63 = tpu.memref_slice %arg5[%arg0, %mul3A_58, %dma_wait3A_62] : memref<2x10112x64xf32, #tpu.memory_space<hbm>> -> memref<1x632x64xf32, #tpu.memory_space<hbm>>
    %dma_wait3A_64 = tpu.memref_squeeze %dma_wait3A_63 : memref<1x632x64xf32, #tpu.memory_space<hbm>> -> memref<632x64xf32, #tpu.memory_space<hbm>>
    tpu.wait_dma2 semaphore(%arg16 : memref<!tpu.dma_semaphore, #tpu.memory_space<semaphore_mem>>) src(%dma_wait3A_64 : memref<632x64xf32, #tpu.memory_space<hbm>>) dst(%dma_wait3A_61 : memref<632x64xf32, #tpu.memory_space<vmem_shared>>)
    %dma_wait3A_65 = arith.constant 0 : i32
    %dma_wait3A_66 = arith.constant 0 : i32
    %dma_wait3A_67 = arith.constant 0 : i32
    %dma_wait3A_68 = tpu.memref_slice %arg8[%dma_wait3A_65, %dma_wait3A_66, %dma_wait3A_67] : memref<2x32x128xi32, #tpu.memory_space<vmem>> -> memref<1x32x128xi32, #tpu.memory_space<vmem>>
    %dma_wait3A_69 = tpu.memref_squeeze %dma_wait3A_68 : memref<1x32x128xi32, #tpu.memory_space<vmem>> -> memref<32x128xi32, #tpu.memory_space<vmem>>
    %dma_wait3A_70 = arith.constant 0 : i32
    %dma_wait3A_71 = arith.constant 0 : i32
    %dma_wait3A_72 = tpu.memref_slice %arg3[%arg1, %dma_wait3A_70, %dma_wait3A_71] : memref<16x160x128xi32, #tpu.memory_space<hbm>> -> memref<1x32x128xi32, #tpu.memory_space<hbm>>
    %dma_wait3A_73 = tpu.memref_squeeze %dma_wait3A_72 : memref<1x32x128xi32, #tpu.memory_space<hbm>> -> memref<32x128xi32, #tpu.memory_space<hbm>>
    %dma_wait3A_74 = arith.constant 0 : i32
    %dma_wait3A_75 = arith.constant 0 : i32
    %dma_wait3A_76 = tpu.memref_slice %arg8[%dma_wait3A_65, %dma_wait3A_74, %dma_wait3A_75] : memref<2x32x128xi32, #tpu.memory_space<vmem>> -> memref<1x32x128xi32, #tpu.memory_space<vmem>>
    %dma_wait3A_77 = tpu.memref_squeeze %dma_wait3A_76 : memref<1x32x128xi32, #tpu.memory_space<vmem>> -> memref<32x128xi32, #tpu.memory_space<vmem>>
    %dma_wait3A_78 = arith.constant 0 : i32
    %dma_wait3A_79 = arith.constant 0 : i32
    %dma_wait3A_80 = tpu.memref_slice %arg3[%arg1, %dma_wait3A_78, %dma_wait3A_79] : memref<16x160x128xi32, #tpu.memory_space<hbm>> -> memref<1x32x128xi32, #tpu.memory_space<hbm>>
    %dma_wait3A_81 = tpu.memref_squeeze %dma_wait3A_80 : memref<1x32x128xi32, #tpu.memory_space<hbm>> -> memref<32x128xi32, #tpu.memory_space<hbm>>
    tpu.wait_dma2 semaphore(%arg20 : memref<!tpu.dma_semaphore, #tpu.memory_space<semaphore_mem>>) src(%dma_wait3A_81 : memref<32x128xi32, #tpu.memory_space<hbm>>) dst(%dma_wait3A_77 : memref<32x128xi32, #tpu.memory_space<vmem>>)
    %dma_wait3A_82 = arith.constant 0 : i32
    %dma_wait3A_83 = arith.constant 0 : i32
    %dma_wait3A_84 = arith.constant 0 : i32
    %dma_wait3A_85 = tpu.memref_slice %arg9[%dma_wait3A_82, %dma_wait3A_83, %dma_wait3A_84] : memref<2x32x128xi32, #tpu.memory_space<vmem>> -> memref<1x32x128xi32, #tpu.memory_space<vmem>>
    %dma_wait3A_86 = tpu.memref_squeeze %dma_wait3A_85 : memref<1x32x128xi32, #tpu.memory_space<vmem>> -> memref<32x128xi32, #tpu.memory_space<vmem>>
    %dma_wait3A_87 = arith.constant 0 : i32
    %dma_wait3A_88 = arith.constant 0 : i32
    %dma_wait3A_89 = tpu.memref_slice %arg4[%arg1, %dma_wait3A_87, %dma_wait3A_88] : memref<16x160x128xi32, #tpu.memory_space<hbm>> -> memref<1x32x128xi32, #tpu.memory_space<hbm>>
    %dma_wait3A_90 = tpu.memref_squeeze %dma_wait3A_89 : memref<1x32x128xi32, #tpu.memory_space<hbm>> -> memref<32x128xi32, #tpu.memory_space<hbm>>
    %dma_wait3A_91 = arith.constant 0 : i32
    %dma_wait3A_92 = arith.constant 0 : i32
    %dma_wait3A_93 = tpu.memref_slice %arg9[%dma_wait3A_82, %dma_wait3A_91, %dma_wait3A_92] : memref<2x32x128xi32, #tpu.memory_space<vmem>> -> memref<1x32x128xi32, #tpu.memory_space<vmem>>
    %dma_wait3A_94 = tpu.memref_squeeze %dma_wait3A_93 : memref<1x32x128xi32, #tpu.memory_space<vmem>> -> memref<32x128xi32, #tpu.memory_space<vmem>>
    %dma_wait3A_95 = arith.constant 0 : i32
    %dma_wait3A_96 = arith.constant 0 : i32
    %dma_wait3A_97 = tpu.memref_slice %arg4[%arg1, %dma_wait3A_95, %dma_wait3A_96] : memref<16x160x128xi32, #tpu.memory_space<hbm>> -> memref<1x32x128xi32, #tpu.memory_space<hbm>>
    %dma_wait3A_98 = tpu.memref_squeeze %dma_wait3A_97 : memref<1x32x128xi32, #tpu.memory_space<hbm>> -> memref<32x128xi32, #tpu.memory_space<hbm>>
    tpu.wait_dma2 semaphore(%arg21 : memref<!tpu.dma_semaphore, #tpu.memory_space<semaphore_mem>>) src(%dma_wait3A_98 : memref<32x128xi32, #tpu.memory_space<hbm>>) dst(%dma_wait3A_94 : memref<32x128xi32, #tpu.memory_space<vmem>>)
    %barrier3A = arith.constant 0 : index
    tpu.barrier barrier_id(%barrier3A)
    %div3A = arith.constant 0 : i32
    %div3A_99 = arith.constant 32 : i32
    %div3A_100 = arith.divsi %div3A, %div3A_99 : i32
    %rem3A = arith.constant 2 : i32
    %rem3A_101 = arith.remsi %div3A_100, %rem3A : i32
    %rem3A_102 = arith.constant 0 : i32
    %rem3A_103 = arith.constant 32 : i32
    %rem3A_104 = arith.remsi %rem3A_102, %rem3A_103 : i32
    %dma_start3A_105 = arith.constant 0 : i32
    %dma_start3A_106 = arith.constant 0 : i32
    %dma_start3A_107 = arith.constant 0 : i32
    %dma_start3A_108 = tpu.memref_slice %arg7[%dma_start3A_105, %dma_start3A_106, %dma_start3A_107] : memref<4x128x64xf32, #tpu.memory_space<vmem>> -> memref<1x128x64xf32, #tpu.memory_space<vmem>>
    %dma_start3A_109 = tpu.memref_squeeze %dma_start3A_108 : memref<1x128x64xf32, #tpu.memory_space<vmem>> -> memref<128x64xf32, #tpu.memory_space<vmem>>
    %dma_start3A_110 = arith.constant 0 : i32
    %dma_start3A_111 = tpu.memref_slice %arg8[%rem3A_101, %rem3A_104, %dma_start3A_110] : memref<2x32x128xi32, #tpu.memory_space<vmem>> -> memref<1x1x128xi32, #tpu.memory_space<vmem>>
    %dma_start3A_112 = tpu.memref_squeeze %dma_start3A_111 : memref<1x1x128xi32, #tpu.memory_space<vmem>> -> memref<128xi32, #tpu.memory_space<vmem>>
    %dma_start3A_113 = arith.constant 0 : i32
    %dma_start3A_114 = arith.constant 0 : i32
    %dma_start3A_115 = tpu.memref_slice %arg11[%dma_start3A_113, %dma_start3A_114] : memref<10112x64xf32, #tpu.memory_space<vmem_shared>> -> memref<10112x64xf32, #tpu.memory_space<vmem_shared>>
    tpu.enqueue_indirect_dma source(%dma_start3A_115 : memref<10112x64xf32, #tpu.memory_space<vmem_shared>>) target(%dma_start3A_109 : memref<128x64xf32, #tpu.memory_space<vmem>>) offsets(%dma_start3A_112 : memref<128xi32, #tpu.memory_space<vmem>>) semaphore(%arg12 : memref<!tpu.dma_semaphore, #tpu.memory_space<semaphore_mem>>)
    %div3A_116 = arith.constant 1 : i32
    %div3A_117 = arith.constant 32 : i32
    %div3A_118 = arith.divsi %div3A_116, %div3A_117 : i32
    %rem3A_119 = arith.constant 2 : i32
    %rem3A_120 = arith.remsi %div3A_118, %rem3A_119 : i32
    %rem3A_121 = arith.constant 1 : i32
    %rem3A_122 = arith.constant 32 : i32
    %rem3A_123 = arith.remsi %rem3A_121, %rem3A_122 : i32
    %dma_start3A_124 = arith.constant 1 : i32
    %dma_start3A_125 = arith.constant 0 : i32
    %dma_start3A_126 = arith.constant 0 : i32
    %dma_start3A_127 = tpu.memref_slice %arg7[%dma_start3A_124, %dma_start3A_125, %dma_start3A_126] : memref<4x128x64xf32, #tpu.memory_space<vmem>> -> memref<1x128x64xf32, #tpu.memory_space<vmem>>
    %dma_start3A_128 = tpu.memref_squeeze %dma_start3A_127 : memref<1x128x64xf32, #tpu.memory_space<vmem>> -> memref<128x64xf32, #tpu.memory_space<vmem>>
    %dma_start3A_129 = arith.constant 0 : i32
    %dma_start3A_130 = tpu.memref_slice %arg8[%rem3A_120, %rem3A_123, %dma_start3A_129] : memref<2x32x128xi32, #tpu.memory_space<vmem>> -> memref<1x1x128xi32, #tpu.memory_space<vmem>>
    %dma_start3A_131 = tpu.memref_squeeze %dma_start3A_130 : memref<1x1x128xi32, #tpu.memory_space<vmem>> -> memref<128xi32, #tpu.memory_space<vmem>>
    %dma_start3A_132 = arith.constant 0 : i32
    %dma_start3A_133 = arith.constant 0 : i32
    %dma_start3A_134 = tpu.memref_slice %arg11[%dma_start3A_132, %dma_start3A_133] : memref<10112x64xf32, #tpu.memory_space<vmem_shared>> -> memref<10112x64xf32, #tpu.memory_space<vmem_shared>>
    tpu.enqueue_indirect_dma source(%dma_start3A_134 : memref<10112x64xf32, #tpu.memory_space<vmem_shared>>) target(%dma_start3A_128 : memref<128x64xf32, #tpu.memory_space<vmem>>) offsets(%dma_start3A_131 : memref<128xi32, #tpu.memory_space<vmem>>) semaphore(%arg13 : memref<!tpu.dma_semaphore, #tpu.memory_space<semaphore_mem>>)
    %scan3A = arith.constant 0 : i32
    %scan3A_135 = arith.constant 0 : i32
    %scan3A_136 = arith.constant 40 : i32
    %scan3A_137 = arith.addi %scan3A_135, %scan3A_136 : i32
    %scan3A_138 = arith.constant 1 : i32
    scf.for %scan3A_189 = %scan3A_135 to %scan3A_137 step %scan3A_138  : i32 {
      %mul3A_190 = arith.constant 4 : i32
      %mul3A_191 = arith.muli %scan3A_189, %mul3A_190 : i32
      %add3A = arith.constant 0 : i32
      %add3A_192 = arith.addi %mul3A_191, %add3A : i32
      %add3A_193 = arith.constant 2 : i32
      %add3A_194 = arith.addi %add3A_192, %add3A_193 : i32
      %ge3A = arith.constant 4 : i32
      %ge3A_195 = arith.cmpi sge, %add3A_194, %ge3A : i32
      %convert_element_type3A_196 = arith.extui %ge3A_195 : i1 to i32
      %cond3A_197 = arith.constant 0 : i32
      %cond3A_198 = arith.cmpi ne, %convert_element_type3A_196, %cond3A_197 : i32
      scf.if %cond3A_198 {
        %sub3A = arith.constant 2 : i32
        %sub3A_410 = arith.subi %add3A_192, %sub3A : i32
        %div3A_411 = arith.constant 32 : i32
        %div3A_412 = arith.divsi %sub3A_410, %div3A_411 : i32
        %rem3A_413 = arith.constant 2 : i32
        %rem3A_414 = arith.remsi %div3A_412, %rem3A_413 : i32
        %rem3A_415 = arith.constant 32 : i32
        %rem3A_416 = arith.remsi %sub3A_410, %rem3A_415 : i32
        %dma_wait3A_417 = arith.constant 2 : i32
        %dma_wait3A_418 = arith.constant 0 : i32
        %dma_wait3A_419 = arith.constant 0 : i32
        %dma_wait3A_420 = tpu.memref_slice %arg7[%dma_wait3A_417, %dma_wait3A_418, %dma_wait3A_419] : memref<4x128x64xf32, #tpu.memory_space<vmem>> -> memref<1x128x64xf32, #tpu.memory_space<vmem>>
        %dma_wait3A_421 = tpu.memref_squeeze %dma_wait3A_420 : memref<1x128x64xf32, #tpu.memory_space<vmem>> -> memref<128x64xf32, #tpu.memory_space<vmem>>
        %dma_wait3A_422 = arith.constant 0 : i32
        %dma_wait3A_423 = tpu.memref_slice %arg9[%rem3A_414, %rem3A_416, %dma_wait3A_422] : memref<2x32x128xi32, #tpu.memory_space<vmem>> -> memref<1x1x128xi32, #tpu.memory_space<vmem>>
        %dma_wait3A_424 = tpu.memref_squeeze %dma_wait3A_423 : memref<1x1x128xi32, #tpu.memory_space<vmem>> -> memref<128xi32, #tpu.memory_space<vmem>>
        %dma_wait3A_425 = arith.constant 0 : i32
        %dma_wait3A_426 = arith.constant 0 : i32
        %dma_wait3A_427 = tpu.memref_slice %arg10[%dma_wait3A_425, %dma_wait3A_426] : memref<10112x64xf32, #tpu.memory_space<vmem_shared>> -> memref<10112x64xf32, #tpu.memory_space<vmem_shared>>
        tpu.wait_indirect_dma semaphore(%arg18 : memref<!tpu.dma_semaphore, #tpu.memory_space<semaphore_mem>>) src(%dma_wait3A_421 : memref<128x64xf32, #tpu.memory_space<vmem>>) dst(%dma_wait3A_427 : memref<10112x64xf32, #tpu.memory_space<vmem_shared>>)
      } else {
      }
      %add3A_199 = arith.constant 2 : i32
      %add3A_200 = arith.addi %add3A_192, %add3A_199 : i32
      %lt3A_201 = arith.constant 160 : i32
      %lt3A_202 = arith.cmpi slt, %add3A_200, %lt3A_201 : i32
      %convert_element_type3A_203 = arith.extui %lt3A_202 : i1 to i32
      %cond3A_204 = arith.constant 0 : i32
      %cond3A_205 = arith.cmpi ne, %convert_element_type3A_203, %cond3A_204 : i32
      scf.if %cond3A_205 {
        %add3A_410 = arith.constant 2 : i32
        %add3A_411 = arith.addi %add3A_192, %add3A_410 : i32
        %div3A_412 = arith.constant 32 : i32
        %div3A_413 = arith.divsi %add3A_411, %div3A_412 : i32
        %rem3A_414 = arith.constant 2 : i32
        %rem3A_415 = arith.remsi %div3A_413, %rem3A_414 : i32
        %rem3A_416 = arith.constant 32 : i32
        %rem3A_417 = arith.remsi %add3A_411, %rem3A_416 : i32
        %dma_start3A_418 = arith.constant 2 : i32
        %dma_start3A_419 = arith.constant 0 : i32
        %dma_start3A_420 = arith.constant 0 : i32
        %dma_start3A_421 = tpu.memref_slice %arg7[%dma_start3A_418, %dma_start3A_419, %dma_start3A_420] : memref<4x128x64xf32, #tpu.memory_space<vmem>> -> memref<1x128x64xf32, #tpu.memory_space<vmem>>
        %dma_start3A_422 = tpu.memref_squeeze %dma_start3A_421 : memref<1x128x64xf32, #tpu.memory_space<vmem>> -> memref<128x64xf32, #tpu.memory_space<vmem>>
        %dma_start3A_423 = arith.constant 0 : i32
        %dma_start3A_424 = tpu.memref_slice %arg8[%rem3A_415, %rem3A_417, %dma_start3A_423] : memref<2x32x128xi32, #tpu.memory_space<vmem>> -> memref<1x1x128xi32, #tpu.memory_space<vmem>>
        %dma_start3A_425 = tpu.memref_squeeze %dma_start3A_424 : memref<1x1x128xi32, #tpu.memory_space<vmem>> -> memref<128xi32, #tpu.memory_space<vmem>>
        %dma_start3A_426 = arith.constant 0 : i32
        %dma_start3A_427 = arith.constant 0 : i32
        %dma_start3A_428 = tpu.memref_slice %arg11[%dma_start3A_426, %dma_start3A_427] : memref<10112x64xf32, #tpu.memory_space<vmem_shared>> -> memref<10112x64xf32, #tpu.memory_space<vmem_shared>>
        tpu.enqueue_indirect_dma source(%dma_start3A_428 : memref<10112x64xf32, #tpu.memory_space<vmem_shared>>) target(%dma_start3A_422 : memref<128x64xf32, #tpu.memory_space<vmem>>) offsets(%dma_start3A_425 : memref<128xi32, #tpu.memory_space<vmem>>) semaphore(%arg14 : memref<!tpu.dma_semaphore, #tpu.memory_space<semaphore_mem>>)
      } else {
      }
      %div3A_206 = arith.constant 32 : i32
      %div3A_207 = arith.divsi %add3A_192, %div3A_206 : i32
      %rem3A_208 = arith.constant 2 : i32
      %rem3A_209 = arith.remsi %div3A_207, %rem3A_208 : i32
      %rem3A_210 = arith.constant 32 : i32
      %rem3A_211 = arith.remsi %add3A_192, %rem3A_210 : i32
      %dma_wait3A_212 = arith.constant 0 : i32
      %dma_wait3A_213 = arith.constant 0 : i32
      %dma_wait3A_214 = arith.constant 0 : i32
      %dma_wait3A_215 = tpu.memref_slice %arg7[%dma_wait3A_212, %dma_wait3A_213, %dma_wait3A_214] : memref<4x128x64xf32, #tpu.memory_space<vmem>> -> memref<1x128x64xf32, #tpu.memory_space<vmem>>
      %dma_wait3A_216 = tpu.memref_squeeze %dma_wait3A_215 : memref<1x128x64xf32, #tpu.memory_space<vmem>> -> memref<128x64xf32, #tpu.memory_space<vmem>>
      %dma_wait3A_217 = arith.constant 0 : i32
      %dma_wait3A_218 = tpu.memref_slice %arg8[%rem3A_209, %rem3A_211, %dma_wait3A_217] : memref<2x32x128xi32, #tpu.memory_space<vmem>> -> memref<1x1x128xi32, #tpu.memory_space<vmem>>
      %dma_wait3A_219 = tpu.memref_squeeze %dma_wait3A_218 : memref<1x1x128xi32, #tpu.memory_space<vmem>> -> memref<128xi32, #tpu.memory_space<vmem>>
      %dma_wait3A_220 = arith.constant 0 : i32
      %dma_wait3A_221 = arith.constant 0 : i32
      %dma_wait3A_222 = tpu.memref_slice %arg11[%dma_wait3A_220, %dma_wait3A_221] : memref<10112x64xf32, #tpu.memory_space<vmem_shared>> -> memref<10112x64xf32, #tpu.memory_space<vmem_shared>>
      tpu.wait_indirect_dma semaphore(%arg12 : memref<!tpu.dma_semaphore, #tpu.memory_space<semaphore_mem>>) src(%dma_wait3A_222 : memref<10112x64xf32, #tpu.memory_space<vmem_shared>>) dst(%dma_wait3A_216 : memref<128x64xf32, #tpu.memory_space<vmem>>)
      %div3A_223 = arith.constant 32 : i32
      %div3A_224 = arith.divsi %add3A_192, %div3A_223 : i32
      %rem3A_225 = arith.constant 2 : i32
      %rem3A_226 = arith.remsi %div3A_224, %rem3A_225 : i32
      %rem3A_227 = arith.constant 32 : i32
      %rem3A_228 = arith.remsi %add3A_192, %rem3A_227 : i32
      %dma_start3A_229 = arith.constant 0 : i32
      %dma_start3A_230 = arith.constant 0 : i32
      %dma_start3A_231 = arith.constant 0 : i32
      %dma_start3A_232 = tpu.memref_slice %arg7[%dma_start3A_229, %dma_start3A_230, %dma_start3A_231] : memref<4x128x64xf32, #tpu.memory_space<vmem>> -> memref<1x128x64xf32, #tpu.memory_space<vmem>>
      %dma_start3A_233 = tpu.memref_squeeze %dma_start3A_232 : memref<1x128x64xf32, #tpu.memory_space<vmem>> -> memref<128x64xf32, #tpu.memory_space<vmem>>
      %dma_start3A_234 = arith.constant 0 : i32
      %dma_start3A_235 = tpu.memref_slice %arg9[%rem3A_226, %rem3A_228, %dma_start3A_234] : memref<2x32x128xi32, #tpu.memory_space<vmem>> -> memref<1x1x128xi32, #tpu.memory_space<vmem>>
      %dma_start3A_236 = tpu.memref_squeeze %dma_start3A_235 : memref<1x1x128xi32, #tpu.memory_space<vmem>> -> memref<128xi32, #tpu.memory_space<vmem>>
      %dma_start3A_237 = arith.constant 0 : i32
      %dma_start3A_238 = arith.constant 0 : i32
      %dma_start3A_239 = tpu.memref_slice %arg10[%dma_start3A_237, %dma_start3A_238] : memref<10112x64xf32, #tpu.memory_space<vmem_shared>> -> memref<10112x64xf32, #tpu.memory_space<vmem_shared>>
      tpu.enqueue_indirect_dma source(%dma_start3A_233 : memref<128x64xf32, #tpu.memory_space<vmem>>) target(%dma_start3A_239 : memref<10112x64xf32, #tpu.memory_space<vmem_shared>>) offsets(%dma_start3A_236 : memref<128xi32, #tpu.memory_space<vmem>>) semaphore(%arg16 : memref<!tpu.dma_semaphore, #tpu.memory_space<semaphore_mem>>) {add = true}
      %mul3A_240 = arith.constant 4 : i32
      %mul3A_241 = arith.muli %scan3A_189, %mul3A_240 : i32
      %add3A_242 = arith.constant 1 : i32
      %add3A_243 = arith.addi %mul3A_241, %add3A_242 : i32
      %add3A_244 = arith.constant 2 : i32
      %add3A_245 = arith.addi %add3A_243, %add3A_244 : i32
      %ge3A_246 = arith.constant 4 : i32
      %ge3A_247 = arith.cmpi sge, %add3A_245, %ge3A_246 : i32
      %convert_element_type3A_248 = arith.extui %ge3A_247 : i1 to i32
      %cond3A_249 = arith.constant 0 : i32
      %cond3A_250 = arith.cmpi ne, %convert_element_type3A_248, %cond3A_249 : i32
      scf.if %cond3A_250 {
        %sub3A = arith.constant 2 : i32
        %sub3A_410 = arith.subi %add3A_243, %sub3A : i32
        %div3A_411 = arith.constant 32 : i32
        %div3A_412 = arith.divsi %sub3A_410, %div3A_411 : i32
        %rem3A_413 = arith.constant 2 : i32
        %rem3A_414 = arith.remsi %div3A_412, %rem3A_413 : i32
        %rem3A_415 = arith.constant 32 : i32
        %rem3A_416 = arith.remsi %sub3A_410, %rem3A_415 : i32
        %dma_wait3A_417 = arith.constant 3 : i32
        %dma_wait3A_418 = arith.constant 0 : i32
        %dma_wait3A_419 = arith.constant 0 : i32
        %dma_wait3A_420 = tpu.memref_slice %arg7[%dma_wait3A_417, %dma_wait3A_418, %dma_wait3A_419] : memref<4x128x64xf32, #tpu.memory_space<vmem>> -> memref<1x128x64xf32, #tpu.memory_space<vmem>>
        %dma_wait3A_421 = tpu.memref_squeeze %dma_wait3A_420 : memref<1x128x64xf32, #tpu.memory_space<vmem>> -> memref<128x64xf32, #tpu.memory_space<vmem>>
        %dma_wait3A_422 = arith.constant 0 : i32
        %dma_wait3A_423 = tpu.memref_slice %arg9[%rem3A_414, %rem3A_416, %dma_wait3A_422] : memref<2x32x128xi32, #tpu.memory_space<vmem>> -> memref<1x1x128xi32, #tpu.memory_space<vmem>>
        %dma_wait3A_424 = tpu.memref_squeeze %dma_wait3A_423 : memref<1x1x128xi32, #tpu.memory_space<vmem>> -> memref<128xi32, #tpu.memory_space<vmem>>
        %dma_wait3A_425 = arith.constant 0 : i32
        %dma_wait3A_426 = arith.constant 0 : i32
        %dma_wait3A_427 = tpu.memref_slice %arg10[%dma_wait3A_425, %dma_wait3A_426] : memref<10112x64xf32, #tpu.memory_space<vmem_shared>> -> memref<10112x64xf32, #tpu.memory_space<vmem_shared>>
        tpu.wait_indirect_dma semaphore(%arg19 : memref<!tpu.dma_semaphore, #tpu.memory_space<semaphore_mem>>) src(%dma_wait3A_421 : memref<128x64xf32, #tpu.memory_space<vmem>>) dst(%dma_wait3A_427 : memref<10112x64xf32, #tpu.memory_space<vmem_shared>>)
      } else {
      }
      %add3A_251 = arith.constant 2 : i32
      %add3A_252 = arith.addi %add3A_243, %add3A_251 : i32
      %lt3A_253 = arith.constant 160 : i32
      %lt3A_254 = arith.cmpi slt, %add3A_252, %lt3A_253 : i32
      %convert_element_type3A_255 = arith.extui %lt3A_254 : i1 to i32
      %cond3A_256 = arith.constant 0 : i32
      %cond3A_257 = arith.cmpi ne, %convert_element_type3A_255, %cond3A_256 : i32
      scf.if %cond3A_257 {
        %add3A_410 = arith.constant 2 : i32
        %add3A_411 = arith.addi %add3A_243, %add3A_410 : i32
        %div3A_412 = arith.constant 32 : i32
        %div3A_413 = arith.divsi %add3A_411, %div3A_412 : i32
        %rem3A_414 = arith.constant 2 : i32
        %rem3A_415 = arith.remsi %div3A_413, %rem3A_414 : i32
        %rem3A_416 = arith.constant 32 : i32
        %rem3A_417 = arith.remsi %add3A_411, %rem3A_416 : i32
        %dma_start3A_418 = arith.constant 3 : i32
        %dma_start3A_419 = arith.constant 0 : i32
        %dma_start3A_420 = arith.constant 0 : i32
        %dma_start3A_421 = tpu.memref_slice %arg7[%dma_start3A_418, %dma_start3A_419, %dma_start3A_420] : memref<4x128x64xf32, #tpu.memory_space<vmem>> -> memref<1x128x64xf32, #tpu.memory_space<vmem>>
        %dma_start3A_422 = tpu.memref_squeeze %dma_start3A_421 : memref<1x128x64xf32, #tpu.memory_space<vmem>> -> memref<128x64xf32, #tpu.memory_space<vmem>>
        %dma_start3A_423 = arith.constant 0 : i32
        %dma_start3A_424 = tpu.memref_slice %arg8[%rem3A_415, %rem3A_417, %dma_start3A_423] : memref<2x32x128xi32, #tpu.memory_space<vmem>> -> memref<1x1x128xi32, #tpu.memory_space<vmem>>
        %dma_start3A_425 = tpu.memref_squeeze %dma_start3A_424 : memref<1x1x128xi32, #tpu.memory_space<vmem>> -> memref<128xi32, #tpu.memory_space<vmem>>
        %dma_start3A_426 = arith.constant 0 : i32
        %dma_start3A_427 = arith.constant 0 : i32
        %dma_start3A_428 = tpu.memref_slice %arg11[%dma_start3A_426, %dma_start3A_427] : memref<10112x64xf32, #tpu.memory_space<vmem_shared>> -> memref<10112x64xf32, #tpu.memory_space<vmem_shared>>
        tpu.enqueue_indirect_dma source(%dma_start3A_428 : memref<10112x64xf32, #tpu.memory_space<vmem_shared>>) target(%dma_start3A_422 : memref<128x64xf32, #tpu.memory_space<vmem>>) offsets(%dma_start3A_425 : memref<128xi32, #tpu.memory_space<vmem>>) semaphore(%arg15 : memref<!tpu.dma_semaphore, #tpu.memory_space<semaphore_mem>>)
      } else {
      }
      %div3A_258 = arith.constant 32 : i32
      %div3A_259 = arith.divsi %add3A_243, %div3A_258 : i32
      %rem3A_260 = arith.constant 2 : i32
      %rem3A_261 = arith.remsi %div3A_259, %rem3A_260 : i32
      %rem3A_262 = arith.constant 32 : i32
      %rem3A_263 = arith.remsi %add3A_243, %rem3A_262 : i32
      %dma_wait3A_264 = arith.constant 1 : i32
      %dma_wait3A_265 = arith.constant 0 : i32
      %dma_wait3A_266 = arith.constant 0 : i32
      %dma_wait3A_267 = tpu.memref_slice %arg7[%dma_wait3A_264, %dma_wait3A_265, %dma_wait3A_266] : memref<4x128x64xf32, #tpu.memory_space<vmem>> -> memref<1x128x64xf32, #tpu.memory_space<vmem>>
      %dma_wait3A_268 = tpu.memref_squeeze %dma_wait3A_267 : memref<1x128x64xf32, #tpu.memory_space<vmem>> -> memref<128x64xf32, #tpu.memory_space<vmem>>
      %dma_wait3A_269 = arith.constant 0 : i32
      %dma_wait3A_270 = tpu.memref_slice %arg8[%rem3A_261, %rem3A_263, %dma_wait3A_269] : memref<2x32x128xi32, #tpu.memory_space<vmem>> -> memref<1x1x128xi32, #tpu.memory_space<vmem>>
      %dma_wait3A_271 = tpu.memref_squeeze %dma_wait3A_270 : memref<1x1x128xi32, #tpu.memory_space<vmem>> -> memref<128xi32, #tpu.memory_space<vmem>>
      %dma_wait3A_272 = arith.constant 0 : i32
      %dma_wait3A_273 = arith.constant 0 : i32
      %dma_wait3A_274 = tpu.memref_slice %arg11[%dma_wait3A_272, %dma_wait3A_273] : memref<10112x64xf32, #tpu.memory_space<vmem_shared>> -> memref<10112x64xf32, #tpu.memory_space<vmem_shared>>
      tpu.wait_indirect_dma semaphore(%arg13 : memref<!tpu.dma_semaphore, #tpu.memory_space<semaphore_mem>>) src(%dma_wait3A_274 : memref<10112x64xf32, #tpu.memory_space<vmem_shared>>) dst(%dma_wait3A_268 : memref<128x64xf32, #tpu.memory_space<vmem>>)
      %div3A_275 = arith.constant 32 : i32
      %div3A_276 = arith.divsi %add3A_243, %div3A_275 : i32
      %rem3A_277 = arith.constant 2 : i32
      %rem3A_278 = arith.remsi %div3A_276, %rem3A_277 : i32
      %rem3A_279 = arith.constant 32 : i32
      %rem3A_280 = arith.remsi %add3A_243, %rem3A_279 : i32
      %dma_start3A_281 = arith.constant 1 : i32
      %dma_start3A_282 = arith.constant 0 : i32
      %dma_start3A_283 = arith.constant 0 : i32
      %dma_start3A_284 = tpu.memref_slice %arg7[%dma_start3A_281, %dma_start3A_282, %dma_start3A_283] : memref<4x128x64xf32, #tpu.memory_space<vmem>> -> memref<1x128x64xf32, #tpu.memory_space<vmem>>
      %dma_start3A_285 = tpu.memref_squeeze %dma_start3A_284 : memref<1x128x64xf32, #tpu.memory_space<vmem>> -> memref<128x64xf32, #tpu.memory_space<vmem>>
      %dma_start3A_286 = arith.constant 0 : i32
      %dma_start3A_287 = tpu.memref_slice %arg9[%rem3A_278, %rem3A_280, %dma_start3A_286] : memref<2x32x128xi32, #tpu.memory_space<vmem>> -> memref<1x1x128xi32, #tpu.memory_space<vmem>>
      %dma_start3A_288 = tpu.memref_squeeze %dma_start3A_287 : memref<1x1x128xi32, #tpu.memory_space<vmem>> -> memref<128xi32, #tpu.memory_space<vmem>>
      %dma_start3A_289 = arith.constant 0 : i32
      %dma_start3A_290 = arith.constant 0 : i32
      %dma_start3A_291 = tpu.memref_slice %arg10[%dma_start3A_289, %dma_start3A_290] : memref<10112x64xf32, #tpu.memory_space<vmem_shared>> -> memref<10112x64xf32, #tpu.memory_space<vmem_shared>>
      tpu.enqueue_indirect_dma source(%dma_start3A_285 : memref<128x64xf32, #tpu.memory_space<vmem>>) target(%dma_start3A_291 : memref<10112x64xf32, #tpu.memory_space<vmem_shared>>) offsets(%dma_start3A_288 : memref<128xi32, #tpu.memory_space<vmem>>) semaphore(%arg17 : memref<!tpu.dma_semaphore, #tpu.memory_space<semaphore_mem>>) {add = true}
      %mul3A_292 = arith.constant 4 : i32
      %mul3A_293 = arith.muli %scan3A_189, %mul3A_292 : i32
      %add3A_294 = arith.constant 2 : i32
      %add3A_295 = arith.addi %mul3A_293, %add3A_294 : i32
      %rem3A_296 = arith.constant 32 : i32
      %rem3A_297 = arith.remsi %add3A_295, %rem3A_296 : i32
      %eq3A_298 = arith.constant 2 : i32
      %eq3A_299 = arith.cmpi eq, %rem3A_297, %eq3A_298 : i32
      %convert_element_type3A_300 = arith.extui %eq3A_299 : i1 to i32
      %cond3A_301 = arith.constant 0 : i32
      %cond3A_302 = arith.cmpi ne, %convert_element_type3A_300, %cond3A_301 : i32
      scf.if %cond3A_302 {
        %div3A_410 = arith.constant 32 : i32
        %div3A_411 = arith.divsi %add3A_295, %div3A_410 : i32
        %add3A_412 = arith.constant 1 : i32
        %add3A_413 = arith.addi %div3A_411, %add3A_412 : i32
        %mul3A_414 = arith.constant 32 : i32
        %mul3A_415 = arith.muli %add3A_413, %mul3A_414 : i32
        %div3A_416 = arith.constant 32 : i32
        %div3A_417 = arith.divsi %add3A_295, %div3A_416 : i32
        %add3A_418 = arith.constant 1 : i32
        %add3A_419 = arith.addi %div3A_417, %add3A_418 : i32
        %rem3A_420 = arith.constant 2 : i32
        %rem3A_421 = arith.remsi %add3A_419, %rem3A_420 : i32
        %lt3A_422 = arith.constant 160 : i32
        %lt3A_423 = arith.cmpi slt, %mul3A_415, %lt3A_422 : i32
        %convert_element_type3A_424 = arith.extui %lt3A_423 : i1 to i32
        %cond3A_425 = arith.constant 0 : i32
        %cond3A_426 = arith.cmpi ne, %convert_element_type3A_424, %cond3A_425 : i32
        scf.if %cond3A_426 {
          %multiple_of3A = tpu.assume_multiple %mul3A_415, 32 : i32
          %dma_start3A_427 = arith.constant 0 : i32
          %dma_start3A_428 = arith.constant 0 : i32
          %dma_start3A_429 = tpu.memref_slice %arg8[%rem3A_421, %dma_start3A_427, %dma_start3A_428] : memref<2x32x128xi32, #tpu.memory_space<vmem>> -> memref<1x32x128xi32, #tpu.memory_space<vmem>>
          %dma_start3A_430 = tpu.memref_squeeze %dma_start3A_429 : memref<1x32x128xi32, #tpu.memory_space<vmem>> -> memref<32x128xi32, #tpu.memory_space<vmem>>
          %dma_start3A_431 = arith.constant 0 : i32
          %dma_start3A_432 = tpu.memref_slice %arg3[%arg1, %multiple_of3A, %dma_start3A_431] : memref<16x160x128xi32, #tpu.memory_space<hbm>> -> memref<1x32x128xi32, #tpu.memory_space<hbm>>
          %dma_start3A_433 = tpu.memref_squeeze %dma_start3A_432 : memref<1x32x128xi32, #tpu.memory_space<hbm>> -> memref<32x128xi32, #tpu.memory_space<hbm>>
          %dma_start3A_434 = arith.constant 0 : i32
          %dma_start3A_435 = arith.constant 0 : i32
          %dma_start3A_436 = tpu.memref_slice %arg8[%rem3A_421, %dma_start3A_434, %dma_start3A_435] : memref<2x32x128xi32, #tpu.memory_space<vmem>> -> memref<1x32x128xi32, #tpu.memory_space<vmem>>
          %dma_start3A_437 = tpu.memref_squeeze %dma_start3A_436 : memref<1x32x128xi32, #tpu.memory_space<vmem>> -> memref<32x128xi32, #tpu.memory_space<vmem>>
          %dma_start3A_438 = arith.constant 0 : i32
          %dma_start3A_439 = tpu.memref_slice %arg3[%arg1, %multiple_of3A, %dma_start3A_438] : memref<16x160x128xi32, #tpu.memory_space<hbm>> -> memref<1x32x128xi32, #tpu.memory_space<hbm>>
          %dma_start3A_440 = tpu.memref_squeeze %dma_start3A_439 : memref<1x32x128xi32, #tpu.memory_space<hbm>> -> memref<32x128xi32, #tpu.memory_space<hbm>>
          tpu.enqueue_dma source(%dma_start3A_440 : memref<32x128xi32, #tpu.memory_space<hbm>>) target(%dma_start3A_437 : memref<32x128xi32, #tpu.memory_space<vmem>>) target_semaphore(%arg20 : memref<!tpu.dma_semaphore, #tpu.memory_space<semaphore_mem>>)
          %multiple_of3A_441 = tpu.assume_multiple %mul3A_415, 32 : i32
          %dma_start3A_442 = arith.constant 0 : i32
          %dma_start3A_443 = arith.constant 0 : i32
          %dma_start3A_444 = tpu.memref_slice %arg9[%rem3A_421, %dma_start3A_442, %dma_start3A_443] : memref<2x32x128xi32, #tpu.memory_space<vmem>> -> memref<1x32x128xi32, #tpu.memory_space<vmem>>
          %dma_start3A_445 = tpu.memref_squeeze %dma_start3A_444 : memref<1x32x128xi32, #tpu.memory_space<vmem>> -> memref<32x128xi32, #tpu.memory_space<vmem>>
          %dma_start3A_446 = arith.constant 0 : i32
          %dma_start3A_447 = tpu.memref_slice %arg4[%arg1, %multiple_of3A_441, %dma_start3A_446] : memref<16x160x128xi32, #tpu.memory_space<hbm>> -> memref<1x32x128xi32, #tpu.memory_space<hbm>>
          %dma_start3A_448 = tpu.memref_squeeze %dma_start3A_447 : memref<1x32x128xi32, #tpu.memory_space<hbm>> -> memref<32x128xi32, #tpu.memory_space<hbm>>
          %dma_start3A_449 = arith.constant 0 : i32
          %dma_start3A_450 = arith.constant 0 : i32
          %dma_start3A_451 = tpu.memref_slice %arg9[%rem3A_421, %dma_start3A_449, %dma_start3A_450] : memref<2x32x128xi32, #tpu.memory_space<vmem>> -> memref<1x32x128xi32, #tpu.memory_space<vmem>>
          %dma_start3A_452 = tpu.memref_squeeze %dma_start3A_451 : memref<1x32x128xi32, #tpu.memory_space<vmem>> -> memref<32x128xi32, #tpu.memory_space<vmem>>
          %dma_start3A_453 = arith.constant 0 : i32
          %dma_start3A_454 = tpu.memref_slice %arg4[%arg1, %multiple_of3A_441, %dma_start3A_453] : memref<16x160x128xi32, #tpu.memory_space<hbm>> -> memref<1x32x128xi32, #tpu.memory_space<hbm>>
          %dma_start3A_455 = tpu.memref_squeeze %dma_start3A_454 : memref<1x32x128xi32, #tpu.memory_space<hbm>> -> memref<32x128xi32, #tpu.memory_space<hbm>>
          tpu.enqueue_dma source(%dma_start3A_455 : memref<32x128xi32, #tpu.memory_space<hbm>>) target(%dma_start3A_452 : memref<32x128xi32, #tpu.memory_space<vmem>>) target_semaphore(%arg21 : memref<!tpu.dma_semaphore, #tpu.memory_space<semaphore_mem>>)
        } else {
        }
      } else {
      }
      %rem3A_303 = arith.constant 32 : i32
      %rem3A_304 = arith.remsi %add3A_295, %rem3A_303 : i32
      %eq3A_305 = arith.constant 30 : i32
      %eq3A_306 = arith.cmpi eq, %rem3A_304, %eq3A_305 : i32
      %convert_element_type3A_307 = arith.extui %eq3A_306 : i1 to i32
      %cond3A_308 = arith.constant 0 : i32
      %cond3A_309 = arith.cmpi ne, %convert_element_type3A_307, %cond3A_308 : i32
      scf.if %cond3A_309 {
        %div3A_410 = arith.constant 32 : i32
        %div3A_411 = arith.divsi %add3A_295, %div3A_410 : i32
        %add3A_412 = arith.constant 1 : i32
        %add3A_413 = arith.addi %div3A_411, %add3A_412 : i32
        %mul3A_414 = arith.constant 32 : i32
        %mul3A_415 = arith.muli %add3A_413, %mul3A_414 : i32
        %div3A_416 = arith.constant 32 : i32
        %div3A_417 = arith.divsi %add3A_295, %div3A_416 : i32
        %add3A_418 = arith.constant 1 : i32
        %add3A_419 = arith.addi %div3A_417, %add3A_418 : i32
        %rem3A_420 = arith.constant 2 : i32
        %rem3A_421 = arith.remsi %add3A_419, %rem3A_420 : i32
        %lt3A_422 = arith.constant 160 : i32
        %lt3A_423 = arith.cmpi slt, %mul3A_415, %lt3A_422 : i32
        %convert_element_type3A_424 = arith.extui %lt3A_423 : i1 to i32
        %cond3A_425 = arith.constant 0 : i32
        %cond3A_426 = arith.cmpi ne, %convert_element_type3A_424, %cond3A_425 : i32
        scf.if %cond3A_426 {
          %multiple_of3A = tpu.assume_multiple %mul3A_415, 32 : i32
          %dma_wait3A_427 = arith.constant 0 : i32
          %dma_wait3A_428 = arith.constant 0 : i32
          %dma_wait3A_429 = tpu.memref_slice %arg8[%rem3A_421, %dma_wait3A_427, %dma_wait3A_428] : memref<2x32x128xi32, #tpu.memory_space<vmem>> -> memref<1x32x128xi32, #tpu.memory_space<vmem>>
          %dma_wait3A_430 = tpu.memref_squeeze %dma_wait3A_429 : memref<1x32x128xi32, #tpu.memory_space<vmem>> -> memref<32x128xi32, #tpu.memory_space<vmem>>
          %dma_wait3A_431 = arith.constant 0 : i32
          %dma_wait3A_432 = tpu.memref_slice %arg3[%arg1, %multiple_of3A, %dma_wait3A_431] : memref<16x160x128xi32, #tpu.memory_space<hbm>> -> memref<1x32x128xi32, #tpu.memory_space<hbm>>
          %dma_wait3A_433 = tpu.memref_squeeze %dma_wait3A_432 : memref<1x32x128xi32, #tpu.memory_space<hbm>> -> memref<32x128xi32, #tpu.memory_space<hbm>>
          %dma_wait3A_434 = arith.constant 0 : i32
          %dma_wait3A_435 = arith.constant 0 : i32
          %dma_wait3A_436 = tpu.memref_slice %arg8[%rem3A_421, %dma_wait3A_434, %dma_wait3A_435] : memref<2x32x128xi32, #tpu.memory_space<vmem>> -> memref<1x32x128xi32, #tpu.memory_space<vmem>>
          %dma_wait3A_437 = tpu.memref_squeeze %dma_wait3A_436 : memref<1x32x128xi32, #tpu.memory_space<vmem>> -> memref<32x128xi32, #tpu.memory_space<vmem>>
          %dma_wait3A_438 = arith.constant 0 : i32
          %dma_wait3A_439 = tpu.memref_slice %arg3[%arg1, %multiple_of3A, %dma_wait3A_438] : memref<16x160x128xi32, #tpu.memory_space<hbm>> -> memref<1x32x128xi32, #tpu.memory_space<hbm>>
          %dma_wait3A_440 = tpu.memref_squeeze %dma_wait3A_439 : memref<1x32x128xi32, #tpu.memory_space<hbm>> -> memref<32x128xi32, #tpu.memory_space<hbm>>
          tpu.wait_dma2 semaphore(%arg20 : memref<!tpu.dma_semaphore, #tpu.memory_space<semaphore_mem>>) src(%dma_wait3A_440 : memref<32x128xi32, #tpu.memory_space<hbm>>) dst(%dma_wait3A_437 : memref<32x128xi32, #tpu.memory_space<vmem>>)
          %multiple_of3A_441 = tpu.assume_multiple %mul3A_415, 32 : i32
          %dma_wait3A_442 = arith.constant 0 : i32
          %dma_wait3A_443 = arith.constant 0 : i32
          %dma_wait3A_444 = tpu.memref_slice %arg9[%rem3A_421, %dma_wait3A_442, %dma_wait3A_443] : memref<2x32x128xi32, #tpu.memory_space<vmem>> -> memref<1x32x128xi32, #tpu.memory_space<vmem>>
          %dma_wait3A_445 = tpu.memref_squeeze %dma_wait3A_444 : memref<1x32x128xi32, #tpu.memory_space<vmem>> -> memref<32x128xi32, #tpu.memory_space<vmem>>
          %dma_wait3A_446 = arith.constant 0 : i32
          %dma_wait3A_447 = tpu.memref_slice %arg4[%arg1, %multiple_of3A_441, %dma_wait3A_446] : memref<16x160x128xi32, #tpu.memory_space<hbm>> -> memref<1x32x128xi32, #tpu.memory_space<hbm>>
          %dma_wait3A_448 = tpu.memref_squeeze %dma_wait3A_447 : memref<1x32x128xi32, #tpu.memory_space<hbm>> -> memref<32x128xi32, #tpu.memory_space<hbm>>
          %dma_wait3A_449 = arith.constant 0 : i32
          %dma_wait3A_450 = arith.constant 0 : i32
          %dma_wait3A_451 = tpu.memref_slice %arg9[%rem3A_421, %dma_wait3A_449, %dma_wait3A_450] : memref<2x32x128xi32, #tpu.memory_space<vmem>> -> memref<1x32x128xi32, #tpu.memory_space<vmem>>
          %dma_wait3A_452 = tpu.memref_squeeze %dma_wait3A_451 : memref<1x32x128xi32, #tpu.memory_space<vmem>> -> memref<32x128xi32, #tpu.memory_space<vmem>>
          %dma_wait3A_453 = arith.constant 0 : i32
          %dma_wait3A_454 = tpu.memref_slice %arg4[%arg1, %multiple_of3A_441, %dma_wait3A_453] : memref<16x160x128xi32, #tpu.memory_space<hbm>> -> memref<1x32x128xi32, #tpu.memory_space<hbm>>
          %dma_wait3A_455 = tpu.memref_squeeze %dma_wait3A_454 : memref<1x32x128xi32, #tpu.memory_space<hbm>> -> memref<32x128xi32, #tpu.memory_space<hbm>>
          tpu.wait_dma2 semaphore(%arg21 : memref<!tpu.dma_semaphore, #tpu.memory_space<semaphore_mem>>) src(%dma_wait3A_455 : memref<32x128xi32, #tpu.memory_space<hbm>>) dst(%dma_wait3A_452 : memref<32x128xi32, #tpu.memory_space<vmem>>)
        } else {
        }
      } else {
      }
      %add3A_310 = arith.constant 2 : i32
      %add3A_311 = arith.addi %add3A_295, %add3A_310 : i32
      %ge3A_312 = arith.constant 4 : i32
      %ge3A_313 = arith.cmpi sge, %add3A_311, %ge3A_312 : i32
      %convert_element_type3A_314 = arith.extui %ge3A_313 : i1 to i32
      %cond3A_315 = arith.constant 0 : i32
      %cond3A_316 = arith.cmpi ne, %convert_element_type3A_314, %cond3A_315 : i32
      scf.if %cond3A_316 {
        %sub3A = arith.constant 2 : i32
        %sub3A_410 = arith.subi %add3A_295, %sub3A : i32
        %div3A_411 = arith.constant 32 : i32
        %div3A_412 = arith.divsi %sub3A_410, %div3A_411 : i32
        %rem3A_413 = arith.constant 2 : i32
        %rem3A_414 = arith.remsi %div3A_412, %rem3A_413 : i32
        %rem3A_415 = arith.constant 32 : i32
        %rem3A_416 = arith.remsi %sub3A_410, %rem3A_415 : i32
        %dma_wait3A_417 = arith.constant 0 : i32
        %dma_wait3A_418 = arith.constant 0 : i32
        %dma_wait3A_419 = arith.constant 0 : i32
        %dma_wait3A_420 = tpu.memref_slice %arg7[%dma_wait3A_417, %dma_wait3A_418, %dma_wait3A_419] : memref<4x128x64xf32, #tpu.memory_space<vmem>> -> memref<1x128x64xf32, #tpu.memory_space<vmem>>
        %dma_wait3A_421 = tpu.memref_squeeze %dma_wait3A_420 : memref<1x128x64xf32, #tpu.memory_space<vmem>> -> memref<128x64xf32, #tpu.memory_space<vmem>>
        %dma_wait3A_422 = arith.constant 0 : i32
        %dma_wait3A_423 = tpu.memref_slice %arg9[%rem3A_414, %rem3A_416, %dma_wait3A_422] : memref<2x32x128xi32, #tpu.memory_space<vmem>> -> memref<1x1x128xi32, #tpu.memory_space<vmem>>
        %dma_wait3A_424 = tpu.memref_squeeze %dma_wait3A_423 : memref<1x1x128xi32, #tpu.memory_space<vmem>> -> memref<128xi32, #tpu.memory_space<vmem>>
        %dma_wait3A_425 = arith.constant 0 : i32
        %dma_wait3A_426 = arith.constant 0 : i32
        %dma_wait3A_427 = tpu.memref_slice %arg10[%dma_wait3A_425, %dma_wait3A_426] : memref<10112x64xf32, #tpu.memory_space<vmem_shared>> -> memref<10112x64xf32, #tpu.memory_space<vmem_shared>>
        tpu.wait_indirect_dma semaphore(%arg16 : memref<!tpu.dma_semaphore, #tpu.memory_space<semaphore_mem>>) src(%dma_wait3A_421 : memref<128x64xf32, #tpu.memory_space<vmem>>) dst(%dma_wait3A_427 : memref<10112x64xf32, #tpu.memory_space<vmem_shared>>)
      } else {
      }
      %add3A_317 = arith.constant 2 : i32
      %add3A_318 = arith.addi %add3A_295, %add3A_317 : i32
      %lt3A_319 = arith.constant 160 : i32
      %lt3A_320 = arith.cmpi slt, %add3A_318, %lt3A_319 : i32
      %convert_element_type3A_321 = arith.extui %lt3A_320 : i1 to i32
      %cond3A_322 = arith.constant 0 : i32
      %cond3A_323 = arith.cmpi ne, %convert_element_type3A_321, %cond3A_322 : i32
      scf.if %cond3A_323 {
        %add3A_410 = arith.constant 2 : i32
        %add3A_411 = arith.addi %add3A_295, %add3A_410 : i32
        %div3A_412 = arith.constant 32 : i32
        %div3A_413 = arith.divsi %add3A_411, %div3A_412 : i32
        %rem3A_414 = arith.constant 2 : i32
        %rem3A_415 = arith.remsi %div3A_413, %rem3A_414 : i32
        %rem3A_416 = arith.constant 32 : i32
        %rem3A_417 = arith.remsi %add3A_411, %rem3A_416 : i32
        %dma_start3A_418 = arith.constant 0 : i32
        %dma_start3A_419 = arith.constant 0 : i32
        %dma_start3A_420 = arith.constant 0 : i32
        %dma_start3A_421 = tpu.memref_slice %arg7[%dma_start3A_418, %dma_start3A_419, %dma_start3A_420] : memref<4x128x64xf32, #tpu.memory_space<vmem>> -> memref<1x128x64xf32, #tpu.memory_space<vmem>>
        %dma_start3A_422 = tpu.memref_squeeze %dma_start3A_421 : memref<1x128x64xf32, #tpu.memory_space<vmem>> -> memref<128x64xf32, #tpu.memory_space<vmem>>
        %dma_start3A_423 = arith.constant 0 : i32
        %dma_start3A_424 = tpu.memref_slice %arg8[%rem3A_415, %rem3A_417, %dma_start3A_423] : memref<2x32x128xi32, #tpu.memory_space<vmem>> -> memref<1x1x128xi32, #tpu.memory_space<vmem>>
        %dma_start3A_425 = tpu.memref_squeeze %dma_start3A_424 : memref<1x1x128xi32, #tpu.memory_space<vmem>> -> memref<128xi32, #tpu.memory_space<vmem>>
        %dma_start3A_426 = arith.constant 0 : i32
        %dma_start3A_427 = arith.constant 0 : i32
        %dma_start3A_428 = tpu.memref_slice %arg11[%dma_start3A_426, %dma_start3A_427] : memref<10112x64xf32, #tpu.memory_space<vmem_shared>> -> memref<10112x64xf32, #tpu.memory_space<vmem_shared>>
        tpu.enqueue_indirect_dma source(%dma_start3A_428 : memref<10112x64xf32, #tpu.memory_space<vmem_shared>>) target(%dma_start3A_422 : memref<128x64xf32, #tpu.memory_space<vmem>>) offsets(%dma_start3A_425 : memref<128xi32, #tpu.memory_space<vmem>>) semaphore(%arg12 : memref<!tpu.dma_semaphore, #tpu.memory_space<semaphore_mem>>)
      } else {
      }
      %div3A_324 = arith.constant 32 : i32
      %div3A_325 = arith.divsi %add3A_295, %div3A_324 : i32
      %rem3A_326 = arith.constant 2 : i32
      %rem3A_327 = arith.remsi %div3A_325, %rem3A_326 : i32
      %rem3A_328 = arith.constant 32 : i32
      %rem3A_329 = arith.remsi %add3A_295, %rem3A_328 : i32
      %dma_wait3A_330 = arith.constant 2 : i32
      %dma_wait3A_331 = arith.constant 0 : i32
      %dma_wait3A_332 = arith.constant 0 : i32
      %dma_wait3A_333 = tpu.memref_slice %arg7[%dma_wait3A_330, %dma_wait3A_331, %dma_wait3A_332] : memref<4x128x64xf32, #tpu.memory_space<vmem>> -> memref<1x128x64xf32, #tpu.memory_space<vmem>>
      %dma_wait3A_334 = tpu.memref_squeeze %dma_wait3A_333 : memref<1x128x64xf32, #tpu.memory_space<vmem>> -> memref<128x64xf32, #tpu.memory_space<vmem>>
      %dma_wait3A_335 = arith.constant 0 : i32
      %dma_wait3A_336 = tpu.memref_slice %arg8[%rem3A_327, %rem3A_329, %dma_wait3A_335] : memref<2x32x128xi32, #tpu.memory_space<vmem>> -> memref<1x1x128xi32, #tpu.memory_space<vmem>>
      %dma_wait3A_337 = tpu.memref_squeeze %dma_wait3A_336 : memref<1x1x128xi32, #tpu.memory_space<vmem>> -> memref<128xi32, #tpu.memory_space<vmem>>
      %dma_wait3A_338 = arith.constant 0 : i32
      %dma_wait3A_339 = arith.constant 0 : i32
      %dma_wait3A_340 = tpu.memref_slice %arg11[%dma_wait3A_338, %dma_wait3A_339] : memref<10112x64xf32, #tpu.memory_space<vmem_shared>> -> memref<10112x64xf32, #tpu.memory_space<vmem_shared>>
      tpu.wait_indirect_dma semaphore(%arg14 : memref<!tpu.dma_semaphore, #tpu.memory_space<semaphore_mem>>) src(%dma_wait3A_340 : memref<10112x64xf32, #tpu.memory_space<vmem_shared>>) dst(%dma_wait3A_334 : memref<128x64xf32, #tpu.memory_space<vmem>>)
      %div3A_341 = arith.constant 32 : i32
      %div3A_342 = arith.divsi %add3A_295, %div3A_341 : i32
      %rem3A_343 = arith.constant 2 : i32
      %rem3A_344 = arith.remsi %div3A_342, %rem3A_343 : i32
      %rem3A_345 = arith.constant 32 : i32
      %rem3A_346 = arith.remsi %add3A_295, %rem3A_345 : i32
      %dma_start3A_347 = arith.constant 2 : i32
      %dma_start3A_348 = arith.constant 0 : i32
      %dma_start3A_349 = arith.constant 0 : i32
      %dma_start3A_350 = tpu.memref_slice %arg7[%dma_start3A_347, %dma_start3A_348, %dma_start3A_349] : memref<4x128x64xf32, #tpu.memory_space<vmem>> -> memref<1x128x64xf32, #tpu.memory_space<vmem>>
      %dma_start3A_351 = tpu.memref_squeeze %dma_start3A_350 : memref<1x128x64xf32, #tpu.memory_space<vmem>> -> memref<128x64xf32, #tpu.memory_space<vmem>>
      %dma_start3A_352 = arith.constant 0 : i32
      %dma_start3A_353 = tpu.memref_slice %arg9[%rem3A_344, %rem3A_346, %dma_start3A_352] : memref<2x32x128xi32, #tpu.memory_space<vmem>> -> memref<1x1x128xi32, #tpu.memory_space<vmem>>
      %dma_start3A_354 = tpu.memref_squeeze %dma_start3A_353 : memref<1x1x128xi32, #tpu.memory_space<vmem>> -> memref<128xi32, #tpu.memory_space<vmem>>
      %dma_start3A_355 = arith.constant 0 : i32
      %dma_start3A_356 = arith.constant 0 : i32
      %dma_start3A_357 = tpu.memref_slice %arg10[%dma_start3A_355, %dma_start3A_356] : memref<10112x64xf32, #tpu.memory_space<vmem_shared>> -> memref<10112x64xf32, #tpu.memory_space<vmem_shared>>
      tpu.enqueue_indirect_dma source(%dma_start3A_351 : memref<128x64xf32, #tpu.memory_space<vmem>>) target(%dma_start3A_357 : memref<10112x64xf32, #tpu.memory_space<vmem_shared>>) offsets(%dma_start3A_354 : memref<128xi32, #tpu.memory_space<vmem>>) semaphore(%arg18 : memref<!tpu.dma_semaphore, #tpu.memory_space<semaphore_mem>>) {add = true}
      %mul3A_358 = arith.constant 4 : i32
      %mul3A_359 = arith.muli %scan3A_189, %mul3A_358 : i32
      %add3A_360 = arith.constant 3 : i32
      %add3A_361 = arith.addi %mul3A_359, %add3A_360 : i32
      %add3A_362 = arith.constant 2 : i32
      %add3A_363 = arith.addi %add3A_361, %add3A_362 : i32
      %ge3A_364 = arith.constant 4 : i32
      %ge3A_365 = arith.cmpi sge, %add3A_363, %ge3A_364 : i32
      %convert_element_type3A_366 = arith.extui %ge3A_365 : i1 to i32
      %cond3A_367 = arith.constant 0 : i32
      %cond3A_368 = arith.cmpi ne, %convert_element_type3A_366, %cond3A_367 : i32
      scf.if %cond3A_368 {
        %sub3A = arith.constant 2 : i32
        %sub3A_410 = arith.subi %add3A_361, %sub3A : i32
        %div3A_411 = arith.constant 32 : i32
        %div3A_412 = arith.divsi %sub3A_410, %div3A_411 : i32
        %rem3A_413 = arith.constant 2 : i32
        %rem3A_414 = arith.remsi %div3A_412, %rem3A_413 : i32
        %rem3A_415 = arith.constant 32 : i32
        %rem3A_416 = arith.remsi %sub3A_410, %rem3A_415 : i32
        %dma_wait3A_417 = arith.constant 1 : i32
        %dma_wait3A_418 = arith.constant 0 : i32
        %dma_wait3A_419 = arith.constant 0 : i32
        %dma_wait3A_420 = tpu.memref_slice %arg7[%dma_wait3A_417, %dma_wait3A_418, %dma_wait3A_419] : memref<4x128x64xf32, #tpu.memory_space<vmem>> -> memref<1x128x64xf32, #tpu.memory_space<vmem>>
        %dma_wait3A_421 = tpu.memref_squeeze %dma_wait3A_420 : memref<1x128x64xf32, #tpu.memory_space<vmem>> -> memref<128x64xf32, #tpu.memory_space<vmem>>
        %dma_wait3A_422 = arith.constant 0 : i32
        %dma_wait3A_423 = tpu.memref_slice %arg9[%rem3A_414, %rem3A_416, %dma_wait3A_422] : memref<2x32x128xi32, #tpu.memory_space<vmem>> -> memref<1x1x128xi32, #tpu.memory_space<vmem>>
        %dma_wait3A_424 = tpu.memref_squeeze %dma_wait3A_423 : memref<1x1x128xi32, #tpu.memory_space<vmem>> -> memref<128xi32, #tpu.memory_space<vmem>>
        %dma_wait3A_425 = arith.constant 0 : i32
        %dma_wait3A_426 = arith.constant 0 : i32
        %dma_wait3A_427 = tpu.memref_slice %arg10[%dma_wait3A_425, %dma_wait3A_426] : memref<10112x64xf32, #tpu.memory_space<vmem_shared>> -> memref<10112x64xf32, #tpu.memory_space<vmem_shared>>
        tpu.wait_indirect_dma semaphore(%arg17 : memref<!tpu.dma_semaphore, #tpu.memory_space<semaphore_mem>>) src(%dma_wait3A_421 : memref<128x64xf32, #tpu.memory_space<vmem>>) dst(%dma_wait3A_427 : memref<10112x64xf32, #tpu.memory_space<vmem_shared>>)
      } else {
      }
      %add3A_369 = arith.constant 2 : i32
      %add3A_370 = arith.addi %add3A_361, %add3A_369 : i32
      %lt3A_371 = arith.constant 160 : i32
      %lt3A_372 = arith.cmpi slt, %add3A_370, %lt3A_371 : i32
      %convert_element_type3A_373 = arith.extui %lt3A_372 : i1 to i32
      %cond3A_374 = arith.constant 0 : i32
      %cond3A_375 = arith.cmpi ne, %convert_element_type3A_373, %cond3A_374 : i32
      scf.if %cond3A_375 {
        %add3A_410 = arith.constant 2 : i32
        %add3A_411 = arith.addi %add3A_361, %add3A_410 : i32
        %div3A_412 = arith.constant 32 : i32
        %div3A_413 = arith.divsi %add3A_411, %div3A_412 : i32
        %rem3A_414 = arith.constant 2 : i32
        %rem3A_415 = arith.remsi %div3A_413, %rem3A_414 : i32
        %rem3A_416 = arith.constant 32 : i32
        %rem3A_417 = arith.remsi %add3A_411, %rem3A_416 : i32
        %dma_start3A_418 = arith.constant 1 : i32
        %dma_start3A_419 = arith.constant 0 : i32
        %dma_start3A_420 = arith.constant 0 : i32
        %dma_start3A_421 = tpu.memref_slice %arg7[%dma_start3A_418, %dma_start3A_419, %dma_start3A_420] : memref<4x128x64xf32, #tpu.memory_space<vmem>> -> memref<1x128x64xf32, #tpu.memory_space<vmem>>
        %dma_start3A_422 = tpu.memref_squeeze %dma_start3A_421 : memref<1x128x64xf32, #tpu.memory_space<vmem>> -> memref<128x64xf32, #tpu.memory_space<vmem>>
        %dma_start3A_423 = arith.constant 0 : i32
        %dma_start3A_424 = tpu.memref_slice %arg8[%rem3A_415, %rem3A_417, %dma_start3A_423] : memref<2x32x128xi32, #tpu.memory_space<vmem>> -> memref<1x1x128xi32, #tpu.memory_space<vmem>>
        %dma_start3A_425 = tpu.memref_squeeze %dma_start3A_424 : memref<1x1x128xi32, #tpu.memory_space<vmem>> -> memref<128xi32, #tpu.memory_space<vmem>>
        %dma_start3A_426 = arith.constant 0 : i32
        %dma_start3A_427 = arith.constant 0 : i32
        %dma_start3A_428 = tpu.memref_slice %arg11[%dma_start3A_426, %dma_start3A_427] : memref<10112x64xf32, #tpu.memory_space<vmem_shared>> -> memref<10112x64xf32, #tpu.memory_space<vmem_shared>>
        tpu.enqueue_indirect_dma source(%dma_start3A_428 : memref<10112x64xf32, #tpu.memory_space<vmem_shared>>) target(%dma_start3A_422 : memref<128x64xf32, #tpu.memory_space<vmem>>) offsets(%dma_start3A_425 : memref<128xi32, #tpu.memory_space<vmem>>) semaphore(%arg13 : memref<!tpu.dma_semaphore, #tpu.memory_space<semaphore_mem>>)
      } else {
      }
      %div3A_376 = arith.constant 32 : i32
      %div3A_377 = arith.divsi %add3A_361, %div3A_376 : i32
      %rem3A_378 = arith.constant 2 : i32
      %rem3A_379 = arith.remsi %div3A_377, %rem3A_378 : i32
      %rem3A_380 = arith.constant 32 : i32
      %rem3A_381 = arith.remsi %add3A_361, %rem3A_380 : i32
      %dma_wait3A_382 = arith.constant 3 : i32
      %dma_wait3A_383 = arith.constant 0 : i32
      %dma_wait3A_384 = arith.constant 0 : i32
      %dma_wait3A_385 = tpu.memref_slice %arg7[%dma_wait3A_382, %dma_wait3A_383, %dma_wait3A_384] : memref<4x128x64xf32, #tpu.memory_space<vmem>> -> memref<1x128x64xf32, #tpu.memory_space<vmem>>
      %dma_wait3A_386 = tpu.memref_squeeze %dma_wait3A_385 : memref<1x128x64xf32, #tpu.memory_space<vmem>> -> memref<128x64xf32, #tpu.memory_space<vmem>>
      %dma_wait3A_387 = arith.constant 0 : i32
      %dma_wait3A_388 = tpu.memref_slice %arg8[%rem3A_379, %rem3A_381, %dma_wait3A_387] : memref<2x32x128xi32, #tpu.memory_space<vmem>> -> memref<1x1x128xi32, #tpu.memory_space<vmem>>
      %dma_wait3A_389 = tpu.memref_squeeze %dma_wait3A_388 : memref<1x1x128xi32, #tpu.memory_space<vmem>> -> memref<128xi32, #tpu.memory_space<vmem>>
      %dma_wait3A_390 = arith.constant 0 : i32
      %dma_wait3A_391 = arith.constant 0 : i32
      %dma_wait3A_392 = tpu.memref_slice %arg11[%dma_wait3A_390, %dma_wait3A_391] : memref<10112x64xf32, #tpu.memory_space<vmem_shared>> -> memref<10112x64xf32, #tpu.memory_space<vmem_shared>>
      tpu.wait_indirect_dma semaphore(%arg15 : memref<!tpu.dma_semaphore, #tpu.memory_space<semaphore_mem>>) src(%dma_wait3A_392 : memref<10112x64xf32, #tpu.memory_space<vmem_shared>>) dst(%dma_wait3A_386 : memref<128x64xf32, #tpu.memory_space<vmem>>)
      %div3A_393 = arith.constant 32 : i32
      %div3A_394 = arith.divsi %add3A_361, %div3A_393 : i32
      %rem3A_395 = arith.constant 2 : i32
      %rem3A_396 = arith.remsi %div3A_394, %rem3A_395 : i32
      %rem3A_397 = arith.constant 32 : i32
      %rem3A_398 = arith.remsi %add3A_361, %rem3A_397 : i32
      %dma_start3A_399 = arith.constant 3 : i32
      %dma_start3A_400 = arith.constant 0 : i32
      %dma_start3A_401 = arith.constant 0 : i32
      %dma_start3A_402 = tpu.memref_slice %arg7[%dma_start3A_399, %dma_start3A_400, %dma_start3A_401] : memref<4x128x64xf32, #tpu.memory_space<vmem>> -> memref<1x128x64xf32, #tpu.memory_space<vmem>>
      %dma_start3A_403 = tpu.memref_squeeze %dma_start3A_402 : memref<1x128x64xf32, #tpu.memory_space<vmem>> -> memref<128x64xf32, #tpu.memory_space<vmem>>
      %dma_start3A_404 = arith.constant 0 : i32
      %dma_start3A_405 = tpu.memref_slice %arg9[%rem3A_396, %rem3A_398, %dma_start3A_404] : memref<2x32x128xi32, #tpu.memory_space<vmem>> -> memref<1x1x128xi32, #tpu.memory_space<vmem>>
      %dma_start3A_406 = tpu.memref_squeeze %dma_start3A_405 : memref<1x1x128xi32, #tpu.memory_space<vmem>> -> memref<128xi32, #tpu.memory_space<vmem>>
      %dma_start3A_407 = arith.constant 0 : i32
      %dma_start3A_408 = arith.constant 0 : i32
      %dma_start3A_409 = tpu.memref_slice %arg10[%dma_start3A_407, %dma_start3A_408] : memref<10112x64xf32, #tpu.memory_space<vmem_shared>> -> memref<10112x64xf32, #tpu.memory_space<vmem_shared>>
      tpu.enqueue_indirect_dma source(%dma_start3A_403 : memref<128x64xf32, #tpu.memory_space<vmem>>) target(%dma_start3A_409 : memref<10112x64xf32, #tpu.memory_space<vmem_shared>>) offsets(%dma_start3A_406 : memref<128xi32, #tpu.memory_space<vmem>>) semaphore(%arg19 : memref<!tpu.dma_semaphore, #tpu.memory_space<semaphore_mem>>) {add = true}
    }
    %scan3A_139 = arith.constant 40 : i32
    %div3A_140 = arith.constant 158 : i32
    %div3A_141 = arith.constant 32 : i32
    %div3A_142 = arith.divsi %div3A_140, %div3A_141 : i32
    %rem3A_143 = arith.constant 2 : i32
    %rem3A_144 = arith.remsi %div3A_142, %rem3A_143 : i32
    %rem3A_145 = arith.constant 158 : i32
    %rem3A_146 = arith.constant 32 : i32
    %rem3A_147 = arith.remsi %rem3A_145, %rem3A_146 : i32
    %dma_wait3A_148 = arith.constant 2 : i32
    %dma_wait3A_149 = arith.constant 0 : i32
    %dma_wait3A_150 = arith.constant 0 : i32
    %dma_wait3A_151 = tpu.memref_slice %arg7[%dma_wait3A_148, %dma_wait3A_149, %dma_wait3A_150] : memref<4x128x64xf32, #tpu.memory_space<vmem>> -> memref<1x128x64xf32, #tpu.memory_space<vmem>>
    %dma_wait3A_152 = tpu.memref_squeeze %dma_wait3A_151 : memref<1x128x64xf32, #tpu.memory_space<vmem>> -> memref<128x64xf32, #tpu.memory_space<vmem>>
    %dma_wait3A_153 = arith.constant 0 : i32
    %dma_wait3A_154 = tpu.memref_slice %arg9[%rem3A_144, %rem3A_147, %dma_wait3A_153] : memref<2x32x128xi32, #tpu.memory_space<vmem>> -> memref<1x1x128xi32, #tpu.memory_space<vmem>>
    %dma_wait3A_155 = tpu.memref_squeeze %dma_wait3A_154 : memref<1x1x128xi32, #tpu.memory_space<vmem>> -> memref<128xi32, #tpu.memory_space<vmem>>
    %dma_wait3A_156 = arith.constant 0 : i32
    %dma_wait3A_157 = arith.constant 0 : i32
    %dma_wait3A_158 = tpu.memref_slice %arg10[%dma_wait3A_156, %dma_wait3A_157] : memref<10112x64xf32, #tpu.memory_space<vmem_shared>> -> memref<10112x64xf32, #tpu.memory_space<vmem_shared>>
    tpu.wait_indirect_dma semaphore(%arg18 : memref<!tpu.dma_semaphore, #tpu.memory_space<semaphore_mem>>) src(%dma_wait3A_152 : memref<128x64xf32, #tpu.memory_space<vmem>>) dst(%dma_wait3A_158 : memref<10112x64xf32, #tpu.memory_space<vmem_shared>>)
    %div3A_159 = arith.constant 159 : i32
    %div3A_160 = arith.constant 32 : i32
    %div3A_161 = arith.divsi %div3A_159, %div3A_160 : i32
    %rem3A_162 = arith.constant 2 : i32
    %rem3A_163 = arith.remsi %div3A_161, %rem3A_162 : i32
    %rem3A_164 = arith.constant 159 : i32
    %rem3A_165 = arith.constant 32 : i32
    %rem3A_166 = arith.remsi %rem3A_164, %rem3A_165 : i32
    %dma_wait3A_167 = arith.constant 3 : i32
    %dma_wait3A_168 = arith.constant 0 : i32
    %dma_wait3A_169 = arith.constant 0 : i32
    %dma_wait3A_170 = tpu.memref_slice %arg7[%dma_wait3A_167, %dma_wait3A_168, %dma_wait3A_169] : memref<4x128x64xf32, #tpu.memory_space<vmem>> -> memref<1x128x64xf32, #tpu.memory_space<vmem>>
    %dma_wait3A_171 = tpu.memref_squeeze %dma_wait3A_170 : memref<1x128x64xf32, #tpu.memory_space<vmem>> -> memref<128x64xf32, #tpu.memory_space<vmem>>
    %dma_wait3A_172 = arith.constant 0 : i32
    %dma_wait3A_173 = tpu.memref_slice %arg9[%rem3A_163, %rem3A_166, %dma_wait3A_172] : memref<2x32x128xi32, #tpu.memory_space<vmem>> -> memref<1x1x128xi32, #tpu.memory_space<vmem>>
    %dma_wait3A_174 = tpu.memref_squeeze %dma_wait3A_173 : memref<1x1x128xi32, #tpu.memory_space<vmem>> -> memref<128xi32, #tpu.memory_space<vmem>>
    %dma_wait3A_175 = arith.constant 0 : i32
    %dma_wait3A_176 = arith.constant 0 : i32
    %dma_wait3A_177 = tpu.memref_slice %arg10[%dma_wait3A_175, %dma_wait3A_176] : memref<10112x64xf32, #tpu.memory_space<vmem_shared>> -> memref<10112x64xf32, #tpu.memory_space<vmem_shared>>
    tpu.wait_indirect_dma semaphore(%arg19 : memref<!tpu.dma_semaphore, #tpu.memory_space<semaphore_mem>>) src(%dma_wait3A_171 : memref<128x64xf32, #tpu.memory_space<vmem>>) dst(%dma_wait3A_177 : memref<10112x64xf32, #tpu.memory_space<vmem_shared>>)
    %barrier3A_178 = arith.constant 0 : index
    tpu.barrier barrier_id(%barrier3A_178)
    %lt3A_179 = arith.constant 15 : i32
    %lt3A_180 = arith.cmpi slt, %arg1, %lt3A_179 : i32
    %convert_element_type3A_181 = arith.extui %lt3A_180 : i1 to i32
    %cond3A_182 = arith.constant 0 : i32
    %cond3A_183 = arith.cmpi ne, %convert_element_type3A_181, %cond3A_182 : i32
    scf.if %cond3A_183 {
      %mul3A_189 = arith.constant 632 : i32
      %mul3A_190 = arith.muli %arg1, %mul3A_189 : i32
      %add3A = arith.constant 128 : i32
      %add3A_191 = arith.addi %mul3A_190, %add3A : i32
      %add3A_192 = arith.constant 128 : i32
      %add3A_193 = arith.addi %add3A_191, %add3A_192 : i32
      %add3A_194 = arith.constant 128 : i32
      %add3A_195 = arith.addi %add3A_193, %add3A_194 : i32
      %add3A_196 = arith.constant 128 : i32
      %add3A_197 = arith.addi %add3A_195, %add3A_196 : i32
      %add3A_198 = arith.constant 120 : i32
      %add3A_199 = arith.addi %add3A_197, %add3A_198 : i32
      %dma_start3A_200 = arith.constant 0 : i32
      %dma_start3A_201 = arith.constant 0 : i32
      %dma_start3A_202 = arith.constant 0 : i32
      %dma_start3A_203 = tpu.memref_slice %arg7[%dma_start3A_200, %dma_start3A_201, %dma_start3A_202] : memref<4x128x64xf32, #tpu.memory_space<vmem>> -> memref<1x128x64xf32, #tpu.memory_space<vmem>>
      %dma_start3A_204 = tpu.memref_squeeze %dma_start3A_203 : memref<1x128x64xf32, #tpu.memory_space<vmem>> -> memref<128x64xf32, #tpu.memory_space<vmem>>
      %dma_start3A_205 = arith.constant 0 : i32
      %dma_start3A_206 = tpu.memref_slice %arg10[%mul3A_190, %dma_start3A_205] : memref<10112x64xf32, #tpu.memory_space<vmem_shared>> -> memref<128x64xf32, #tpu.memory_space<vmem_shared>>
      %dma_start3A_207 = arith.constant 0 : i32
      %dma_start3A_208 = arith.constant 0 : i32
      %dma_start3A_209 = tpu.memref_slice %arg7[%dma_start3A_200, %dma_start3A_207, %dma_start3A_208] : memref<4x128x64xf32, #tpu.memory_space<vmem>> -> memref<1x128x64xf32, #tpu.memory_space<vmem>>
      %dma_start3A_210 = tpu.memref_squeeze %dma_start3A_209 : memref<1x128x64xf32, #tpu.memory_space<vmem>> -> memref<128x64xf32, #tpu.memory_space<vmem>>
      %dma_start3A_211 = arith.constant 0 : i32
      %dma_start3A_212 = tpu.memref_slice %arg10[%mul3A_190, %dma_start3A_211] : memref<10112x64xf32, #tpu.memory_space<vmem_shared>> -> memref<128x64xf32, #tpu.memory_space<vmem_shared>>
      tpu.enqueue_dma source(%dma_start3A_212 : memref<128x64xf32, #tpu.memory_space<vmem_shared>>) target(%dma_start3A_210 : memref<128x64xf32, #tpu.memory_space<vmem>>) target_semaphore(%arg12 : memref<!tpu.dma_semaphore, #tpu.memory_space<semaphore_mem>>)
      %dma_start3A_213 = arith.constant 1 : i32
      %dma_start3A_214 = arith.constant 0 : i32
      %dma_start3A_215 = arith.constant 0 : i32
      %dma_start3A_216 = tpu.memref_slice %arg7[%dma_start3A_213, %dma_start3A_214, %dma_start3A_215] : memref<4x128x64xf32, #tpu.memory_space<vmem>> -> memref<1x128x64xf32, #tpu.memory_space<vmem>>
      %dma_start3A_217 = tpu.memref_squeeze %dma_start3A_216 : memref<1x128x64xf32, #tpu.memory_space<vmem>> -> memref<128x64xf32, #tpu.memory_space<vmem>>
      %dma_start3A_218 = arith.constant 0 : i32
      %dma_start3A_219 = tpu.memref_slice %arg10[%add3A_191, %dma_start3A_218] : memref<10112x64xf32, #tpu.memory_space<vmem_shared>> -> memref<128x64xf32, #tpu.memory_space<vmem_shared>>
      %dma_start3A_220 = arith.constant 0 : i32
      %dma_start3A_221 = arith.constant 0 : i32
      %dma_start3A_222 = tpu.memref_slice %arg7[%dma_start3A_213, %dma_start3A_220, %dma_start3A_221] : memref<4x128x64xf32, #tpu.memory_space<vmem>> -> memref<1x128x64xf32, #tpu.memory_space<vmem>>
      %dma_start3A_223 = tpu.memref_squeeze %dma_start3A_222 : memref<1x128x64xf32, #tpu.memory_space<vmem>> -> memref<128x64xf32, #tpu.memory_space<vmem>>
      %dma_start3A_224 = arith.constant 0 : i32
      %dma_start3A_225 = tpu.memref_slice %arg10[%add3A_191, %dma_start3A_224] : memref<10112x64xf32, #tpu.memory_space<vmem_shared>> -> memref<128x64xf32, #tpu.memory_space<vmem_shared>>
      tpu.enqueue_dma source(%dma_start3A_225 : memref<128x64xf32, #tpu.memory_space<vmem_shared>>) target(%dma_start3A_223 : memref<128x64xf32, #tpu.memory_space<vmem>>) target_semaphore(%arg13 : memref<!tpu.dma_semaphore, #tpu.memory_space<semaphore_mem>>)
      %dma_start3A_226 = arith.constant 2 : i32
      %dma_start3A_227 = arith.constant 0 : i32
      %dma_start3A_228 = arith.constant 0 : i32
      %dma_start3A_229 = tpu.memref_slice %arg7[%dma_start3A_226, %dma_start3A_227, %dma_start3A_228] : memref<4x128x64xf32, #tpu.memory_space<vmem>> -> memref<1x128x64xf32, #tpu.memory_space<vmem>>
      %dma_start3A_230 = tpu.memref_squeeze %dma_start3A_229 : memref<1x128x64xf32, #tpu.memory_space<vmem>> -> memref<128x64xf32, #tpu.memory_space<vmem>>
      %dma_start3A_231 = arith.constant 0 : i32
      %dma_start3A_232 = tpu.memref_slice %arg10[%add3A_193, %dma_start3A_231] : memref<10112x64xf32, #tpu.memory_space<vmem_shared>> -> memref<128x64xf32, #tpu.memory_space<vmem_shared>>
      %dma_start3A_233 = arith.constant 0 : i32
      %dma_start3A_234 = arith.constant 0 : i32
      %dma_start3A_235 = tpu.memref_slice %arg7[%dma_start3A_226, %dma_start3A_233, %dma_start3A_234] : memref<4x128x64xf32, #tpu.memory_space<vmem>> -> memref<1x128x64xf32, #tpu.memory_space<vmem>>
      %dma_start3A_236 = tpu.memref_squeeze %dma_start3A_235 : memref<1x128x64xf32, #tpu.memory_space<vmem>> -> memref<128x64xf32, #tpu.memory_space<vmem>>
      %dma_start3A_237 = arith.constant 0 : i32
      %dma_start3A_238 = tpu.memref_slice %arg10[%add3A_193, %dma_start3A_237] : memref<10112x64xf32, #tpu.memory_space<vmem_shared>> -> memref<128x64xf32, #tpu.memory_space<vmem_shared>>
      tpu.enqueue_dma source(%dma_start3A_238 : memref<128x64xf32, #tpu.memory_space<vmem_shared>>) target(%dma_start3A_236 : memref<128x64xf32, #tpu.memory_space<vmem>>) target_semaphore(%arg14 : memref<!tpu.dma_semaphore, #tpu.memory_space<semaphore_mem>>)
      %dma_wait3A_239 = arith.constant 0 : i32
      %dma_wait3A_240 = arith.constant 0 : i32
      %dma_wait3A_241 = arith.constant 0 : i32
      %dma_wait3A_242 = tpu.memref_slice %arg7[%dma_wait3A_239, %dma_wait3A_240, %dma_wait3A_241] : memref<4x128x64xf32, #tpu.memory_space<vmem>> -> memref<1x128x64xf32, #tpu.memory_space<vmem>>
      %dma_wait3A_243 = tpu.memref_squeeze %dma_wait3A_242 : memref<1x128x64xf32, #tpu.memory_space<vmem>> -> memref<128x64xf32, #tpu.memory_space<vmem>>
      %dma_wait3A_244 = arith.constant 0 : i32
      %dma_wait3A_245 = tpu.memref_slice %arg10[%mul3A_190, %dma_wait3A_244] : memref<10112x64xf32, #tpu.memory_space<vmem_shared>> -> memref<128x64xf32, #tpu.memory_space<vmem_shared>>
      %dma_wait3A_246 = arith.constant 0 : i32
      %dma_wait3A_247 = arith.constant 0 : i32
      %dma_wait3A_248 = tpu.memref_slice %arg7[%dma_wait3A_239, %dma_wait3A_246, %dma_wait3A_247] : memref<4x128x64xf32, #tpu.memory_space<vmem>> -> memref<1x128x64xf32, #tpu.memory_space<vmem>>
      %dma_wait3A_249 = tpu.memref_squeeze %dma_wait3A_248 : memref<1x128x64xf32, #tpu.memory_space<vmem>> -> memref<128x64xf32, #tpu.memory_space<vmem>>
      %dma_wait3A_250 = arith.constant 0 : i32
      %dma_wait3A_251 = tpu.memref_slice %arg10[%mul3A_190, %dma_wait3A_250] : memref<10112x64xf32, #tpu.memory_space<vmem_shared>> -> memref<128x64xf32, #tpu.memory_space<vmem_shared>>
      tpu.wait_dma2 semaphore(%arg12 : memref<!tpu.dma_semaphore, #tpu.memory_space<semaphore_mem>>) src(%dma_wait3A_251 : memref<128x64xf32, #tpu.memory_space<vmem_shared>>) dst(%dma_wait3A_249 : memref<128x64xf32, #tpu.memory_space<vmem>>)
      %scan3A_252 = arith.constant 0 : i32
      %scan3A_253 = arith.constant 0 : i32
      %scan3A_254 = arith.constant 0 : i32
      %scan3A_255 = arith.constant 128 : i32
      %scan3A_256 = arith.addi %scan3A_254, %scan3A_255 : i32
      %scan3A_257 = arith.constant 1 : i32
      scf.for %scan3A_495 = %scan3A_254 to %scan3A_256 step %scan3A_257  : i32 {
        %get3A = arith.constant 0 : i32
        %get3A_496 = arith.constant 0 : i32
        %get3A_497 = tpu.memref_slice %arg7[%scan3A_253, %get3A, %get3A_496] : memref<4x128x64xf32, #tpu.memory_space<vmem>> -> memref<1x128x64xf32, #tpu.memory_space<vmem>>
        %get3A_498 = tpu.memref_squeeze %get3A_497 : memref<1x128x64xf32, #tpu.memory_space<vmem>> -> memref<128x64xf32, #tpu.memory_space<vmem>>
        %get3A_499 = arith.index_cast %scan3A_495 : i32 to index
        %get3A_500 = arith.constant 0 : index
        %get3A_501 = tpu.vector_load %get3A_498[%get3A_499, %get3A_500] {strides = array<i32>} : memref<128x64xf32, #tpu.memory_space<vmem>>, vector<1x16xf32>,
        %get3A_502 = vector.shape_cast %get3A_501 : vector<1x16xf32> to vector<16xf32>
        %max3A = arith.constant 0.000000e+00 : f32
        %max3A_503 = vector.broadcast %max3A : f32 to vector<16xf32>
        %max3A_504 = arith.maximumf %get3A_502, %max3A_503 : vector<16xf32>
        %swap3A = arith.constant 0 : i32
        %swap3A_505 = arith.constant 0 : i32
        %swap3A_506 = tpu.memref_slice %arg7[%scan3A_253, %swap3A, %swap3A_505] : memref<4x128x64xf32, #tpu.memory_space<vmem>> -> memref<1x128x64xf32, #tpu.memory_space<vmem>>
        %swap3A_507 = tpu.memref_squeeze %swap3A_506 : memref<1x128x64xf32, #tpu.memory_space<vmem>> -> memref<128x64xf32, #tpu.memory_space<vmem>>
        %swap3A_508 = arith.index_cast %scan3A_495 : i32 to index
        %swap3A_509 = arith.constant 0 : index
        %swap3A_510 = tpu.vector_load %swap3A_507[%swap3A_508, %swap3A_509] {strides = array<i32>} : memref<128x64xf32, #tpu.memory_space<vmem>>, vector<1x16xf32>,
        %swap3A_511 = vector.shape_cast %swap3A_510 : vector<1x16xf32> to vector<16xf32>
        %swap3A_512 = vector.shape_cast %max3A_504 : vector<16xf32> to vector<1x16xf32>
        tpu.vector_store %swap3A_507[%swap3A_508, %swap3A_509], %swap3A_512 {strides = array<i32>} : memref<128x64xf32, #tpu.memory_space<vmem>>, vector<1x16xf32>,
        %get3A_513 = arith.constant 0 : i32
        %get3A_514 = arith.constant 0 : i32
        %get3A_515 = tpu.memref_slice %arg7[%scan3A_253, %get3A_513, %get3A_514] : memref<4x128x64xf32, #tpu.memory_space<vmem>> -> memref<1x128x64xf32, #tpu.memory_space<vmem>>
        %get3A_516 = tpu.memref_squeeze %get3A_515 : memref<1x128x64xf32, #tpu.memory_space<vmem>> -> memref<128x64xf32, #tpu.memory_space<vmem>>
        %get3A_517 = arith.index_cast %scan3A_495 : i32 to index
        %get3A_518 = arith.constant 16 : index
        %get3A_519 = tpu.vector_load %get3A_516[%get3A_517, %get3A_518] {strides = array<i32>} : memref<128x64xf32, #tpu.memory_space<vmem>>, vector<1x16xf32>,
        %get3A_520 = vector.shape_cast %get3A_519 : vector<1x16xf32> to vector<16xf32>
        %max3A_521 = arith.constant 0.000000e+00 : f32
        %max3A_522 = vector.broadcast %max3A_521 : f32 to vector<16xf32>
        %max3A_523 = arith.maximumf %get3A_520, %max3A_522 : vector<16xf32>
        %swap3A_524 = arith.constant 0 : i32
        %swap3A_525 = arith.constant 0 : i32
        %swap3A_526 = tpu.memref_slice %arg7[%scan3A_253, %swap3A_524, %swap3A_525] : memref<4x128x64xf32, #tpu.memory_space<vmem>> -> memref<1x128x64xf32, #tpu.memory_space<vmem>>
        %swap3A_527 = tpu.memref_squeeze %swap3A_526 : memref<1x128x64xf32, #tpu.memory_space<vmem>> -> memref<128x64xf32, #tpu.memory_space<vmem>>
        %swap3A_528 = arith.index_cast %scan3A_495 : i32 to index
        %swap3A_529 = arith.constant 16 : index
        %swap3A_530 = tpu.vector_load %swap3A_527[%swap3A_528, %swap3A_529] {strides = array<i32>} : memref<128x64xf32, #tpu.memory_space<vmem>>, vector<1x16xf32>,
        %swap3A_531 = vector.shape_cast %swap3A_530 : vector<1x16xf32> to vector<16xf32>
        %swap3A_532 = vector.shape_cast %max3A_523 : vector<16xf32> to vector<1x16xf32>
        tpu.vector_store %swap3A_527[%swap3A_528, %swap3A_529], %swap3A_532 {strides = array<i32>} : memref<128x64xf32, #tpu.memory_space<vmem>>, vector<1x16xf32>,
        %get3A_533 = arith.constant 0 : i32
        %get3A_534 = arith.constant 0 : i32
        %get3A_535 = tpu.memref_slice %arg7[%scan3A_253, %get3A_533, %get3A_534] : memref<4x128x64xf32, #tpu.memory_space<vmem>> -> memref<1x128x64xf32, #tpu.memory_space<vmem>>
        %get3A_536 = tpu.memref_squeeze %get3A_535 : memref<1x128x64xf32, #tpu.memory_space<vmem>> -> memref<128x64xf32, #tpu.memory_space<vmem>>
        %get3A_537 = arith.index_cast %scan3A_495 : i32 to index
        %get3A_538 = arith.constant 32 : index
        %get3A_539 = tpu.vector_load %get3A_536[%get3A_537, %get3A_538] {strides = array<i32>} : memref<128x64xf32, #tpu.memory_space<vmem>>, vector<1x16xf32>,
        %get3A_540 = vector.shape_cast %get3A_539 : vector<1x16xf32> to vector<16xf32>
        %max3A_541 = arith.constant 0.000000e+00 : f32
        %max3A_542 = vector.broadcast %max3A_541 : f32 to vector<16xf32>
        %max3A_543 = arith.maximumf %get3A_540, %max3A_542 : vector<16xf32>
        %swap3A_544 = arith.constant 0 : i32
        %swap3A_545 = arith.constant 0 : i32
        %swap3A_546 = tpu.memref_slice %arg7[%scan3A_253, %swap3A_544, %swap3A_545] : memref<4x128x64xf32, #tpu.memory_space<vmem>> -> memref<1x128x64xf32, #tpu.memory_space<vmem>>
        %swap3A_547 = tpu.memref_squeeze %swap3A_546 : memref<1x128x64xf32, #tpu.memory_space<vmem>> -> memref<128x64xf32, #tpu.memory_space<vmem>>
        %swap3A_548 = arith.index_cast %scan3A_495 : i32 to index
        %swap3A_549 = arith.constant 32 : index
        %swap3A_550 = tpu.vector_load %swap3A_547[%swap3A_548, %swap3A_549] {strides = array<i32>} : memref<128x64xf32, #tpu.memory_space<vmem>>, vector<1x16xf32>,
        %swap3A_551 = vector.shape_cast %swap3A_550 : vector<1x16xf32> to vector<16xf32>
        %swap3A_552 = vector.shape_cast %max3A_543 : vector<16xf32> to vector<1x16xf32>
        tpu.vector_store %swap3A_547[%swap3A_548, %swap3A_549], %swap3A_552 {strides = array<i32>} : memref<128x64xf32, #tpu.memory_space<vmem>>, vector<1x16xf32>,
        %get3A_553 = arith.constant 0 : i32
        %get3A_554 = arith.constant 0 : i32
        %get3A_555 = tpu.memref_slice %arg7[%scan3A_253, %get3A_553, %get3A_554] : memref<4x128x64xf32, #tpu.memory_space<vmem>> -> memref<1x128x64xf32, #tpu.memory_space<vmem>>
        %get3A_556 = tpu.memref_squeeze %get3A_555 : memref<1x128x64xf32, #tpu.memory_space<vmem>> -> memref<128x64xf32, #tpu.memory_space<vmem>>
        %get3A_557 = arith.index_cast %scan3A_495 : i32 to index
        %get3A_558 = arith.constant 48 : index
        %get3A_559 = tpu.vector_load %get3A_556[%get3A_557, %get3A_558] {strides = array<i32>} : memref<128x64xf32, #tpu.memory_space<vmem>>, vector<1x16xf32>,
        %get3A_560 = vector.shape_cast %get3A_559 : vector<1x16xf32> to vector<16xf32>
        %max3A_561 = arith.constant 0.000000e+00 : f32
        %max3A_562 = vector.broadcast %max3A_561 : f32 to vector<16xf32>
        %max3A_563 = arith.maximumf %get3A_560, %max3A_562 : vector<16xf32>
        %swap3A_564 = arith.constant 0 : i32
        %swap3A_565 = arith.constant 0 : i32
        %swap3A_566 = tpu.memref_slice %arg7[%scan3A_253, %swap3A_564, %swap3A_565] : memref<4x128x64xf32, #tpu.memory_space<vmem>> -> memref<1x128x64xf32, #tpu.memory_space<vmem>>
        %swap3A_567 = tpu.memref_squeeze %swap3A_566 : memref<1x128x64xf32, #tpu.memory_space<vmem>> -> memref<128x64xf32, #tpu.memory_space<vmem>>
        %swap3A_568 = arith.index_cast %scan3A_495 : i32 to index
        %swap3A_569 = arith.constant 48 : index
        %swap3A_570 = tpu.vector_load %swap3A_567[%swap3A_568, %swap3A_569] {strides = array<i32>} : memref<128x64xf32, #tpu.memory_space<vmem>>, vector<1x16xf32>,
        %swap3A_571 = vector.shape_cast %swap3A_570 : vector<1x16xf32> to vector<16xf32>
        %swap3A_572 = vector.shape_cast %max3A_563 : vector<16xf32> to vector<1x16xf32>
        tpu.vector_store %swap3A_567[%swap3A_568, %swap3A_569], %swap3A_572 {strides = array<i32>} : memref<128x64xf32, #tpu.memory_space<vmem>>, vector<1x16xf32>,
      }
      %scan3A_258 = arith.constant 128 : i32
      %mul3A_259 = arith.constant 64 : i32
      %mul3A_260 = arith.muli %arg0, %mul3A_259 : i32
      %dma_start3A_261 = arith.constant 0 : i32
      %dma_start3A_262 = arith.constant 0 : i32
      %dma_start3A_263 = arith.constant 0 : i32
      %dma_start3A_264 = tpu.memref_slice %arg7[%dma_start3A_261, %dma_start3A_262, %dma_start3A_263] : memref<4x128x64xf32, #tpu.memory_space<vmem>> -> memref<1x128x64xf32, #tpu.memory_space<vmem>>
      %dma_start3A_265 = tpu.memref_squeeze %dma_start3A_264 : memref<1x128x64xf32, #tpu.memory_space<vmem>> -> memref<128x64xf32, #tpu.memory_space<vmem>>
      %dma_start3A_266 = tpu.memref_slice %arg6[%mul3A_190, %mul3A_260] : memref<10000x128xf32, #tpu.memory_space<hbm>> -> memref<128x64xf32, #tpu.memory_space<hbm>>
      %dma_start3A_267 = tpu.memref_slice %arg6[%mul3A_190, %mul3A_260] : memref<10000x128xf32, #tpu.memory_space<hbm>> -> memref<128x64xf32, #tpu.memory_space<hbm>>
      %dma_start3A_268 = arith.constant 0 : i32
      %dma_start3A_269 = arith.constant 0 : i32
      %dma_start3A_270 = tpu.memref_slice %arg7[%dma_start3A_261, %dma_start3A_268, %dma_start3A_269] : memref<4x128x64xf32, #tpu.memory_space<vmem>> -> memref<1x128x64xf32, #tpu.memory_space<vmem>>
      %dma_start3A_271 = tpu.memref_squeeze %dma_start3A_270 : memref<1x128x64xf32, #tpu.memory_space<vmem>> -> memref<128x64xf32, #tpu.memory_space<vmem>>
      tpu.enqueue_dma source(%dma_start3A_271 : memref<128x64xf32, #tpu.memory_space<vmem>>) target(%dma_start3A_267 : memref<128x64xf32, #tpu.memory_space<hbm>>) target_semaphore(%arg16 : memref<!tpu.dma_semaphore, #tpu.memory_space<semaphore_mem>>)
      %mul3A_272 = arith.constant 64 : i32
      %mul3A_273 = arith.muli %arg0, %mul3A_272 : i32
      %dma_wait3A_274 = arith.constant 0 : i32
      %dma_wait3A_275 = arith.constant 0 : i32
      %dma_wait3A_276 = arith.constant 0 : i32
      %dma_wait3A_277 = tpu.memref_slice %arg7[%dma_wait3A_274, %dma_wait3A_275, %dma_wait3A_276] : memref<4x128x64xf32, #tpu.memory_space<vmem>> -> memref<1x128x64xf32, #tpu.memory_space<vmem>>
      %dma_wait3A_278 = tpu.memref_squeeze %dma_wait3A_277 : memref<1x128x64xf32, #tpu.memory_space<vmem>> -> memref<128x64xf32, #tpu.memory_space<vmem>>
      %dma_wait3A_279 = tpu.memref_slice %arg6[%mul3A_190, %mul3A_273] : memref<10000x128xf32, #tpu.memory_space<hbm>> -> memref<128x64xf32, #tpu.memory_space<hbm>>
      %dma_wait3A_280 = tpu.memref_slice %arg6[%mul3A_190, %mul3A_273] : memref<10000x128xf32, #tpu.memory_space<hbm>> -> memref<128x64xf32, #tpu.memory_space<hbm>>
      %dma_wait3A_281 = arith.constant 0 : i32
      %dma_wait3A_282 = arith.constant 0 : i32
      %dma_wait3A_283 = tpu.memref_slice %arg7[%dma_wait3A_274, %dma_wait3A_281, %dma_wait3A_282] : memref<4x128x64xf32, #tpu.memory_space<vmem>> -> memref<1x128x64xf32, #tpu.memory_space<vmem>>
      %dma_wait3A_284 = tpu.memref_squeeze %dma_wait3A_283 : memref<1x128x64xf32, #tpu.memory_space<vmem>> -> memref<128x64xf32, #tpu.memory_space<vmem>>
      tpu.wait_dma2 semaphore(%arg16 : memref<!tpu.dma_semaphore, #tpu.memory_space<semaphore_mem>>) src(%dma_wait3A_284 : memref<128x64xf32, #tpu.memory_space<vmem>>) dst(%dma_wait3A_280 : memref<128x64xf32, #tpu.memory_space<hbm>>)
      %dma_start3A_285 = arith.constant 0 : i32
      %dma_start3A_286 = arith.constant 0 : i32
      %dma_start3A_287 = arith.constant 0 : i32
      %dma_start3A_288 = tpu.memref_slice %arg7[%dma_start3A_285, %dma_start3A_286, %dma_start3A_287] : memref<4x128x64xf32, #tpu.memory_space<vmem>> -> memref<1x128x64xf32, #tpu.memory_space<vmem>>
      %dma_start3A_289 = tpu.memref_squeeze %dma_start3A_288 : memref<1x128x64xf32, #tpu.memory_space<vmem>> -> memref<128x64xf32, #tpu.memory_space<vmem>>
      %dma_start3A_290 = arith.constant 0 : i32
      %dma_start3A_291 = tpu.memref_slice %arg10[%add3A_195, %dma_start3A_290] : memref<10112x64xf32, #tpu.memory_space<vmem_shared>> -> memref<128x64xf32, #tpu.memory_space<vmem_shared>>
      %dma_start3A_292 = arith.constant 0 : i32
      %dma_start3A_293 = arith.constant 0 : i32
      %dma_start3A_294 = tpu.memref_slice %arg7[%dma_start3A_285, %dma_start3A_292, %dma_start3A_293] : memref<4x128x64xf32, #tpu.memory_space<vmem>> -> memref<1x128x64xf32, #tpu.memory_space<vmem>>
      %dma_start3A_295 = tpu.memref_squeeze %dma_start3A_294 : memref<1x128x64xf32, #tpu.memory_space<vmem>> -> memref<128x64xf32, #tpu.memory_space<vmem>>
      %dma_start3A_296 = arith.constant 0 : i32
      %dma_start3A_297 = tpu.memref_slice %arg10[%add3A_195, %dma_start3A_296] : memref<10112x64xf32, #tpu.memory_space<vmem_shared>> -> memref<128x64xf32, #tpu.memory_space<vmem_shared>>
      tpu.enqueue_dma source(%dma_start3A_297 : memref<128x64xf32, #tpu.memory_space<vmem_shared>>) target(%dma_start3A_295 : memref<128x64xf32, #tpu.memory_space<vmem>>) target_semaphore(%arg12 : memref<!tpu.dma_semaphore, #tpu.memory_space<semaphore_mem>>)
      %dma_wait3A_298 = arith.constant 1 : i32
      %dma_wait3A_299 = arith.constant 0 : i32
      %dma_wait3A_300 = arith.constant 0 : i32
      %dma_wait3A_301 = tpu.memref_slice %arg7[%dma_wait3A_298, %dma_wait3A_299, %dma_wait3A_300] : memref<4x128x64xf32, #tpu.memory_space<vmem>> -> memref<1x128x64xf32, #tpu.memory_space<vmem>>
      %dma_wait3A_302 = tpu.memref_squeeze %dma_wait3A_301 : memref<1x128x64xf32, #tpu.memory_space<vmem>> -> memref<128x64xf32, #tpu.memory_space<vmem>>
      %dma_wait3A_303 = arith.constant 0 : i32
      %dma_wait3A_304 = tpu.memref_slice %arg10[%add3A_191, %dma_wait3A_303] : memref<10112x64xf32, #tpu.memory_space<vmem_shared>> -> memref<128x64xf32, #tpu.memory_space<vmem_shared>>
      %dma_wait3A_305 = arith.constant 0 : i32
      %dma_wait3A_306 = arith.constant 0 : i32
      %dma_wait3A_307 = tpu.memref_slice %arg7[%dma_wait3A_298, %dma_wait3A_305, %dma_wait3A_306] : memref<4x128x64xf32, #tpu.memory_space<vmem>> -> memref<1x128x64xf32, #tpu.memory_space<vmem>>
      %dma_wait3A_308 = tpu.memref_squeeze %dma_wait3A_307 : memref<1x128x64xf32, #tpu.memory_space<vmem>> -> memref<128x64xf32, #tpu.memory_space<vmem>>
      %dma_wait3A_309 = arith.constant 0 : i32
      %dma_wait3A_310 = tpu.memref_slice %arg10[%add3A_191, %dma_wait3A_309] : memref<10112x64xf32, #tpu.memory_space<vmem_shared>> -> memref<128x64xf32, #tpu.memory_space<vmem_shared>>
      tpu.wait_dma2 semaphore(%arg13 : memref<!tpu.dma_semaphore, #tpu.memory_space<semaphore_mem>>) src(%dma_wait3A_310 : memref<128x64xf32, #tpu.memory_space<vmem_shared>>) dst(%dma_wait3A_308 : memref<128x64xf32, #tpu.memory_space<vmem>>)
      %scan3A_311 = arith.constant 0 : i32
      %scan3A_312 = arith.constant 1 : i32
      %scan3A_313 = arith.constant 0 : i32
      %scan3A_314 = arith.constant 128 : i32
      %scan3A_315 = arith.addi %scan3A_313, %scan3A_314 : i32
      %scan3A_316 = arith.constant 1 : i32
      scf.for %scan3A_495 = %scan3A_313 to %scan3A_315 step %scan3A_316  : i32 {
        %get3A = arith.constant 0 : i32
        %get3A_496 = arith.constant 0 : i32
        %get3A_497 = tpu.memref_slice %arg7[%scan3A_312, %get3A, %get3A_496] : memref<4x128x64xf32, #tpu.memory_space<vmem>> -> memref<1x128x64xf32, #tpu.memory_space<vmem>>
        %get3A_498 = tpu.memref_squeeze %get3A_497 : memref<1x128x64xf32, #tpu.memory_space<vmem>> -> memref<128x64xf32, #tpu.memory_space<vmem>>
        %get3A_499 = arith.index_cast %scan3A_495 : i32 to index
        %get3A_500 = arith.constant 0 : index
        %get3A_501 = tpu.vector_load %get3A_498[%get3A_499, %get3A_500] {strides = array<i32>} : memref<128x64xf32, #tpu.memory_space<vmem>>, vector<1x16xf32>,
        %get3A_502 = vector.shape_cast %get3A_501 : vector<1x16xf32> to vector<16xf32>
        %max3A = arith.constant 0.000000e+00 : f32
        %max3A_503 = vector.broadcast %max3A : f32 to vector<16xf32>
        %max3A_504 = arith.maximumf %get3A_502, %max3A_503 : vector<16xf32>
        %swap3A = arith.constant 0 : i32
        %swap3A_505 = arith.constant 0 : i32
        %swap3A_506 = tpu.memref_slice %arg7[%scan3A_312, %swap3A, %swap3A_505] : memref<4x128x64xf32, #tpu.memory_space<vmem>> -> memref<1x128x64xf32, #tpu.memory_space<vmem>>
        %swap3A_507 = tpu.memref_squeeze %swap3A_506 : memref<1x128x64xf32, #tpu.memory_space<vmem>> -> memref<128x64xf32, #tpu.memory_space<vmem>>
        %swap3A_508 = arith.index_cast %scan3A_495 : i32 to index
        %swap3A_509 = arith.constant 0 : index
        %swap3A_510 = tpu.vector_load %swap3A_507[%swap3A_508, %swap3A_509] {strides = array<i32>} : memref<128x64xf32, #tpu.memory_space<vmem>>, vector<1x16xf32>,
        %swap3A_511 = vector.shape_cast %swap3A_510 : vector<1x16xf32> to vector<16xf32>
        %swap3A_512 = vector.shape_cast %max3A_504 : vector<16xf32> to vector<1x16xf32>
        tpu.vector_store %swap3A_507[%swap3A_508, %swap3A_509], %swap3A_512 {strides = array<i32>} : memref<128x64xf32, #tpu.memory_space<vmem>>, vector<1x16xf32>,
        %get3A_513 = arith.constant 0 : i32
        %get3A_514 = arith.constant 0 : i32
        %get3A_515 = tpu.memref_slice %arg7[%scan3A_312, %get3A_513, %get3A_514] : memref<4x128x64xf32, #tpu.memory_space<vmem>> -> memref<1x128x64xf32, #tpu.memory_space<vmem>>
        %get3A_516 = tpu.memref_squeeze %get3A_515 : memref<1x128x64xf32, #tpu.memory_space<vmem>> -> memref<128x64xf32, #tpu.memory_space<vmem>>
        %get3A_517 = arith.index_cast %scan3A_495 : i32 to index
        %get3A_518 = arith.constant 16 : index
        %get3A_519 = tpu.vector_load %get3A_516[%get3A_517, %get3A_518] {strides = array<i32>} : memref<128x64xf32, #tpu.memory_space<vmem>>, vector<1x16xf32>,
        %get3A_520 = vector.shape_cast %get3A_519 : vector<1x16xf32> to vector<16xf32>
        %max3A_521 = arith.constant 0.000000e+00 : f32
        %max3A_522 = vector.broadcast %max3A_521 : f32 to vector<16xf32>
        %max3A_523 = arith.maximumf %get3A_520, %max3A_522 : vector<16xf32>
        %swap3A_524 = arith.constant 0 : i32
        %swap3A_525 = arith.constant 0 : i32
        %swap3A_526 = tpu.memref_slice %arg7[%scan3A_312, %swap3A_524, %swap3A_525] : memref<4x128x64xf32, #tpu.memory_space<vmem>> -> memref<1x128x64xf32, #tpu.memory_space<vmem>>
        %swap3A_527 = tpu.memref_squeeze %swap3A_526 : memref<1x128x64xf32, #tpu.memory_space<vmem>> -> memref<128x64xf32, #tpu.memory_space<vmem>>
        %swap3A_528 = arith.index_cast %scan3A_495 : i32 to index
        %swap3A_529 = arith.constant 16 : index
        %swap3A_530 = tpu.vector_load %swap3A_527[%swap3A_528, %swap3A_529] {strides = array<i32>} : memref<128x64xf32, #tpu.memory_space<vmem>>, vector<1x16xf32>,
        %swap3A_531 = vector.shape_cast %swap3A_530 : vector<1x16xf32> to vector<16xf32>
        %swap3A_532 = vector.shape_cast %max3A_523 : vector<16xf32> to vector<1x16xf32>
        tpu.vector_store %swap3A_527[%swap3A_528, %swap3A_529], %swap3A_532 {strides = array<i32>} : memref<128x64xf32, #tpu.memory_space<vmem>>, vector<1x16xf32>,
        %get3A_533 = arith.constant 0 : i32
        %get3A_534 = arith.constant 0 : i32
        %get3A_535 = tpu.memref_slice %arg7[%scan3A_312, %get3A_533, %get3A_534] : memref<4x128x64xf32, #tpu.memory_space<vmem>> -> memref<1x128x64xf32, #tpu.memory_space<vmem>>
        %get3A_536 = tpu.memref_squeeze %get3A_535 : memref<1x128x64xf32, #tpu.memory_space<vmem>> -> memref<128x64xf32, #tpu.memory_space<vmem>>
        %get3A_537 = arith.index_cast %scan3A_495 : i32 to index
        %get3A_538 = arith.constant 32 : index
        %get3A_539 = tpu.vector_load %get3A_536[%get3A_537, %get3A_538] {strides = array<i32>} : memref<128x64xf32, #tpu.memory_space<vmem>>, vector<1x16xf32>,
        %get3A_540 = vector.shape_cast %get3A_539 : vector<1x16xf32> to vector<16xf32>
        %max3A_541 = arith.constant 0.000000e+00 : f32
        %max3A_542 = vector.broadcast %max3A_541 : f32 to vector<16xf32>
        %max3A_543 = arith.maximumf %get3A_540, %max3A_542 : vector<16xf32>
        %swap3A_544 = arith.constant 0 : i32
        %swap3A_545 = arith.constant 0 : i32
        %swap3A_546 = tpu.memref_slice %arg7[%scan3A_312, %swap3A_544, %swap3A_545] : memref<4x128x64xf32, #tpu.memory_space<vmem>> -> memref<1x128x64xf32, #tpu.memory_space<vmem>>
        %swap3A_547 = tpu.memref_squeeze %swap3A_546 : memref<1x128x64xf32, #tpu.memory_space<vmem>> -> memref<128x64xf32, #tpu.memory_space<vmem>>
        %swap3A_548 = arith.index_cast %scan3A_495 : i32 to index
        %swap3A_549 = arith.constant 32 : index
        %swap3A_550 = tpu.vector_load %swap3A_547[%swap3A_548, %swap3A_549] {strides = array<i32>} : memref<128x64xf32, #tpu.memory_space<vmem>>, vector<1x16xf32>,
        %swap3A_551 = vector.shape_cast %swap3A_550 : vector<1x16xf32> to vector<16xf32>
        %swap3A_552 = vector.shape_cast %max3A_543 : vector<16xf32> to vector<1x16xf32>
        tpu.vector_store %swap3A_547[%swap3A_548, %swap3A_549], %swap3A_552 {strides = array<i32>} : memref<128x64xf32, #tpu.memory_space<vmem>>, vector<1x16xf32>,
        %get3A_553 = arith.constant 0 : i32
        %get3A_554 = arith.constant 0 : i32
        %get3A_555 = tpu.memref_slice %arg7[%scan3A_312, %get3A_553, %get3A_554] : memref<4x128x64xf32, #tpu.memory_space<vmem>> -> memref<1x128x64xf32, #tpu.memory_space<vmem>>
        %get3A_556 = tpu.memref_squeeze %get3A_555 : memref<1x128x64xf32, #tpu.memory_space<vmem>> -> memref<128x64xf32, #tpu.memory_space<vmem>>
        %get3A_557 = arith.index_cast %scan3A_495 : i32 to index
        %get3A_558 = arith.constant 48 : index
        %get3A_559 = tpu.vector_load %get3A_556[%get3A_557, %get3A_558] {strides = array<i32>} : memref<128x64xf32, #tpu.memory_space<vmem>>, vector<1x16xf32>,
        %get3A_560 = vector.shape_cast %get3A_559 : vector<1x16xf32> to vector<16xf32>
        %max3A_561 = arith.constant 0.000000e+00 : f32
        %max3A_562 = vector.broadcast %max3A_561 : f32 to vector<16xf32>
        %max3A_563 = arith.maximumf %get3A_560, %max3A_562 : vector<16xf32>
        %swap3A_564 = arith.constant 0 : i32
        %swap3A_565 = arith.constant 0 : i32
        %swap3A_566 = tpu.memref_slice %arg7[%scan3A_312, %swap3A_564, %swap3A_565] : memref<4x128x64xf32, #tpu.memory_space<vmem>> -> memref<1x128x64xf32, #tpu.memory_space<vmem>>
        %swap3A_567 = tpu.memref_squeeze %swap3A_566 : memref<1x128x64xf32, #tpu.memory_space<vmem>> -> memref<128x64xf32, #tpu.memory_space<vmem>>
        %swap3A_568 = arith.index_cast %scan3A_495 : i32 to index
        %swap3A_569 = arith.constant 48 : index
        %swap3A_570 = tpu.vector_load %swap3A_567[%swap3A_568, %swap3A_569] {strides = array<i32>} : memref<128x64xf32, #tpu.memory_space<vmem>>, vector<1x16xf32>,
        %swap3A_571 = vector.shape_cast %swap3A_570 : vector<1x16xf32> to vector<16xf32>
        %swap3A_572 = vector.shape_cast %max3A_563 : vector<16xf32> to vector<1x16xf32>
        tpu.vector_store %swap3A_567[%swap3A_568, %swap3A_569], %swap3A_572 {strides = array<i32>} : memref<128x64xf32, #tpu.memory_space<vmem>>, vector<1x16xf32>,
      }
      %scan3A_317 = arith.constant 128 : i32
      %mul3A_318 = arith.constant 64 : i32
      %mul3A_319 = arith.muli %arg0, %mul3A_318 : i32
      %dma_start3A_320 = arith.constant 1 : i32
      %dma_start3A_321 = arith.constant 0 : i32
      %dma_start3A_322 = arith.constant 0 : i32
      %dma_start3A_323 = tpu.memref_slice %arg7[%dma_start3A_320, %dma_start3A_321, %dma_start3A_322] : memref<4x128x64xf32, #tpu.memory_space<vmem>> -> memref<1x128x64xf32, #tpu.memory_space<vmem>>
      %dma_start3A_324 = tpu.memref_squeeze %dma_start3A_323 : memref<1x128x64xf32, #tpu.memory_space<vmem>> -> memref<128x64xf32, #tpu.memory_space<vmem>>
      %dma_start3A_325 = tpu.memref_slice %arg6[%add3A_191, %mul3A_319] : memref<10000x128xf32, #tpu.memory_space<hbm>> -> memref<128x64xf32, #tpu.memory_space<hbm>>
      %dma_start3A_326 = tpu.memref_slice %arg6[%add3A_191, %mul3A_319] : memref<10000x128xf32, #tpu.memory_space<hbm>> -> memref<128x64xf32, #tpu.memory_space<hbm>>
      %dma_start3A_327 = arith.constant 0 : i32
      %dma_start3A_328 = arith.constant 0 : i32
      %dma_start3A_329 = tpu.memref_slice %arg7[%dma_start3A_320, %dma_start3A_327, %dma_start3A_328] : memref<4x128x64xf32, #tpu.memory_space<vmem>> -> memref<1x128x64xf32, #tpu.memory_space<vmem>>
      %dma_start3A_330 = tpu.memref_squeeze %dma_start3A_329 : memref<1x128x64xf32, #tpu.memory_space<vmem>> -> memref<128x64xf32, #tpu.memory_space<vmem>>
      tpu.enqueue_dma source(%dma_start3A_330 : memref<128x64xf32, #tpu.memory_space<vmem>>) target(%dma_start3A_326 : memref<128x64xf32, #tpu.memory_space<hbm>>) target_semaphore(%arg17 : memref<!tpu.dma_semaphore, #tpu.memory_space<semaphore_mem>>)
      %mul3A_331 = arith.constant 64 : i32
      %mul3A_332 = arith.muli %arg0, %mul3A_331 : i32
      %dma_wait3A_333 = arith.constant 1 : i32
      %dma_wait3A_334 = arith.constant 0 : i32
      %dma_wait3A_335 = arith.constant 0 : i32
      %dma_wait3A_336 = tpu.memref_slice %arg7[%dma_wait3A_333, %dma_wait3A_334, %dma_wait3A_335] : memref<4x128x64xf32, #tpu.memory_space<vmem>> -> memref<1x128x64xf32, #tpu.memory_space<vmem>>
      %dma_wait3A_337 = tpu.memref_squeeze %dma_wait3A_336 : memref<1x128x64xf32, #tpu.memory_space<vmem>> -> memref<128x64xf32, #tpu.memory_space<vmem>>
      %dma_wait3A_338 = tpu.memref_slice %arg6[%add3A_191, %mul3A_332] : memref<10000x128xf32, #tpu.memory_space<hbm>> -> memref<128x64xf32, #tpu.memory_space<hbm>>
      %dma_wait3A_339 = tpu.memref_slice %arg6[%add3A_191, %mul3A_332] : memref<10000x128xf32, #tpu.memory_space<hbm>> -> memref<128x64xf32, #tpu.memory_space<hbm>>
      %dma_wait3A_340 = arith.constant 0 : i32
      %dma_wait3A_341 = arith.constant 0 : i32
      %dma_wait3A_342 = tpu.memref_slice %arg7[%dma_wait3A_333, %dma_wait3A_340, %dma_wait3A_341] : memref<4x128x64xf32, #tpu.memory_space<vmem>> -> memref<1x128x64xf32, #tpu.memory_space<vmem>>
      %dma_wait3A_343 = tpu.memref_squeeze %dma_wait3A_342 : memref<1x128x64xf32, #tpu.memory_space<vmem>> -> memref<128x64xf32, #tpu.memory_space<vmem>>
      tpu.wait_dma2 semaphore(%arg17 : memref<!tpu.dma_semaphore, #tpu.memory_space<semaphore_mem>>) src(%dma_wait3A_343 : memref<128x64xf32, #tpu.memory_space<vmem>>) dst(%dma_wait3A_339 : memref<128x64xf32, #tpu.memory_space<hbm>>)
      %dma_start3A_344 = arith.constant 1 : i32
      %dma_start3A_345 = arith.constant 0 : i32
      %dma_start3A_346 = arith.constant 0 : i32
      %dma_start3A_347 = tpu.memref_slice %arg7[%dma_start3A_344, %dma_start3A_345, %dma_start3A_346] : memref<4x128x64xf32, #tpu.memory_space<vmem>> -> memref<1x120x64xf32, #tpu.memory_space<vmem>>
      %dma_start3A_348 = tpu.memref_squeeze %dma_start3A_347 : memref<1x120x64xf32, #tpu.memory_space<vmem>> -> memref<120x64xf32, #tpu.memory_space<vmem>>
      %dma_start3A_349 = arith.constant 0 : i32
      %dma_start3A_350 = tpu.memref_slice %arg10[%add3A_197, %dma_start3A_349] : memref<10112x64xf32, #tpu.memory_space<vmem_shared>> -> memref<120x64xf32, #tpu.memory_space<vmem_shared>>
      %dma_start3A_351 = arith.constant 0 : i32
      %dma_start3A_352 = arith.constant 0 : i32
      %dma_start3A_353 = tpu.memref_slice %arg7[%dma_start3A_344, %dma_start3A_351, %dma_start3A_352] : memref<4x128x64xf32, #tpu.memory_space<vmem>> -> memref<1x120x64xf32, #tpu.memory_space<vmem>>
      %dma_start3A_354 = tpu.memref_squeeze %dma_start3A_353 : memref<1x120x64xf32, #tpu.memory_space<vmem>> -> memref<120x64xf32, #tpu.memory_space<vmem>>
      %dma_start3A_355 = arith.constant 0 : i32
      %dma_start3A_356 = tpu.memref_slice %arg10[%add3A_197, %dma_start3A_355] : memref<10112x64xf32, #tpu.memory_space<vmem_shared>> -> memref<120x64xf32, #tpu.memory_space<vmem_shared>>
      tpu.enqueue_dma source(%dma_start3A_356 : memref<120x64xf32, #tpu.memory_space<vmem_shared>>) target(%dma_start3A_354 : memref<120x64xf32, #tpu.memory_space<vmem>>) target_semaphore(%arg13 : memref<!tpu.dma_semaphore, #tpu.memory_space<semaphore_mem>>)
      %dma_wait3A_357 = arith.constant 2 : i32
      %dma_wait3A_358 = arith.constant 0 : i32
      %dma_wait3A_359 = arith.constant 0 : i32
      %dma_wait3A_360 = tpu.memref_slice %arg7[%dma_wait3A_357, %dma_wait3A_358, %dma_wait3A_359] : memref<4x128x64xf32, #tpu.memory_space<vmem>> -> memref<1x128x64xf32, #tpu.memory_space<vmem>>
      %dma_wait3A_361 = tpu.memref_squeeze %dma_wait3A_360 : memref<1x128x64xf32, #tpu.memory_space<vmem>> -> memref<128x64xf32, #tpu.memory_space<vmem>>
      %dma_wait3A_362 = arith.constant 0 : i32
      %dma_wait3A_363 = tpu.memref_slice %arg10[%add3A_193, %dma_wait3A_362] : memref<10112x64xf32, #tpu.memory_space<vmem_shared>> -> memref<128x64xf32, #tpu.memory_space<vmem_shared>>
      %dma_wait3A_364 = arith.constant 0 : i32
      %dma_wait3A_365 = arith.constant 0 : i32
      %dma_wait3A_366 = tpu.memref_slice %arg7[%dma_wait3A_357, %dma_wait3A_364, %dma_wait3A_365] : memref<4x128x64xf32, #tpu.memory_space<vmem>> -> memref<1x128x64xf32, #tpu.memory_space<vmem>>
      %dma_wait3A_367 = tpu.memref_squeeze %dma_wait3A_366 : memref<1x128x64xf32, #tpu.memory_space<vmem>> -> memref<128x64xf32, #tpu.memory_space<vmem>>
      %dma_wait3A_368 = arith.constant 0 : i32
      %dma_wait3A_369 = tpu.memref_slice %arg10[%add3A_193, %dma_wait3A_368] : memref<10112x64xf32, #tpu.memory_space<vmem_shared>> -> memref<128x64xf32, #tpu.memory_space<vmem_shared>>
      tpu.wait_dma2 semaphore(%arg14 : memref<!tpu.dma_semaphore, #tpu.memory_space<semaphore_mem>>) src(%dma_wait3A_369 : memref<128x64xf32, #tpu.memory_space<vmem_shared>>) dst(%dma_wait3A_367 : memref<128x64xf32, #tpu.memory_space<vmem>>)
      %scan3A_370 = arith.constant 0 : i32
      %scan3A_371 = arith.constant 2 : i32
      %scan3A_372 = arith.constant 0 : i32
      %scan3A_373 = arith.constant 128 : i32
      %scan3A_374 = arith.addi %scan3A_372, %scan3A_373 : i32
      %scan3A_375 = arith.constant 1 : i32
      scf.for %scan3A_495 = %scan3A_372 to %scan3A_374 step %scan3A_375  : i32 {
        %get3A = arith.constant 0 : i32
        %get3A_496 = arith.constant 0 : i32
        %get3A_497 = tpu.memref_slice %arg7[%scan3A_371, %get3A, %get3A_496] : memref<4x128x64xf32, #tpu.memory_space<vmem>> -> memref<1x128x64xf32, #tpu.memory_space<vmem>>
        %get3A_498 = tpu.memref_squeeze %get3A_497 : memref<1x128x64xf32, #tpu.memory_space<vmem>> -> memref<128x64xf32, #tpu.memory_space<vmem>>
        %get3A_499 = arith.index_cast %scan3A_495 : i32 to index
        %get3A_500 = arith.constant 0 : index
        %get3A_501 = tpu.vector_load %get3A_498[%get3A_499, %get3A_500] {strides = array<i32>} : memref<128x64xf32, #tpu.memory_space<vmem>>, vector<1x16xf32>,
        %get3A_502 = vector.shape_cast %get3A_501 : vector<1x16xf32> to vector<16xf32>
        %max3A = arith.constant 0.000000e+00 : f32
        %max3A_503 = vector.broadcast %max3A : f32 to vector<16xf32>
        %max3A_504 = arith.maximumf %get3A_502, %max3A_503 : vector<16xf32>
        %swap3A = arith.constant 0 : i32
        %swap3A_505 = arith.constant 0 : i32
        %swap3A_506 = tpu.memref_slice %arg7[%scan3A_371, %swap3A, %swap3A_505] : memref<4x128x64xf32, #tpu.memory_space<vmem>> -> memref<1x128x64xf32, #tpu.memory_space<vmem>>
        %swap3A_507 = tpu.memref_squeeze %swap3A_506 : memref<1x128x64xf32, #tpu.memory_space<vmem>> -> memref<128x64xf32, #tpu.memory_space<vmem>>
        %swap3A_508 = arith.index_cast %scan3A_495 : i32 to index
        %swap3A_509 = arith.constant 0 : index
        %swap3A_510 = tpu.vector_load %swap3A_507[%swap3A_508, %swap3A_509] {strides = array<i32>} : memref<128x64xf32, #tpu.memory_space<vmem>>, vector<1x16xf32>,
        %swap3A_511 = vector.shape_cast %swap3A_510 : vector<1x16xf32> to vector<16xf32>
        %swap3A_512 = vector.shape_cast %max3A_504 : vector<16xf32> to vector<1x16xf32>
        tpu.vector_store %swap3A_507[%swap3A_508, %swap3A_509], %swap3A_512 {strides = array<i32>} : memref<128x64xf32, #tpu.memory_space<vmem>>, vector<1x16xf32>,
        %get3A_513 = arith.constant 0 : i32
        %get3A_514 = arith.constant 0 : i32
        %get3A_515 = tpu.memref_slice %arg7[%scan3A_371, %get3A_513, %get3A_514] : memref<4x128x64xf32, #tpu.memory_space<vmem>> -> memref<1x128x64xf32, #tpu.memory_space<vmem>>
        %get3A_516 = tpu.memref_squeeze %get3A_515 : memref<1x128x64xf32, #tpu.memory_space<vmem>> -> memref<128x64xf32, #tpu.memory_space<vmem>>
        %get3A_517 = arith.index_cast %scan3A_495 : i32 to index
        %get3A_518 = arith.constant 16 : index
        %get3A_519 = tpu.vector_load %get3A_516[%get3A_517, %get3A_518] {strides = array<i32>} : memref<128x64xf32, #tpu.memory_space<vmem>>, vector<1x16xf32>,
        %get3A_520 = vector.shape_cast %get3A_519 : vector<1x16xf32> to vector<16xf32>
        %max3A_521 = arith.constant 0.000000e+00 : f32
        %max3A_522 = vector.broadcast %max3A_521 : f32 to vector<16xf32>
        %max3A_523 = arith.maximumf %get3A_520, %max3A_522 : vector<16xf32>
        %swap3A_524 = arith.constant 0 : i32
        %swap3A_525 = arith.constant 0 : i32
        %swap3A_526 = tpu.memref_slice %arg7[%scan3A_371, %swap3A_524, %swap3A_525] : memref<4x128x64xf32, #tpu.memory_space<vmem>> -> memref<1x128x64xf32, #tpu.memory_space<vmem>>
        %swap3A_527 = tpu.memref_squeeze %swap3A_526 : memref<1x128x64xf32, #tpu.memory_space<vmem>> -> memref<128x64xf32, #tpu.memory_space<vmem>>
        %swap3A_528 = arith.index_cast %scan3A_495 : i32 to index
        %swap3A_529 = arith.constant 16 : index
        %swap3A_530 = tpu.vector_load %swap3A_527[%swap3A_528, %swap3A_529] {strides = array<i32>} : memref<128x64xf32, #tpu.memory_space<vmem>>, vector<1x16xf32>,
        %swap3A_531 = vector.shape_cast %swap3A_530 : vector<1x16xf32> to vector<16xf32>
        %swap3A_532 = vector.shape_cast %max3A_523 : vector<16xf32> to vector<1x16xf32>
        tpu.vector_store %swap3A_527[%swap3A_528, %swap3A_529], %swap3A_532 {strides = array<i32>} : memref<128x64xf32, #tpu.memory_space<vmem>>, vector<1x16xf32>,
        %get3A_533 = arith.constant 0 : i32
        %get3A_534 = arith.constant 0 : i32
        %get3A_535 = tpu.memref_slice %arg7[%scan3A_371, %get3A_533, %get3A_534] : memref<4x128x64xf32, #tpu.memory_space<vmem>> -> memref<1x128x64xf32, #tpu.memory_space<vmem>>
        %get3A_536 = tpu.memref_squeeze %get3A_535 : memref<1x128x64xf32, #tpu.memory_space<vmem>> -> memref<128x64xf32, #tpu.memory_space<vmem>>
        %get3A_537 = arith.index_cast %scan3A_495 : i32 to index
        %get3A_538 = arith.constant 32 : index
        %get3A_539 = tpu.vector_load %get3A_536[%get3A_537, %get3A_538] {strides = array<i32>} : memref<128x64xf32, #tpu.memory_space<vmem>>, vector<1x16xf32>,
        %get3A_540 = vector.shape_cast %get3A_539 : vector<1x16xf32> to vector<16xf32>
        %max3A_541 = arith.constant 0.000000e+00 : f32
        %max3A_542 = vector.broadcast %max3A_541 : f32 to vector<16xf32>
        %max3A_543 = arith.maximumf %get3A_540, %max3A_542 : vector<16xf32>
        %swap3A_544 = arith.constant 0 : i32
        %swap3A_545 = arith.constant 0 : i32
        %swap3A_546 = tpu.memref_slice %arg7[%scan3A_371, %swap3A_544, %swap3A_545] : memref<4x128x64xf32, #tpu.memory_space<vmem>> -> memref<1x128x64xf32, #tpu.memory_space<vmem>>
        %swap3A_547 = tpu.memref_squeeze %swap3A_546 : memref<1x128x64xf32, #tpu.memory_space<vmem>> -> memref<128x64xf32, #tpu.memory_space<vmem>>
        %swap3A_548 = arith.index_cast %scan3A_495 : i32 to index
        %swap3A_549 = arith.constant 32 : index
        %swap3A_550 = tpu.vector_load %swap3A_547[%swap3A_548, %swap3A_549] {strides = array<i32>} : memref<128x64xf32, #tpu.memory_space<vmem>>, vector<1x16xf32>,
        %swap3A_551 = vector.shape_cast %swap3A_550 : vector<1x16xf32> to vector<16xf32>
        %swap3A_552 = vector.shape_cast %max3A_543 : vector<16xf32> to vector<1x16xf32>
        tpu.vector_store %swap3A_547[%swap3A_548, %swap3A_549], %swap3A_552 {strides = array<i32>} : memref<128x64xf32, #tpu.memory_space<vmem>>, vector<1x16xf32>,
        %get3A_553 = arith.constant 0 : i32
        %get3A_554 = arith.constant 0 : i32
        %get3A_555 = tpu.memref_slice %arg7[%scan3A_371, %get3A_553, %get3A_554] : memref<4x128x64xf32, #tpu.memory_space<vmem>> -> memref<1x128x64xf32, #tpu.memory_space<vmem>>
        %get3A_556 = tpu.memref_squeeze %get3A_555 : memref<1x128x64xf32, #tpu.memory_space<vmem>> -> memref<128x64xf32, #tpu.memory_space<vmem>>
        %get3A_557 = arith.index_cast %scan3A_495 : i32 to index
        %get3A_558 = arith.constant 48 : index
        %get3A_559 = tpu.vector_load %get3A_556[%get3A_557, %get3A_558] {strides = array<i32>} : memref<128x64xf32, #tpu.memory_space<vmem>>, vector<1x16xf32>,
        %get3A_560 = vector.shape_cast %get3A_559 : vector<1x16xf32> to vector<16xf32>
        %max3A_561 = arith.constant 0.000000e+00 : f32
        %max3A_562 = vector.broadcast %max3A_561 : f32 to vector<16xf32>
        %max3A_563 = arith.maximumf %get3A_560, %max3A_562 : vector<16xf32>
        %swap3A_564 = arith.constant 0 : i32
        %swap3A_565 = arith.constant 0 : i32
        %swap3A_566 = tpu.memref_slice %arg7[%scan3A_371, %swap3A_564, %swap3A_565] : memref<4x128x64xf32, #tpu.memory_space<vmem>> -> memref<1x128x64xf32, #tpu.memory_space<vmem>>
        %swap3A_567 = tpu.memref_squeeze %swap3A_566 : memref<1x128x64xf32, #tpu.memory_space<vmem>> -> memref<128x64xf32, #tpu.memory_space<vmem>>
        %swap3A_568 = arith.index_cast %scan3A_495 : i32 to index
        %swap3A_569 = arith.constant 48 : index
        %swap3A_570 = tpu.vector_load %swap3A_567[%swap3A_568, %swap3A_569] {strides = array<i32>} : memref<128x64xf32, #tpu.memory_space<vmem>>, vector<1x16xf32>,
        %swap3A_571 = vector.shape_cast %swap3A_570 : vector<1x16xf32> to vector<16xf32>
        %swap3A_572 = vector.shape_cast %max3A_563 : vector<16xf32> to vector<1x16xf32>
        tpu.vector_store %swap3A_567[%swap3A_568, %swap3A_569], %swap3A_572 {strides = array<i32>} : memref<128x64xf32, #tpu.memory_space<vmem>>, vector<1x16xf32>,
      }
      %scan3A_376 = arith.constant 128 : i32
      %mul3A_377 = arith.constant 64 : i32
      %mul3A_378 = arith.muli %arg0, %mul3A_377 : i32
      %dma_start3A_379 = arith.constant 2 : i32
      %dma_start3A_380 = arith.constant 0 : i32
      %dma_start3A_381 = arith.constant 0 : i32
      %dma_start3A_382 = tpu.memref_slice %arg7[%dma_start3A_379, %dma_start3A_380, %dma_start3A_381] : memref<4x128x64xf32, #tpu.memory_space<vmem>> -> memref<1x128x64xf32, #tpu.memory_space<vmem>>
      %dma_start3A_383 = tpu.memref_squeeze %dma_start3A_382 : memref<1x128x64xf32, #tpu.memory_space<vmem>> -> memref<128x64xf32, #tpu.memory_space<vmem>>
      %dma_start3A_384 = tpu.memref_slice %arg6[%add3A_193, %mul3A_378] : memref<10000x128xf32, #tpu.memory_space<hbm>> -> memref<128x64xf32, #tpu.memory_space<hbm>>
      %dma_start3A_385 = tpu.memref_slice %arg6[%add3A_193, %mul3A_378] : memref<10000x128xf32, #tpu.memory_space<hbm>> -> memref<128x64xf32, #tpu.memory_space<hbm>>
      %dma_start3A_386 = arith.constant 0 : i32
      %dma_start3A_387 = arith.constant 0 : i32
      %dma_start3A_388 = tpu.memref_slice %arg7[%dma_start3A_379, %dma_start3A_386, %dma_start3A_387] : memref<4x128x64xf32, #tpu.memory_space<vmem>> -> memref<1x128x64xf32, #tpu.memory_space<vmem>>
      %dma_start3A_389 = tpu.memref_squeeze %dma_start3A_388 : memref<1x128x64xf32, #tpu.memory_space<vmem>> -> memref<128x64xf32, #tpu.memory_space<vmem>>
      tpu.enqueue_dma source(%dma_start3A_389 : memref<128x64xf32, #tpu.memory_space<vmem>>) target(%dma_start3A_385 : memref<128x64xf32, #tpu.memory_space<hbm>>) target_semaphore(%arg18 : memref<!tpu.dma_semaphore, #tpu.memory_space<semaphore_mem>>)
      %dma_wait3A_390 = arith.constant 0 : i32
      %dma_wait3A_391 = arith.constant 0 : i32
      %dma_wait3A_392 = arith.constant 0 : i32
      %dma_wait3A_393 = tpu.memref_slice %arg7[%dma_wait3A_390, %dma_wait3A_391, %dma_wait3A_392] : memref<4x128x64xf32, #tpu.memory_space<vmem>> -> memref<1x128x64xf32, #tpu.memory_space<vmem>>
      %dma_wait3A_394 = tpu.memref_squeeze %dma_wait3A_393 : memref<1x128x64xf32, #tpu.memory_space<vmem>> -> memref<128x64xf32, #tpu.memory_space<vmem>>
      %dma_wait3A_395 = arith.constant 0 : i32
      %dma_wait3A_396 = tpu.memref_slice %arg10[%add3A_195, %dma_wait3A_395] : memref<10112x64xf32, #tpu.memory_space<vmem_shared>> -> memref<128x64xf32, #tpu.memory_space<vmem_shared>>
      %dma_wait3A_397 = arith.constant 0 : i32
      %dma_wait3A_398 = arith.constant 0 : i32
      %dma_wait3A_399 = tpu.memref_slice %arg7[%dma_wait3A_390, %dma_wait3A_397, %dma_wait3A_398] : memref<4x128x64xf32, #tpu.memory_space<vmem>> -> memref<1x128x64xf32, #tpu.memory_space<vmem>>
      %dma_wait3A_400 = tpu.memref_squeeze %dma_wait3A_399 : memref<1x128x64xf32, #tpu.memory_space<vmem>> -> memref<128x64xf32, #tpu.memory_space<vmem>>
      %dma_wait3A_401 = arith.constant 0 : i32
      %dma_wait3A_402 = tpu.memref_slice %arg10[%add3A_195, %dma_wait3A_401] : memref<10112x64xf32, #tpu.memory_space<vmem_shared>> -> memref<128x64xf32, #tpu.memory_space<vmem_shared>>
      tpu.wait_dma2 semaphore(%arg12 : memref<!tpu.dma_semaphore, #tpu.memory_space<semaphore_mem>>) src(%dma_wait3A_402 : memref<128x64xf32, #tpu.memory_space<vmem_shared>>) dst(%dma_wait3A_400 : memref<128x64xf32, #tpu.memory_space<vmem>>)
      %scan3A_403 = arith.constant 0 : i32
      %scan3A_404 = arith.constant 0 : i32
      %scan3A_405 = arith.constant 0 : i32
      %scan3A_406 = arith.constant 128 : i32
      %scan3A_407 = arith.addi %scan3A_405, %scan3A_406 : i32
      %scan3A_408 = arith.constant 1 : i32
      scf.for %scan3A_495 = %scan3A_405 to %scan3A_407 step %scan3A_408  : i32 {
        %get3A = arith.constant 0 : i32
        %get3A_496 = arith.constant 0 : i32
        %get3A_497 = tpu.memref_slice %arg7[%scan3A_404, %get3A, %get3A_496] : memref<4x128x64xf32, #tpu.memory_space<vmem>> -> memref<1x128x64xf32, #tpu.memory_space<vmem>>
        %get3A_498 = tpu.memref_squeeze %get3A_497 : memref<1x128x64xf32, #tpu.memory_space<vmem>> -> memref<128x64xf32, #tpu.memory_space<vmem>>
        %get3A_499 = arith.index_cast %scan3A_495 : i32 to index
        %get3A_500 = arith.constant 0 : index
        %get3A_501 = tpu.vector_load %get3A_498[%get3A_499, %get3A_500] {strides = array<i32>} : memref<128x64xf32, #tpu.memory_space<vmem>>, vector<1x16xf32>,
        %get3A_502 = vector.shape_cast %get3A_501 : vector<1x16xf32> to vector<16xf32>
        %max3A = arith.constant 0.000000e+00 : f32
        %max3A_503 = vector.broadcast %max3A : f32 to vector<16xf32>
        %max3A_504 = arith.maximumf %get3A_502, %max3A_503 : vector<16xf32>
        %swap3A = arith.constant 0 : i32
        %swap3A_505 = arith.constant 0 : i32
        %swap3A_506 = tpu.memref_slice %arg7[%scan3A_404, %swap3A, %swap3A_505] : memref<4x128x64xf32, #tpu.memory_space<vmem>> -> memref<1x128x64xf32, #tpu.memory_space<vmem>>
        %swap3A_507 = tpu.memref_squeeze %swap3A_506 : memref<1x128x64xf32, #tpu.memory_space<vmem>> -> memref<128x64xf32, #tpu.memory_space<vmem>>
        %swap3A_508 = arith.index_cast %scan3A_495 : i32 to index
        %swap3A_509 = arith.constant 0 : index
        %swap3A_510 = tpu.vector_load %swap3A_507[%swap3A_508, %swap3A_509] {strides = array<i32>} : memref<128x64xf32, #tpu.memory_space<vmem>>, vector<1x16xf32>,
        %swap3A_511 = vector.shape_cast %swap3A_510 : vector<1x16xf32> to vector<16xf32>
        %swap3A_512 = vector.shape_cast %max3A_504 : vector<16xf32> to vector<1x16xf32>
        tpu.vector_store %swap3A_507[%swap3A_508, %swap3A_509], %swap3A_512 {strides = array<i32>} : memref<128x64xf32, #tpu.memory_space<vmem>>, vector<1x16xf32>,
        %get3A_513 = arith.constant 0 : i32
        %get3A_514 = arith.constant 0 : i32
        %get3A_515 = tpu.memref_slice %arg7[%scan3A_404, %get3A_513, %get3A_514] : memref<4x128x64xf32, #tpu.memory_space<vmem>> -> memref<1x128x64xf32, #tpu.memory_space<vmem>>
        %get3A_516 = tpu.memref_squeeze %get3A_515 : memref<1x128x64xf32, #tpu.memory_space<vmem>> -> memref<128x64xf32, #tpu.memory_space<vmem>>
        %get3A_517 = arith.index_cast %scan3A_495 : i32 to index
        %get3A_518 = arith.constant 16 : index
        %get3A_519 = tpu.vector_load %get3A_516[%get3A_517, %get3A_518] {strides = array<i32>} : memref<128x64xf32, #tpu.memory_space<vmem>>, vector<1x16xf32>,
        %get3A_520 = vector.shape_cast %get3A_519 : vector<1x16xf32> to vector<16xf32>
        %max3A_521 = arith.constant 0.000000e+00 : f32
        %max3A_522 = vector.broadcast %max3A_521 : f32 to vector<16xf32>
        %max3A_523 = arith.maximumf %get3A_520, %max3A_522 : vector<16xf32>
        %swap3A_524 = arith.constant 0 : i32
        %swap3A_525 = arith.constant 0 : i32
        %swap3A_526 = tpu.memref_slice %arg7[%scan3A_404, %swap3A_524, %swap3A_525] : memref<4x128x64xf32, #tpu.memory_space<vmem>> -> memref<1x128x64xf32, #tpu.memory_space<vmem>>
        %swap3A_527 = tpu.memref_squeeze %swap3A_526 : memref<1x128x64xf32, #tpu.memory_space<vmem>> -> memref<128x64xf32, #tpu.memory_space<vmem>>
        %swap3A_528 = arith.index_cast %scan3A_495 : i32 to index
        %swap3A_529 = arith.constant 16 : index
        %swap3A_530 = tpu.vector_load %swap3A_527[%swap3A_528, %swap3A_529] {strides = array<i32>} : memref<128x64xf32, #tpu.memory_space<vmem>>, vector<1x16xf32>,
        %swap3A_531 = vector.shape_cast %swap3A_530 : vector<1x16xf32> to vector<16xf32>
        %swap3A_532 = vector.shape_cast %max3A_523 : vector<16xf32> to vector<1x16xf32>
        tpu.vector_store %swap3A_527[%swap3A_528, %swap3A_529], %swap3A_532 {strides = array<i32>} : memref<128x64xf32, #tpu.memory_space<vmem>>, vector<1x16xf32>,
        %get3A_533 = arith.constant 0 : i32
        %get3A_534 = arith.constant 0 : i32
        %get3A_535 = tpu.memref_slice %arg7[%scan3A_404, %get3A_533, %get3A_534] : memref<4x128x64xf32, #tpu.memory_space<vmem>> -> memref<1x128x64xf32, #tpu.memory_space<vmem>>
        %get3A_536 = tpu.memref_squeeze %get3A_535 : memref<1x128x64xf32, #tpu.memory_space<vmem>> -> memref<128x64xf32, #tpu.memory_space<vmem>>
        %get3A_537 = arith.index_cast %scan3A_495 : i32 to index
        %get3A_538 = arith.constant 32 : index
        %get3A_539 = tpu.vector_load %get3A_536[%get3A_537, %get3A_538] {strides = array<i32>} : memref<128x64xf32, #tpu.memory_space<vmem>>, vector<1x16xf32>,
        %get3A_540 = vector.shape_cast %get3A_539 : vector<1x16xf32> to vector<16xf32>
        %max3A_541 = arith.constant 0.000000e+00 : f32
        %max3A_542 = vector.broadcast %max3A_541 : f32 to vector<16xf32>
        %max3A_543 = arith.maximumf %get3A_540, %max3A_542 : vector<16xf32>
        %swap3A_544 = arith.constant 0 : i32
        %swap3A_545 = arith.constant 0 : i32
        %swap3A_546 = tpu.memref_slice %arg7[%scan3A_404, %swap3A_544, %swap3A_545] : memref<4x128x64xf32, #tpu.memory_space<vmem>> -> memref<1x128x64xf32, #tpu.memory_space<vmem>>
        %swap3A_547 = tpu.memref_squeeze %swap3A_546 : memref<1x128x64xf32, #tpu.memory_space<vmem>> -> memref<128x64xf32, #tpu.memory_space<vmem>>
        %swap3A_548 = arith.index_cast %scan3A_495 : i32 to index
        %swap3A_549 = arith.constant 32 : index
        %swap3A_550 = tpu.vector_load %swap3A_547[%swap3A_548, %swap3A_549] {strides = array<i32>} : memref<128x64xf32, #tpu.memory_space<vmem>>, vector<1x16xf32>,
        %swap3A_551 = vector.shape_cast %swap3A_550 : vector<1x16xf32> to vector<16xf32>
        %swap3A_552 = vector.shape_cast %max3A_543 : vector<16xf32> to vector<1x16xf32>
        tpu.vector_store %swap3A_547[%swap3A_548, %swap3A_549], %swap3A_552 {strides = array<i32>} : memref<128x64xf32, #tpu.memory_space<vmem>>, vector<1x16xf32>,
        %get3A_553 = arith.constant 0 : i32
        %get3A_554 = arith.constant 0 : i32
        %get3A_555 = tpu.memref_slice %arg7[%scan3A_404, %get3A_553, %get3A_554] : memref<4x128x64xf32, #tpu.memory_space<vmem>> -> memref<1x128x64xf32, #tpu.memory_space<vmem>>
        %get3A_556 = tpu.memref_squeeze %get3A_555 : memref<1x128x64xf32, #tpu.memory_space<vmem>> -> memref<128x64xf32, #tpu.memory_space<vmem>>
        %get3A_557 = arith.index_cast %scan3A_495 : i32 to index
        %get3A_558 = arith.constant 48 : index
        %get3A_559 = tpu.vector_load %get3A_556[%get3A_557, %get3A_558] {strides = array<i32>} : memref<128x64xf32, #tpu.memory_space<vmem>>, vector<1x16xf32>,
        %get3A_560 = vector.shape_cast %get3A_559 : vector<1x16xf32> to vector<16xf32>
        %max3A_561 = arith.constant 0.000000e+00 : f32
        %max3A_562 = vector.broadcast %max3A_561 : f32 to vector<16xf32>
        %max3A_563 = arith.maximumf %get3A_560, %max3A_562 : vector<16xf32>
        %swap3A_564 = arith.constant 0 : i32
        %swap3A_565 = arith.constant 0 : i32
        %swap3A_566 = tpu.memref_slice %arg7[%scan3A_404, %swap3A_564, %swap3A_565] : memref<4x128x64xf32, #tpu.memory_space<vmem>> -> memref<1x128x64xf32, #tpu.memory_space<vmem>>
        %swap3A_567 = tpu.memref_squeeze %swap3A_566 : memref<1x128x64xf32, #tpu.memory_space<vmem>> -> memref<128x64xf32, #tpu.memory_space<vmem>>
        %swap3A_568 = arith.index_cast %scan3A_495 : i32 to index
        %swap3A_569 = arith.constant 48 : index
        %swap3A_570 = tpu.vector_load %swap3A_567[%swap3A_568, %swap3A_569] {strides = array<i32>} : memref<128x64xf32, #tpu.memory_space<vmem>>, vector<1x16xf32>,
        %swap3A_571 = vector.shape_cast %swap3A_570 : vector<1x16xf32> to vector<16xf32>
        %swap3A_572 = vector.shape_cast %max3A_563 : vector<16xf32> to vector<1x16xf32>
        tpu.vector_store %swap3A_567[%swap3A_568, %swap3A_569], %swap3A_572 {strides = array<i32>} : memref<128x64xf32, #tpu.memory_space<vmem>>, vector<1x16xf32>,
      }
      %scan3A_409 = arith.constant 128 : i32
      %mul3A_410 = arith.constant 64 : i32
      %mul3A_411 = arith.muli %arg0, %mul3A_410 : i32
      %dma_start3A_412 = arith.constant 0 : i32
      %dma_start3A_413 = arith.constant 0 : i32
      %dma_start3A_414 = arith.constant 0 : i32
      %dma_start3A_415 = tpu.memref_slice %arg7[%dma_start3A_412, %dma_start3A_413, %dma_start3A_414] : memref<4x128x64xf32, #tpu.memory_space<vmem>> -> memref<1x128x64xf32, #tpu.memory_space<vmem>>
      %dma_start3A_416 = tpu.memref_squeeze %dma_start3A_415 : memref<1x128x64xf32, #tpu.memory_space<vmem>> -> memref<128x64xf32, #tpu.memory_space<vmem>>
      %dma_start3A_417 = tpu.memref_slice %arg6[%add3A_195, %mul3A_411] : memref<10000x128xf32, #tpu.memory_space<hbm>> -> memref<128x64xf32, #tpu.memory_space<hbm>>
      %dma_start3A_418 = tpu.memref_slice %arg6[%add3A_195, %mul3A_411] : memref<10000x128xf32, #tpu.memory_space<hbm>> -> memref<128x64xf32, #tpu.memory_space<hbm>>
      %dma_start3A_419 = arith.constant 0 : i32
      %dma_start3A_420 = arith.constant 0 : i32
      %dma_start3A_421 = tpu.memref_slice %arg7[%dma_start3A_412, %dma_start3A_419, %dma_start3A_420] : memref<4x128x64xf32, #tpu.memory_space<vmem>> -> memref<1x128x64xf32, #tpu.memory_space<vmem>>
      %dma_start3A_422 = tpu.memref_squeeze %dma_start3A_421 : memref<1x128x64xf32, #tpu.memory_space<vmem>> -> memref<128x64xf32, #tpu.memory_space<vmem>>
      tpu.enqueue_dma source(%dma_start3A_422 : memref<128x64xf32, #tpu.memory_space<vmem>>) target(%dma_start3A_418 : memref<128x64xf32, #tpu.memory_space<hbm>>) target_semaphore(%arg16 : memref<!tpu.dma_semaphore, #tpu.memory_space<semaphore_mem>>)
      %dma_wait3A_423 = arith.constant 1 : i32
      %dma_wait3A_424 = arith.constant 0 : i32
      %dma_wait3A_425 = arith.constant 0 : i32
      %dma_wait3A_426 = tpu.memref_slice %arg7[%dma_wait3A_423, %dma_wait3A_424, %dma_wait3A_425] : memref<4x128x64xf32, #tpu.memory_space<vmem>> -> memref<1x120x64xf32, #tpu.memory_space<vmem>>
      %dma_wait3A_427 = tpu.memref_squeeze %dma_wait3A_426 : memref<1x120x64xf32, #tpu.memory_space<vmem>> -> memref<120x64xf32, #tpu.memory_space<vmem>>
      %dma_wait3A_428 = arith.constant 0 : i32
      %dma_wait3A_429 = tpu.memref_slice %arg10[%add3A_197, %dma_wait3A_428] : memref<10112x64xf32, #tpu.memory_space<vmem_shared>> -> memref<120x64xf32, #tpu.memory_space<vmem_shared>>
      %dma_wait3A_430 = arith.constant 0 : i32
      %dma_wait3A_431 = arith.constant 0 : i32
      %dma_wait3A_432 = tpu.memref_slice %arg7[%dma_wait3A_423, %dma_wait3A_430, %dma_wait3A_431] : memref<4x128x64xf32, #tpu.memory_space<vmem>> -> memref<1x120x64xf32, #tpu.memory_space<vmem>>
      %dma_wait3A_433 = tpu.memref_squeeze %dma_wait3A_432 : memref<1x120x64xf32, #tpu.memory_space<vmem>> -> memref<120x64xf32, #tpu.memory_space<vmem>>
      %dma_wait3A_434 = arith.constant 0 : i32
      %dma_wait3A_435 = tpu.memref_slice %arg10[%add3A_197, %dma_wait3A_434] : memref<10112x64xf32, #tpu.memory_space<vmem_shared>> -> memref<120x64xf32, #tpu.memory_space<vmem_shared>>
      tpu.wait_dma2 semaphore(%arg13 : memref<!tpu.dma_semaphore, #tpu.memory_space<semaphore_mem>>) src(%dma_wait3A_435 : memref<120x64xf32, #tpu.memory_space<vmem_shared>>) dst(%dma_wait3A_433 : memref<120x64xf32, #tpu.memory_space<vmem>>)
      %scan3A_436 = arith.constant 0 : i32
      %scan3A_437 = arith.constant 1 : i32
      %scan3A_438 = arith.constant 0 : i32
      %scan3A_439 = arith.constant 120 : i32
      %scan3A_440 = arith.addi %scan3A_438, %scan3A_439 : i32
      %scan3A_441 = arith.constant 1 : i32
      scf.for %scan3A_495 = %scan3A_438 to %scan3A_440 step %scan3A_441  : i32 {
        %get3A = arith.constant 0 : i32
        %get3A_496 = arith.constant 0 : i32
        %get3A_497 = tpu.memref_slice %arg7[%scan3A_437, %get3A, %get3A_496] : memref<4x128x64xf32, #tpu.memory_space<vmem>> -> memref<1x128x64xf32, #tpu.memory_space<vmem>>
        %get3A_498 = tpu.memref_squeeze %get3A_497 : memref<1x128x64xf32, #tpu.memory_space<vmem>> -> memref<128x64xf32, #tpu.memory_space<vmem>>
        %get3A_499 = arith.index_cast %scan3A_495 : i32 to index
        %get3A_500 = arith.constant 0 : index
        %get3A_501 = tpu.vector_load %get3A_498[%get3A_499, %get3A_500] {strides = array<i32>} : memref<128x64xf32, #tpu.memory_space<vmem>>, vector<1x16xf32>,
        %get3A_502 = vector.shape_cast %get3A_501 : vector<1x16xf32> to vector<16xf32>
        %max3A = arith.constant 0.000000e+00 : f32
        %max3A_503 = vector.broadcast %max3A : f32 to vector<16xf32>
        %max3A_504 = arith.maximumf %get3A_502, %max3A_503 : vector<16xf32>
        %swap3A = arith.constant 0 : i32
        %swap3A_505 = arith.constant 0 : i32
        %swap3A_506 = tpu.memref_slice %arg7[%scan3A_437, %swap3A, %swap3A_505] : memref<4x128x64xf32, #tpu.memory_space<vmem>> -> memref<1x128x64xf32, #tpu.memory_space<vmem>>
        %swap3A_507 = tpu.memref_squeeze %swap3A_506 : memref<1x128x64xf32, #tpu.memory_space<vmem>> -> memref<128x64xf32, #tpu.memory_space<vmem>>
        %swap3A_508 = arith.index_cast %scan3A_495 : i32 to index
        %swap3A_509 = arith.constant 0 : index
        %swap3A_510 = tpu.vector_load %swap3A_507[%swap3A_508, %swap3A_509] {strides = array<i32>} : memref<128x64xf32, #tpu.memory_space<vmem>>, vector<1x16xf32>,
        %swap3A_511 = vector.shape_cast %swap3A_510 : vector<1x16xf32> to vector<16xf32>
        %swap3A_512 = vector.shape_cast %max3A_504 : vector<16xf32> to vector<1x16xf32>
        tpu.vector_store %swap3A_507[%swap3A_508, %swap3A_509], %swap3A_512 {strides = array<i32>} : memref<128x64xf32, #tpu.memory_space<vmem>>, vector<1x16xf32>,
        %get3A_513 = arith.constant 0 : i32
        %get3A_514 = arith.constant 0 : i32
        %get3A_515 = tpu.memref_slice %arg7[%scan3A_437, %get3A_513, %get3A_514] : memref<4x128x64xf32, #tpu.memory_space<vmem>> -> memref<1x128x64xf32, #tpu.memory_space<vmem>>
        %get3A_516 = tpu.memref_squeeze %get3A_515 : memref<1x128x64xf32, #tpu.memory_space<vmem>> -> memref<128x64xf32, #tpu.memory_space<vmem>>
        %get3A_517 = arith.index_cast %scan3A_495 : i32 to index
        %get3A_518 = arith.constant 16 : index
        %get3A_519 = tpu.vector_load %get3A_516[%get3A_517, %get3A_518] {strides = array<i32>} : memref<128x64xf32, #tpu.memory_space<vmem>>, vector<1x16xf32>,
        %get3A_520 = vector.shape_cast %get3A_519 : vector<1x16xf32> to vector<16xf32>
        %max3A_521 = arith.constant 0.000000e+00 : f32
        %max3A_522 = vector.broadcast %max3A_521 : f32 to vector<16xf32>
        %max3A_523 = arith.maximumf %get3A_520, %max3A_522 : vector<16xf32>
        %swap3A_524 = arith.constant 0 : i32
        %swap3A_525 = arith.constant 0 : i32
        %swap3A_526 = tpu.memref_slice %arg7[%scan3A_437, %swap3A_524, %swap3A_525] : memref<4x128x64xf32, #tpu.memory_space<vmem>> -> memref<1x128x64xf32, #tpu.memory_space<vmem>>
        %swap3A_527 = tpu.memref_squeeze %swap3A_526 : memref<1x128x64xf32, #tpu.memory_space<vmem>> -> memref<128x64xf32, #tpu.memory_space<vmem>>
        %swap3A_528 = arith.index_cast %scan3A_495 : i32 to index
        %swap3A_529 = arith.constant 16 : index
        %swap3A_530 = tpu.vector_load %swap3A_527[%swap3A_528, %swap3A_529] {strides = array<i32>} : memref<128x64xf32, #tpu.memory_space<vmem>>, vector<1x16xf32>,
        %swap3A_531 = vector.shape_cast %swap3A_530 : vector<1x16xf32> to vector<16xf32>
        %swap3A_532 = vector.shape_cast %max3A_523 : vector<16xf32> to vector<1x16xf32>
        tpu.vector_store %swap3A_527[%swap3A_528, %swap3A_529], %swap3A_532 {strides = array<i32>} : memref<128x64xf32, #tpu.memory_space<vmem>>, vector<1x16xf32>,
        %get3A_533 = arith.constant 0 : i32
        %get3A_534 = arith.constant 0 : i32
        %get3A_535 = tpu.memref_slice %arg7[%scan3A_437, %get3A_533, %get3A_534] : memref<4x128x64xf32, #tpu.memory_space<vmem>> -> memref<1x128x64xf32, #tpu.memory_space<vmem>>
        %get3A_536 = tpu.memref_squeeze %get3A_535 : memref<1x128x64xf32, #tpu.memory_space<vmem>> -> memref<128x64xf32, #tpu.memory_space<vmem>>
        %get3A_537 = arith.index_cast %scan3A_495 : i32 to index
        %get3A_538 = arith.constant 32 : index
        %get3A_539 = tpu.vector_load %get3A_536[%get3A_537, %get3A_538] {strides = array<i32>} : memref<128x64xf32, #tpu.memory_space<vmem>>, vector<1x16xf32>,
        %get3A_540 = vector.shape_cast %get3A_539 : vector<1x16xf32> to vector<16xf32>
        %max3A_541 = arith.constant 0.000000e+00 : f32
        %max3A_542 = vector.broadcast %max3A_541 : f32 to vector<16xf32>
        %max3A_543 = arith.maximumf %get3A_540, %max3A_542 : vector<16xf32>
        %swap3A_544 = arith.constant 0 : i32
        %swap3A_545 = arith.constant 0 : i32
        %swap3A_546 = tpu.memref_slice %arg7[%scan3A_437, %swap3A_544, %swap3A_545] : memref<4x128x64xf32, #tpu.memory_space<vmem>> -> memref<1x128x64xf32, #tpu.memory_space<vmem>>
        %swap3A_547 = tpu.memref_squeeze %swap3A_546 : memref<1x128x64xf32, #tpu.memory_space<vmem>> -> memref<128x64xf32, #tpu.memory_space<vmem>>
        %swap3A_548 = arith.index_cast %scan3A_495 : i32 to index
        %swap3A_549 = arith.constant 32 : index
        %swap3A_550 = tpu.vector_load %swap3A_547[%swap3A_548, %swap3A_549] {strides = array<i32>} : memref<128x64xf32, #tpu.memory_space<vmem>>, vector<1x16xf32>,
        %swap3A_551 = vector.shape_cast %swap3A_550 : vector<1x16xf32> to vector<16xf32>
        %swap3A_552 = vector.shape_cast %max3A_543 : vector<16xf32> to vector<1x16xf32>
        tpu.vector_store %swap3A_547[%swap3A_548, %swap3A_549], %swap3A_552 {strides = array<i32>} : memref<128x64xf32, #tpu.memory_space<vmem>>, vector<1x16xf32>,
        %get3A_553 = arith.constant 0 : i32
        %get3A_554 = arith.constant 0 : i32
        %get3A_555 = tpu.memref_slice %arg7[%scan3A_437, %get3A_553, %get3A_554] : memref<4x128x64xf32, #tpu.memory_space<vmem>> -> memref<1x128x64xf32, #tpu.memory_space<vmem>>
        %get3A_556 = tpu.memref_squeeze %get3A_555 : memref<1x128x64xf32, #tpu.memory_space<vmem>> -> memref<128x64xf32, #tpu.memory_space<vmem>>
        %get3A_557 = arith.index_cast %scan3A_495 : i32 to index
        %get3A_558 = arith.constant 48 : index
        %get3A_559 = tpu.vector_load %get3A_556[%get3A_557, %get3A_558] {strides = array<i32>} : memref<128x64xf32, #tpu.memory_space<vmem>>, vector<1x16xf32>,
        %get3A_560 = vector.shape_cast %get3A_559 : vector<1x16xf32> to vector<16xf32>
        %max3A_561 = arith.constant 0.000000e+00 : f32
        %max3A_562 = vector.broadcast %max3A_561 : f32 to vector<16xf32>
        %max3A_563 = arith.maximumf %get3A_560, %max3A_562 : vector<16xf32>
        %swap3A_564 = arith.constant 0 : i32
        %swap3A_565 = arith.constant 0 : i32
        %swap3A_566 = tpu.memref_slice %arg7[%scan3A_437, %swap3A_564, %swap3A_565] : memref<4x128x64xf32, #tpu.memory_space<vmem>> -> memref<1x128x64xf32, #tpu.memory_space<vmem>>
        %swap3A_567 = tpu.memref_squeeze %swap3A_566 : memref<1x128x64xf32, #tpu.memory_space<vmem>> -> memref<128x64xf32, #tpu.memory_space<vmem>>
        %swap3A_568 = arith.index_cast %scan3A_495 : i32 to index
        %swap3A_569 = arith.constant 48 : index
        %swap3A_570 = tpu.vector_load %swap3A_567[%swap3A_568, %swap3A_569] {strides = array<i32>} : memref<128x64xf32, #tpu.memory_space<vmem>>, vector<1x16xf32>,
        %swap3A_571 = vector.shape_cast %swap3A_570 : vector<1x16xf32> to vector<16xf32>
        %swap3A_572 = vector.shape_cast %max3A_563 : vector<16xf32> to vector<1x16xf32>
        tpu.vector_store %swap3A_567[%swap3A_568, %swap3A_569], %swap3A_572 {strides = array<i32>} : memref<128x64xf32, #tpu.memory_space<vmem>>, vector<1x16xf32>,
      }
      %scan3A_442 = arith.constant 120 : i32
      %mul3A_443 = arith.constant 64 : i32
      %mul3A_444 = arith.muli %arg0, %mul3A_443 : i32
      %dma_start3A_445 = arith.constant 1 : i32
      %dma_start3A_446 = arith.constant 0 : i32
      %dma_start3A_447 = arith.constant 0 : i32
      %dma_start3A_448 = tpu.memref_slice %arg7[%dma_start3A_445, %dma_start3A_446, %dma_start3A_447] : memref<4x128x64xf32, #tpu.memory_space<vmem>> -> memref<1x120x64xf32, #tpu.memory_space<vmem>>
      %dma_start3A_449 = tpu.memref_squeeze %dma_start3A_448 : memref<1x120x64xf32, #tpu.memory_space<vmem>> -> memref<120x64xf32, #tpu.memory_space<vmem>>
      %dma_start3A_450 = tpu.memref_slice %arg6[%add3A_197, %mul3A_444] : memref<10000x128xf32, #tpu.memory_space<hbm>> -> memref<120x64xf32, #tpu.memory_space<hbm>>
      %dma_start3A_451 = tpu.memref_slice %arg6[%add3A_197, %mul3A_444] : memref<10000x128xf32, #tpu.memory_space<hbm>> -> memref<120x64xf32, #tpu.memory_space<hbm>>
      %dma_start3A_452 = arith.constant 0 : i32
      %dma_start3A_453 = arith.constant 0 : i32
      %dma_start3A_454 = tpu.memref_slice %arg7[%dma_start3A_445, %dma_start3A_452, %dma_start3A_453] : memref<4x128x64xf32, #tpu.memory_space<vmem>> -> memref<1x120x64xf32, #tpu.memory_space<vmem>>
      %dma_start3A_455 = tpu.memref_squeeze %dma_start3A_454 : memref<1x120x64xf32, #tpu.memory_space<vmem>> -> memref<120x64xf32, #tpu.memory_space<vmem>>
      tpu.enqueue_dma source(%dma_start3A_455 : memref<120x64xf32, #tpu.memory_space<vmem>>) target(%dma_start3A_451 : memref<120x64xf32, #tpu.memory_space<hbm>>) target_semaphore(%arg17 : memref<!tpu.dma_semaphore, #tpu.memory_space<semaphore_mem>>)
      %mul3A_456 = arith.constant 64 : i32
      %mul3A_457 = arith.muli %arg0, %mul3A_456 : i32
      %dma_wait3A_458 = arith.constant 2 : i32
      %dma_wait3A_459 = arith.constant 0 : i32
      %dma_wait3A_460 = arith.constant 0 : i32
      %dma_wait3A_461 = tpu.memref_slice %arg7[%dma_wait3A_458, %dma_wait3A_459, %dma_wait3A_460] : memref<4x128x64xf32, #tpu.memory_space<vmem>> -> memref<1x128x64xf32, #tpu.memory_space<vmem>>
      %dma_wait3A_462 = tpu.memref_squeeze %dma_wait3A_461 : memref<1x128x64xf32, #tpu.memory_space<vmem>> -> memref<128x64xf32, #tpu.memory_space<vmem>>
      %dma_wait3A_463 = tpu.memref_slice %arg6[%add3A_193, %mul3A_457] : memref<10000x128xf32, #tpu.memory_space<hbm>> -> memref<128x64xf32, #tpu.memory_space<hbm>>
      %dma_wait3A_464 = tpu.memref_slice %arg6[%add3A_193, %mul3A_457] : memref<10000x128xf32, #tpu.memory_space<hbm>> -> memref<128x64xf32, #tpu.memory_space<hbm>>
      %dma_wait3A_465 = arith.constant 0 : i32
      %dma_wait3A_466 = arith.constant 0 : i32
      %dma_wait3A_467 = tpu.memref_slice %arg7[%dma_wait3A_458, %dma_wait3A_465, %dma_wait3A_466] : memref<4x128x64xf32, #tpu.memory_space<vmem>> -> memref<1x128x64xf32, #tpu.memory_space<vmem>>
      %dma_wait3A_468 = tpu.memref_squeeze %dma_wait3A_467 : memref<1x128x64xf32, #tpu.memory_space<vmem>> -> memref<128x64xf32, #tpu.memory_space<vmem>>
      tpu.wait_dma2 semaphore(%arg18 : memref<!tpu.dma_semaphore, #tpu.memory_space<semaphore_mem>>) src(%dma_wait3A_468 : memref<128x64xf32, #tpu.memory_space<vmem>>) dst(%dma_wait3A_464 : memref<128x64xf32, #tpu.memory_space<hbm>>)
      %mul3A_469 = arith.constant 64 : i32
      %mul3A_470 = arith.muli %arg0, %mul3A_469 : i32
      %dma_wait3A_471 = arith.constant 0 : i32
      %dma_wait3A_472 = arith.constant 0 : i32
      %dma_wait3A_473 = arith.constant 0 : i32
      %dma_wait3A_474 = tpu.memref_slice %arg7[%dma_wait3A_471, %dma_wait3A_472, %dma_wait3A_473] : memref<4x128x64xf32, #tpu.memory_space<vmem>> -> memref<1x128x64xf32, #tpu.memory_space<vmem>>
      %dma_wait3A_475 = tpu.memref_squeeze %dma_wait3A_474 : memref<1x128x64xf32, #tpu.memory_space<vmem>> -> memref<128x64xf32, #tpu.memory_space<vmem>>
      %dma_wait3A_476 = tpu.memref_slice %arg6[%add3A_195, %mul3A_470] : memref<10000x128xf32, #tpu.memory_space<hbm>> -> memref<128x64xf32, #tpu.memory_space<hbm>>
      %dma_wait3A_477 = tpu.memref_slice %arg6[%add3A_195, %mul3A_470] : memref<10000x128xf32, #tpu.memory_space<hbm>> -> memref<128x64xf32, #tpu.memory_space<hbm>>
      %dma_wait3A_478 = arith.constant 0 : i32
      %dma_wait3A_479 = arith.constant 0 : i32
      %dma_wait3A_480 = tpu.memref_slice %arg7[%dma_wait3A_471, %dma_wait3A_478, %dma_wait3A_479] : memref<4x128x64xf32, #tpu.memory_space<vmem>> -> memref<1x128x64xf32, #tpu.memory_space<vmem>>
      %dma_wait3A_481 = tpu.memref_squeeze %dma_wait3A_480 : memref<1x128x64xf32, #tpu.memory_space<vmem>> -> memref<128x64xf32, #tpu.memory_space<vmem>>
      tpu.wait_dma2 semaphore(%arg16 : memref<!tpu.dma_semaphore, #tpu.memory_space<semaphore_mem>>) src(%dma_wait3A_481 : memref<128x64xf32, #tpu.memory_space<vmem>>) dst(%dma_wait3A_477 : memref<128x64xf32, #tpu.memory_space<hbm>>)
      %mul3A_482 = arith.constant 64 : i32
      %mul3A_483 = arith.muli %arg0, %mul3A_482 : i32
      %dma_wait3A_484 = arith.constant 1 : i32
      %dma_wait3A_485 = arith.constant 0 : i32
      %dma_wait3A_486 = arith.constant 0 : i32
      %dma_wait3A_487 = tpu.memref_slice %arg7[%dma_wait3A_484, %dma_wait3A_485, %dma_wait3A_486] : memref<4x128x64xf32, #tpu.memory_space<vmem>> -> memref<1x120x64xf32, #tpu.memory_space<vmem>>
      %dma_wait3A_488 = tpu.memref_squeeze %dma_wait3A_487 : memref<1x120x64xf32, #tpu.memory_space<vmem>> -> memref<120x64xf32, #tpu.memory_space<vmem>>
      %dma_wait3A_489 = tpu.memref_slice %arg6[%add3A_197, %mul3A_483] : memref<10000x128xf32, #tpu.memory_space<hbm>> -> memref<120x64xf32, #tpu.memory_space<hbm>>
      %dma_wait3A_490 = tpu.memref_slice %arg6[%add3A_197, %mul3A_483] : memref<10000x128xf32, #tpu.memory_space<hbm>> -> memref<120x64xf32, #tpu.memory_space<hbm>>
      %dma_wait3A_491 = arith.constant 0 : i32
      %dma_wait3A_492 = arith.constant 0 : i32
      %dma_wait3A_493 = tpu.memref_slice %arg7[%dma_wait3A_484, %dma_wait3A_491, %dma_wait3A_492] : memref<4x128x64xf32, #tpu.memory_space<vmem>> -> memref<1x120x64xf32, #tpu.memory_space<vmem>>
      %dma_wait3A_494 = tpu.memref_squeeze %dma_wait3A_493 : memref<1x120x64xf32, #tpu.memory_space<vmem>> -> memref<120x64xf32, #tpu.memory_space<vmem>>
      tpu.wait_dma2 semaphore(%arg17 : memref<!tpu.dma_semaphore, #tpu.memory_space<semaphore_mem>>) src(%dma_wait3A_494 : memref<120x64xf32, #tpu.memory_space<vmem>>) dst(%dma_wait3A_490 : memref<120x64xf32, #tpu.memory_space<hbm>>)
    } else {
    }
    %eq3A_184 = arith.constant 15 : i32
    %eq3A_185 = arith.cmpi eq, %arg1, %eq3A_184 : i32
    %convert_element_type3A_186 = arith.extui %eq3A_185 : i1 to i32
    %cond3A_187 = arith.constant 0 : i32
    %cond3A_188 = arith.cmpi ne, %convert_element_type3A_186, %cond3A_187 : i32
    scf.if %cond3A_188 {
      %dma_start3A_189 = arith.constant 0 : i32
      %dma_start3A_190 = arith.constant 0 : i32
      %dma_start3A_191 = arith.constant 0 : i32
      %dma_start3A_192 = tpu.memref_slice %arg7[%dma_start3A_189, %dma_start3A_190, %dma_start3A_191] : memref<4x128x64xf32, #tpu.memory_space<vmem>> -> memref<1x128x64xf32, #tpu.memory_space<vmem>>
      %dma_start3A_193 = tpu.memref_squeeze %dma_start3A_192 : memref<1x128x64xf32, #tpu.memory_space<vmem>> -> memref<128x64xf32, #tpu.memory_space<vmem>>
      %dma_start3A_194 = arith.constant 9480 : i32
      %dma_start3A_195 = arith.constant 0 : i32
      %dma_start3A_196 = tpu.memref_slice %arg10[%dma_start3A_194, %dma_start3A_195] : memref<10112x64xf32, #tpu.memory_space<vmem_shared>> -> memref<128x64xf32, #tpu.memory_space<vmem_shared>>
      %dma_start3A_197 = arith.constant 0 : i32
      %dma_start3A_198 = arith.constant 0 : i32
      %dma_start3A_199 = tpu.memref_slice %arg7[%dma_start3A_189, %dma_start3A_197, %dma_start3A_198] : memref<4x128x64xf32, #tpu.memory_space<vmem>> -> memref<1x128x64xf32, #tpu.memory_space<vmem>>
      %dma_start3A_200 = tpu.memref_squeeze %dma_start3A_199 : memref<1x128x64xf32, #tpu.memory_space<vmem>> -> memref<128x64xf32, #tpu.memory_space<vmem>>
      %dma_start3A_201 = arith.constant 9480 : i32
      %dma_start3A_202 = arith.constant 0 : i32
      %dma_start3A_203 = tpu.memref_slice %arg10[%dma_start3A_201, %dma_start3A_202] : memref<10112x64xf32, #tpu.memory_space<vmem_shared>> -> memref<128x64xf32, #tpu.memory_space<vmem_shared>>
      tpu.enqueue_dma source(%dma_start3A_203 : memref<128x64xf32, #tpu.memory_space<vmem_shared>>) target(%dma_start3A_200 : memref<128x64xf32, #tpu.memory_space<vmem>>) target_semaphore(%arg12 : memref<!tpu.dma_semaphore, #tpu.memory_space<semaphore_mem>>)
      %dma_start3A_204 = arith.constant 1 : i32
      %dma_start3A_205 = arith.constant 0 : i32
      %dma_start3A_206 = arith.constant 0 : i32
      %dma_start3A_207 = tpu.memref_slice %arg7[%dma_start3A_204, %dma_start3A_205, %dma_start3A_206] : memref<4x128x64xf32, #tpu.memory_space<vmem>> -> memref<1x128x64xf32, #tpu.memory_space<vmem>>
      %dma_start3A_208 = tpu.memref_squeeze %dma_start3A_207 : memref<1x128x64xf32, #tpu.memory_space<vmem>> -> memref<128x64xf32, #tpu.memory_space<vmem>>
      %dma_start3A_209 = arith.constant 9608 : i32
      %dma_start3A_210 = arith.constant 0 : i32
      %dma_start3A_211 = tpu.memref_slice %arg10[%dma_start3A_209, %dma_start3A_210] : memref<10112x64xf32, #tpu.memory_space<vmem_shared>> -> memref<128x64xf32, #tpu.memory_space<vmem_shared>>
      %dma_start3A_212 = arith.constant 0 : i32
      %dma_start3A_213 = arith.constant 0 : i32
      %dma_start3A_214 = tpu.memref_slice %arg7[%dma_start3A_204, %dma_start3A_212, %dma_start3A_213] : memref<4x128x64xf32, #tpu.memory_space<vmem>> -> memref<1x128x64xf32, #tpu.memory_space<vmem>>
      %dma_start3A_215 = tpu.memref_squeeze %dma_start3A_214 : memref<1x128x64xf32, #tpu.memory_space<vmem>> -> memref<128x64xf32, #tpu.memory_space<vmem>>
      %dma_start3A_216 = arith.constant 9608 : i32
      %dma_start3A_217 = arith.constant 0 : i32
      %dma_start3A_218 = tpu.memref_slice %arg10[%dma_start3A_216, %dma_start3A_217] : memref<10112x64xf32, #tpu.memory_space<vmem_shared>> -> memref<128x64xf32, #tpu.memory_space<vmem_shared>>
      tpu.enqueue_dma source(%dma_start3A_218 : memref<128x64xf32, #tpu.memory_space<vmem_shared>>) target(%dma_start3A_215 : memref<128x64xf32, #tpu.memory_space<vmem>>) target_semaphore(%arg13 : memref<!tpu.dma_semaphore, #tpu.memory_space<semaphore_mem>>)
      %dma_start3A_219 = arith.constant 2 : i32
      %dma_start3A_220 = arith.constant 0 : i32
      %dma_start3A_221 = arith.constant 0 : i32
      %dma_start3A_222 = tpu.memref_slice %arg7[%dma_start3A_219, %dma_start3A_220, %dma_start3A_221] : memref<4x128x64xf32, #tpu.memory_space<vmem>> -> memref<1x128x64xf32, #tpu.memory_space<vmem>>
      %dma_start3A_223 = tpu.memref_squeeze %dma_start3A_222 : memref<1x128x64xf32, #tpu.memory_space<vmem>> -> memref<128x64xf32, #tpu.memory_space<vmem>>
      %dma_start3A_224 = arith.constant 9736 : i32
      %dma_start3A_225 = arith.constant 0 : i32
      %dma_start3A_226 = tpu.memref_slice %arg10[%dma_start3A_224, %dma_start3A_225] : memref<10112x64xf32, #tpu.memory_space<vmem_shared>> -> memref<128x64xf32, #tpu.memory_space<vmem_shared>>
      %dma_start3A_227 = arith.constant 0 : i32
      %dma_start3A_228 = arith.constant 0 : i32
      %dma_start3A_229 = tpu.memref_slice %arg7[%dma_start3A_219, %dma_start3A_227, %dma_start3A_228] : memref<4x128x64xf32, #tpu.memory_space<vmem>> -> memref<1x128x64xf32, #tpu.memory_space<vmem>>
      %dma_start3A_230 = tpu.memref_squeeze %dma_start3A_229 : memref<1x128x64xf32, #tpu.memory_space<vmem>> -> memref<128x64xf32, #tpu.memory_space<vmem>>
      %dma_start3A_231 = arith.constant 9736 : i32
      %dma_start3A_232 = arith.constant 0 : i32
      %dma_start3A_233 = tpu.memref_slice %arg10[%dma_start3A_231, %dma_start3A_232] : memref<10112x64xf32, #tpu.memory_space<vmem_shared>> -> memref<128x64xf32, #tpu.memory_space<vmem_shared>>
      tpu.enqueue_dma source(%dma_start3A_233 : memref<128x64xf32, #tpu.memory_space<vmem_shared>>) target(%dma_start3A_230 : memref<128x64xf32, #tpu.memory_space<vmem>>) target_semaphore(%arg14 : memref<!tpu.dma_semaphore, #tpu.memory_space<semaphore_mem>>)
      %dma_wait3A_234 = arith.constant 0 : i32
      %dma_wait3A_235 = arith.constant 0 : i32
      %dma_wait3A_236 = arith.constant 0 : i32
      %dma_wait3A_237 = tpu.memref_slice %arg7[%dma_wait3A_234, %dma_wait3A_235, %dma_wait3A_236] : memref<4x128x64xf32, #tpu.memory_space<vmem>> -> memref<1x128x64xf32, #tpu.memory_space<vmem>>
      %dma_wait3A_238 = tpu.memref_squeeze %dma_wait3A_237 : memref<1x128x64xf32, #tpu.memory_space<vmem>> -> memref<128x64xf32, #tpu.memory_space<vmem>>
      %dma_wait3A_239 = arith.constant 9480 : i32
      %dma_wait3A_240 = arith.constant 0 : i32
      %dma_wait3A_241 = tpu.memref_slice %arg10[%dma_wait3A_239, %dma_wait3A_240] : memref<10112x64xf32, #tpu.memory_space<vmem_shared>> -> memref<128x64xf32, #tpu.memory_space<vmem_shared>>
      %dma_wait3A_242 = arith.constant 0 : i32
      %dma_wait3A_243 = arith.constant 0 : i32
      %dma_wait3A_244 = tpu.memref_slice %arg7[%dma_wait3A_234, %dma_wait3A_242, %dma_wait3A_243] : memref<4x128x64xf32, #tpu.memory_space<vmem>> -> memref<1x128x64xf32, #tpu.memory_space<vmem>>
      %dma_wait3A_245 = tpu.memref_squeeze %dma_wait3A_244 : memref<1x128x64xf32, #tpu.memory_space<vmem>> -> memref<128x64xf32, #tpu.memory_space<vmem>>
      %dma_wait3A_246 = arith.constant 9480 : i32
      %dma_wait3A_247 = arith.constant 0 : i32
      %dma_wait3A_248 = tpu.memref_slice %arg10[%dma_wait3A_246, %dma_wait3A_247] : memref<10112x64xf32, #tpu.memory_space<vmem_shared>> -> memref<128x64xf32, #tpu.memory_space<vmem_shared>>
      tpu.wait_dma2 semaphore(%arg12 : memref<!tpu.dma_semaphore, #tpu.memory_space<semaphore_mem>>) src(%dma_wait3A_248 : memref<128x64xf32, #tpu.memory_space<vmem_shared>>) dst(%dma_wait3A_245 : memref<128x64xf32, #tpu.memory_space<vmem>>)
      %scan3A_249 = arith.constant 0 : i32
      %scan3A_250 = arith.constant 0 : i32
      %scan3A_251 = arith.constant 0 : i32
      %scan3A_252 = arith.constant 128 : i32
      %scan3A_253 = arith.addi %scan3A_251, %scan3A_252 : i32
      %scan3A_254 = arith.constant 1 : i32
      scf.for %scan3A_524 = %scan3A_251 to %scan3A_253 step %scan3A_254  : i32 {
        %get3A = arith.constant 0 : i32
        %get3A_525 = arith.constant 0 : i32
        %get3A_526 = tpu.memref_slice %arg7[%scan3A_250, %get3A, %get3A_525] : memref<4x128x64xf32, #tpu.memory_space<vmem>> -> memref<1x128x64xf32, #tpu.memory_space<vmem>>
        %get3A_527 = tpu.memref_squeeze %get3A_526 : memref<1x128x64xf32, #tpu.memory_space<vmem>> -> memref<128x64xf32, #tpu.memory_space<vmem>>
        %get3A_528 = arith.index_cast %scan3A_524 : i32 to index
        %get3A_529 = arith.constant 0 : index
        %get3A_530 = tpu.vector_load %get3A_527[%get3A_528, %get3A_529] {strides = array<i32>} : memref<128x64xf32, #tpu.memory_space<vmem>>, vector<1x16xf32>,
        %get3A_531 = vector.shape_cast %get3A_530 : vector<1x16xf32> to vector<16xf32>
        %max3A = arith.constant 0.000000e+00 : f32
        %max3A_532 = vector.broadcast %max3A : f32 to vector<16xf32>
        %max3A_533 = arith.maximumf %get3A_531, %max3A_532 : vector<16xf32>
        %swap3A = arith.constant 0 : i32
        %swap3A_534 = arith.constant 0 : i32
        %swap3A_535 = tpu.memref_slice %arg7[%scan3A_250, %swap3A, %swap3A_534] : memref<4x128x64xf32, #tpu.memory_space<vmem>> -> memref<1x128x64xf32, #tpu.memory_space<vmem>>
        %swap3A_536 = tpu.memref_squeeze %swap3A_535 : memref<1x128x64xf32, #tpu.memory_space<vmem>> -> memref<128x64xf32, #tpu.memory_space<vmem>>
        %swap3A_537 = arith.index_cast %scan3A_524 : i32 to index
        %swap3A_538 = arith.constant 0 : index
        %swap3A_539 = tpu.vector_load %swap3A_536[%swap3A_537, %swap3A_538] {strides = array<i32>} : memref<128x64xf32, #tpu.memory_space<vmem>>, vector<1x16xf32>,
        %swap3A_540 = vector.shape_cast %swap3A_539 : vector<1x16xf32> to vector<16xf32>
        %swap3A_541 = vector.shape_cast %max3A_533 : vector<16xf32> to vector<1x16xf32>
        tpu.vector_store %swap3A_536[%swap3A_537, %swap3A_538], %swap3A_541 {strides = array<i32>} : memref<128x64xf32, #tpu.memory_space<vmem>>, vector<1x16xf32>,
        %get3A_542 = arith.constant 0 : i32
        %get3A_543 = arith.constant 0 : i32
        %get3A_544 = tpu.memref_slice %arg7[%scan3A_250, %get3A_542, %get3A_543] : memref<4x128x64xf32, #tpu.memory_space<vmem>> -> memref<1x128x64xf32, #tpu.memory_space<vmem>>
        %get3A_545 = tpu.memref_squeeze %get3A_544 : memref<1x128x64xf32, #tpu.memory_space<vmem>> -> memref<128x64xf32, #tpu.memory_space<vmem>>
        %get3A_546 = arith.index_cast %scan3A_524 : i32 to index
        %get3A_547 = arith.constant 16 : index
        %get3A_548 = tpu.vector_load %get3A_545[%get3A_546, %get3A_547] {strides = array<i32>} : memref<128x64xf32, #tpu.memory_space<vmem>>, vector<1x16xf32>,
        %get3A_549 = vector.shape_cast %get3A_548 : vector<1x16xf32> to vector<16xf32>
        %max3A_550 = arith.constant 0.000000e+00 : f32
        %max3A_551 = vector.broadcast %max3A_550 : f32 to vector<16xf32>
        %max3A_552 = arith.maximumf %get3A_549, %max3A_551 : vector<16xf32>
        %swap3A_553 = arith.constant 0 : i32
        %swap3A_554 = arith.constant 0 : i32
        %swap3A_555 = tpu.memref_slice %arg7[%scan3A_250, %swap3A_553, %swap3A_554] : memref<4x128x64xf32, #tpu.memory_space<vmem>> -> memref<1x128x64xf32, #tpu.memory_space<vmem>>
        %swap3A_556 = tpu.memref_squeeze %swap3A_555 : memref<1x128x64xf32, #tpu.memory_space<vmem>> -> memref<128x64xf32, #tpu.memory_space<vmem>>
        %swap3A_557 = arith.index_cast %scan3A_524 : i32 to index
        %swap3A_558 = arith.constant 16 : index
        %swap3A_559 = tpu.vector_load %swap3A_556[%swap3A_557, %swap3A_558] {strides = array<i32>} : memref<128x64xf32, #tpu.memory_space<vmem>>, vector<1x16xf32>,
        %swap3A_560 = vector.shape_cast %swap3A_559 : vector<1x16xf32> to vector<16xf32>
        %swap3A_561 = vector.shape_cast %max3A_552 : vector<16xf32> to vector<1x16xf32>
        tpu.vector_store %swap3A_556[%swap3A_557, %swap3A_558], %swap3A_561 {strides = array<i32>} : memref<128x64xf32, #tpu.memory_space<vmem>>, vector<1x16xf32>,
        %get3A_562 = arith.constant 0 : i32
        %get3A_563 = arith.constant 0 : i32
        %get3A_564 = tpu.memref_slice %arg7[%scan3A_250, %get3A_562, %get3A_563] : memref<4x128x64xf32, #tpu.memory_space<vmem>> -> memref<1x128x64xf32, #tpu.memory_space<vmem>>
        %get3A_565 = tpu.memref_squeeze %get3A_564 : memref<1x128x64xf32, #tpu.memory_space<vmem>> -> memref<128x64xf32, #tpu.memory_space<vmem>>
        %get3A_566 = arith.index_cast %scan3A_524 : i32 to index
        %get3A_567 = arith.constant 32 : index
        %get3A_568 = tpu.vector_load %get3A_565[%get3A_566, %get3A_567] {strides = array<i32>} : memref<128x64xf32, #tpu.memory_space<vmem>>, vector<1x16xf32>,
        %get3A_569 = vector.shape_cast %get3A_568 : vector<1x16xf32> to vector<16xf32>
        %max3A_570 = arith.constant 0.000000e+00 : f32
        %max3A_571 = vector.broadcast %max3A_570 : f32 to vector<16xf32>
        %max3A_572 = arith.maximumf %get3A_569, %max3A_571 : vector<16xf32>
        %swap3A_573 = arith.constant 0 : i32
        %swap3A_574 = arith.constant 0 : i32
        %swap3A_575 = tpu.memref_slice %arg7[%scan3A_250, %swap3A_573, %swap3A_574] : memref<4x128x64xf32, #tpu.memory_space<vmem>> -> memref<1x128x64xf32, #tpu.memory_space<vmem>>
        %swap3A_576 = tpu.memref_squeeze %swap3A_575 : memref<1x128x64xf32, #tpu.memory_space<vmem>> -> memref<128x64xf32, #tpu.memory_space<vmem>>
        %swap3A_577 = arith.index_cast %scan3A_524 : i32 to index
        %swap3A_578 = arith.constant 32 : index
        %swap3A_579 = tpu.vector_load %swap3A_576[%swap3A_577, %swap3A_578] {strides = array<i32>} : memref<128x64xf32, #tpu.memory_space<vmem>>, vector<1x16xf32>,
        %swap3A_580 = vector.shape_cast %swap3A_579 : vector<1x16xf32> to vector<16xf32>
        %swap3A_581 = vector.shape_cast %max3A_572 : vector<16xf32> to vector<1x16xf32>
        tpu.vector_store %swap3A_576[%swap3A_577, %swap3A_578], %swap3A_581 {strides = array<i32>} : memref<128x64xf32, #tpu.memory_space<vmem>>, vector<1x16xf32>,
        %get3A_582 = arith.constant 0 : i32
        %get3A_583 = arith.constant 0 : i32
        %get3A_584 = tpu.memref_slice %arg7[%scan3A_250, %get3A_582, %get3A_583] : memref<4x128x64xf32, #tpu.memory_space<vmem>> -> memref<1x128x64xf32, #tpu.memory_space<vmem>>
        %get3A_585 = tpu.memref_squeeze %get3A_584 : memref<1x128x64xf32, #tpu.memory_space<vmem>> -> memref<128x64xf32, #tpu.memory_space<vmem>>
        %get3A_586 = arith.index_cast %scan3A_524 : i32 to index
        %get3A_587 = arith.constant 48 : index
        %get3A_588 = tpu.vector_load %get3A_585[%get3A_586, %get3A_587] {strides = array<i32>} : memref<128x64xf32, #tpu.memory_space<vmem>>, vector<1x16xf32>,
        %get3A_589 = vector.shape_cast %get3A_588 : vector<1x16xf32> to vector<16xf32>
        %max3A_590 = arith.constant 0.000000e+00 : f32
        %max3A_591 = vector.broadcast %max3A_590 : f32 to vector<16xf32>
        %max3A_592 = arith.maximumf %get3A_589, %max3A_591 : vector<16xf32>
        %swap3A_593 = arith.constant 0 : i32
        %swap3A_594 = arith.constant 0 : i32
        %swap3A_595 = tpu.memref_slice %arg7[%scan3A_250, %swap3A_593, %swap3A_594] : memref<4x128x64xf32, #tpu.memory_space<vmem>> -> memref<1x128x64xf32, #tpu.memory_space<vmem>>
        %swap3A_596 = tpu.memref_squeeze %swap3A_595 : memref<1x128x64xf32, #tpu.memory_space<vmem>> -> memref<128x64xf32, #tpu.memory_space<vmem>>
        %swap3A_597 = arith.index_cast %scan3A_524 : i32 to index
        %swap3A_598 = arith.constant 48 : index
        %swap3A_599 = tpu.vector_load %swap3A_596[%swap3A_597, %swap3A_598] {strides = array<i32>} : memref<128x64xf32, #tpu.memory_space<vmem>>, vector<1x16xf32>,
        %swap3A_600 = vector.shape_cast %swap3A_599 : vector<1x16xf32> to vector<16xf32>
        %swap3A_601 = vector.shape_cast %max3A_592 : vector<16xf32> to vector<1x16xf32>
        tpu.vector_store %swap3A_596[%swap3A_597, %swap3A_598], %swap3A_601 {strides = array<i32>} : memref<128x64xf32, #tpu.memory_space<vmem>>, vector<1x16xf32>,
      }
      %scan3A_255 = arith.constant 128 : i32
      %mul3A_256 = arith.constant 64 : i32
      %mul3A_257 = arith.muli %arg0, %mul3A_256 : i32
      %dma_start3A_258 = arith.constant 0 : i32
      %dma_start3A_259 = arith.constant 0 : i32
      %dma_start3A_260 = arith.constant 0 : i32
      %dma_start3A_261 = tpu.memref_slice %arg7[%dma_start3A_258, %dma_start3A_259, %dma_start3A_260] : memref<4x128x64xf32, #tpu.memory_space<vmem>> -> memref<1x128x64xf32, #tpu.memory_space<vmem>>
      %dma_start3A_262 = tpu.memref_squeeze %dma_start3A_261 : memref<1x128x64xf32, #tpu.memory_space<vmem>> -> memref<128x64xf32, #tpu.memory_space<vmem>>
      %dma_start3A_263 = arith.constant 9480 : i32
      %dma_start3A_264 = tpu.memref_slice %arg6[%dma_start3A_263, %mul3A_257] : memref<10000x128xf32, #tpu.memory_space<hbm>> -> memref<128x64xf32, #tpu.memory_space<hbm>>
      %dma_start3A_265 = arith.constant 9480 : i32
      %dma_start3A_266 = tpu.memref_slice %arg6[%dma_start3A_265, %mul3A_257] : memref<10000x128xf32, #tpu.memory_space<hbm>> -> memref<128x64xf32, #tpu.memory_space<hbm>>
      %dma_start3A_267 = arith.constant 0 : i32
      %dma_start3A_268 = arith.constant 0 : i32
      %dma_start3A_269 = tpu.memref_slice %arg7[%dma_start3A_258, %dma_start3A_267, %dma_start3A_268] : memref<4x128x64xf32, #tpu.memory_space<vmem>> -> memref<1x128x64xf32, #tpu.memory_space<vmem>>
      %dma_start3A_270 = tpu.memref_squeeze %dma_start3A_269 : memref<1x128x64xf32, #tpu.memory_space<vmem>> -> memref<128x64xf32, #tpu.memory_space<vmem>>
      tpu.enqueue_dma source(%dma_start3A_270 : memref<128x64xf32, #tpu.memory_space<vmem>>) target(%dma_start3A_266 : memref<128x64xf32, #tpu.memory_space<hbm>>) target_semaphore(%arg16 : memref<!tpu.dma_semaphore, #tpu.memory_space<semaphore_mem>>)
      %mul3A_271 = arith.constant 64 : i32
      %mul3A_272 = arith.muli %arg0, %mul3A_271 : i32
      %dma_wait3A_273 = arith.constant 0 : i32
      %dma_wait3A_274 = arith.constant 0 : i32
      %dma_wait3A_275 = arith.constant 0 : i32
      %dma_wait3A_276 = tpu.memref_slice %arg7[%dma_wait3A_273, %dma_wait3A_274, %dma_wait3A_275] : memref<4x128x64xf32, #tpu.memory_space<vmem>> -> memref<1x128x64xf32, #tpu.memory_space<vmem>>
      %dma_wait3A_277 = tpu.memref_squeeze %dma_wait3A_276 : memref<1x128x64xf32, #tpu.memory_space<vmem>> -> memref<128x64xf32, #tpu.memory_space<vmem>>
      %dma_wait3A_278 = arith.constant 9480 : i32
      %dma_wait3A_279 = tpu.memref_slice %arg6[%dma_wait3A_278, %mul3A_272] : memref<10000x128xf32, #tpu.memory_space<hbm>> -> memref<128x64xf32, #tpu.memory_space<hbm>>
      %dma_wait3A_280 = arith.constant 9480 : i32
      %dma_wait3A_281 = tpu.memref_slice %arg6[%dma_wait3A_280, %mul3A_272] : memref<10000x128xf32, #tpu.memory_space<hbm>> -> memref<128x64xf32, #tpu.memory_space<hbm>>
      %dma_wait3A_282 = arith.constant 0 : i32
      %dma_wait3A_283 = arith.constant 0 : i32
      %dma_wait3A_284 = tpu.memref_slice %arg7[%dma_wait3A_273, %dma_wait3A_282, %dma_wait3A_283] : memref<4x128x64xf32, #tpu.memory_space<vmem>> -> memref<1x128x64xf32, #tpu.memory_space<vmem>>
      %dma_wait3A_285 = tpu.memref_squeeze %dma_wait3A_284 : memref<1x128x64xf32, #tpu.memory_space<vmem>> -> memref<128x64xf32, #tpu.memory_space<vmem>>
      tpu.wait_dma2 semaphore(%arg16 : memref<!tpu.dma_semaphore, #tpu.memory_space<semaphore_mem>>) src(%dma_wait3A_285 : memref<128x64xf32, #tpu.memory_space<vmem>>) dst(%dma_wait3A_281 : memref<128x64xf32, #tpu.memory_space<hbm>>)
      %dma_start3A_286 = arith.constant 0 : i32
      %dma_start3A_287 = arith.constant 0 : i32
      %dma_start3A_288 = arith.constant 0 : i32
      %dma_start3A_289 = tpu.memref_slice %arg7[%dma_start3A_286, %dma_start3A_287, %dma_start3A_288] : memref<4x128x64xf32, #tpu.memory_space<vmem>> -> memref<1x128x64xf32, #tpu.memory_space<vmem>>
      %dma_start3A_290 = tpu.memref_squeeze %dma_start3A_289 : memref<1x128x64xf32, #tpu.memory_space<vmem>> -> memref<128x64xf32, #tpu.memory_space<vmem>>
      %dma_start3A_291 = arith.constant 9864 : i32
      %dma_start3A_292 = arith.constant 0 : i32
      %dma_start3A_293 = tpu.memref_slice %arg10[%dma_start3A_291, %dma_start3A_292] : memref<10112x64xf32, #tpu.memory_space<vmem_shared>> -> memref<128x64xf32, #tpu.memory_space<vmem_shared>>
      %dma_start3A_294 = arith.constant 0 : i32
      %dma_start3A_295 = arith.constant 0 : i32
      %dma_start3A_296 = tpu.memref_slice %arg7[%dma_start3A_286, %dma_start3A_294, %dma_start3A_295] : memref<4x128x64xf32, #tpu.memory_space<vmem>> -> memref<1x128x64xf32, #tpu.memory_space<vmem>>
      %dma_start3A_297 = tpu.memref_squeeze %dma_start3A_296 : memref<1x128x64xf32, #tpu.memory_space<vmem>> -> memref<128x64xf32, #tpu.memory_space<vmem>>
      %dma_start3A_298 = arith.constant 9864 : i32
      %dma_start3A_299 = arith.constant 0 : i32
      %dma_start3A_300 = tpu.memref_slice %arg10[%dma_start3A_298, %dma_start3A_299] : memref<10112x64xf32, #tpu.memory_space<vmem_shared>> -> memref<128x64xf32, #tpu.memory_space<vmem_shared>>
      tpu.enqueue_dma source(%dma_start3A_300 : memref<128x64xf32, #tpu.memory_space<vmem_shared>>) target(%dma_start3A_297 : memref<128x64xf32, #tpu.memory_space<vmem>>) target_semaphore(%arg12 : memref<!tpu.dma_semaphore, #tpu.memory_space<semaphore_mem>>)
      %dma_wait3A_301 = arith.constant 1 : i32
      %dma_wait3A_302 = arith.constant 0 : i32
      %dma_wait3A_303 = arith.constant 0 : i32
      %dma_wait3A_304 = tpu.memref_slice %arg7[%dma_wait3A_301, %dma_wait3A_302, %dma_wait3A_303] : memref<4x128x64xf32, #tpu.memory_space<vmem>> -> memref<1x128x64xf32, #tpu.memory_space<vmem>>
      %dma_wait3A_305 = tpu.memref_squeeze %dma_wait3A_304 : memref<1x128x64xf32, #tpu.memory_space<vmem>> -> memref<128x64xf32, #tpu.memory_space<vmem>>
      %dma_wait3A_306 = arith.constant 9608 : i32
      %dma_wait3A_307 = arith.constant 0 : i32
      %dma_wait3A_308 = tpu.memref_slice %arg10[%dma_wait3A_306, %dma_wait3A_307] : memref<10112x64xf32, #tpu.memory_space<vmem_shared>> -> memref<128x64xf32, #tpu.memory_space<vmem_shared>>
      %dma_wait3A_309 = arith.constant 0 : i32
      %dma_wait3A_310 = arith.constant 0 : i32
      %dma_wait3A_311 = tpu.memref_slice %arg7[%dma_wait3A_301, %dma_wait3A_309, %dma_wait3A_310] : memref<4x128x64xf32, #tpu.memory_space<vmem>> -> memref<1x128x64xf32, #tpu.memory_space<vmem>>
      %dma_wait3A_312 = tpu.memref_squeeze %dma_wait3A_311 : memref<1x128x64xf32, #tpu.memory_space<vmem>> -> memref<128x64xf32, #tpu.memory_space<vmem>>
      %dma_wait3A_313 = arith.constant 9608 : i32
      %dma_wait3A_314 = arith.constant 0 : i32
      %dma_wait3A_315 = tpu.memref_slice %arg10[%dma_wait3A_313, %dma_wait3A_314] : memref<10112x64xf32, #tpu.memory_space<vmem_shared>> -> memref<128x64xf32, #tpu.memory_space<vmem_shared>>
      tpu.wait_dma2 semaphore(%arg13 : memref<!tpu.dma_semaphore, #tpu.memory_space<semaphore_mem>>) src(%dma_wait3A_315 : memref<128x64xf32, #tpu.memory_space<vmem_shared>>) dst(%dma_wait3A_312 : memref<128x64xf32, #tpu.memory_space<vmem>>)
      %scan3A_316 = arith.constant 0 : i32
      %scan3A_317 = arith.constant 1 : i32
      %scan3A_318 = arith.constant 0 : i32
      %scan3A_319 = arith.constant 128 : i32
      %scan3A_320 = arith.addi %scan3A_318, %scan3A_319 : i32
      %scan3A_321 = arith.constant 1 : i32
      scf.for %scan3A_524 = %scan3A_318 to %scan3A_320 step %scan3A_321  : i32 {
        %get3A = arith.constant 0 : i32
        %get3A_525 = arith.constant 0 : i32
        %get3A_526 = tpu.memref_slice %arg7[%scan3A_317, %get3A, %get3A_525] : memref<4x128x64xf32, #tpu.memory_space<vmem>> -> memref<1x128x64xf32, #tpu.memory_space<vmem>>
        %get3A_527 = tpu.memref_squeeze %get3A_526 : memref<1x128x64xf32, #tpu.memory_space<vmem>> -> memref<128x64xf32, #tpu.memory_space<vmem>>
        %get3A_528 = arith.index_cast %scan3A_524 : i32 to index
        %get3A_529 = arith.constant 0 : index
        %get3A_530 = tpu.vector_load %get3A_527[%get3A_528, %get3A_529] {strides = array<i32>} : memref<128x64xf32, #tpu.memory_space<vmem>>, vector<1x16xf32>,
        %get3A_531 = vector.shape_cast %get3A_530 : vector<1x16xf32> to vector<16xf32>
        %max3A = arith.constant 0.000000e+00 : f32
        %max3A_532 = vector.broadcast %max3A : f32 to vector<16xf32>
        %max3A_533 = arith.maximumf %get3A_531, %max3A_532 : vector<16xf32>
        %swap3A = arith.constant 0 : i32
        %swap3A_534 = arith.constant 0 : i32
        %swap3A_535 = tpu.memref_slice %arg7[%scan3A_317, %swap3A, %swap3A_534] : memref<4x128x64xf32, #tpu.memory_space<vmem>> -> memref<1x128x64xf32, #tpu.memory_space<vmem>>
        %swap3A_536 = tpu.memref_squeeze %swap3A_535 : memref<1x128x64xf32, #tpu.memory_space<vmem>> -> memref<128x64xf32, #tpu.memory_space<vmem>>
        %swap3A_537 = arith.index_cast %scan3A_524 : i32 to index
        %swap3A_538 = arith.constant 0 : index
        %swap3A_539 = tpu.vector_load %swap3A_536[%swap3A_537, %swap3A_538] {strides = array<i32>} : memref<128x64xf32, #tpu.memory_space<vmem>>, vector<1x16xf32>,
        %swap3A_540 = vector.shape_cast %swap3A_539 : vector<1x16xf32> to vector<16xf32>
        %swap3A_541 = vector.shape_cast %max3A_533 : vector<16xf32> to vector<1x16xf32>
        tpu.vector_store %swap3A_536[%swap3A_537, %swap3A_538], %swap3A_541 {strides = array<i32>} : memref<128x64xf32, #tpu.memory_space<vmem>>, vector<1x16xf32>,
        %get3A_542 = arith.constant 0 : i32
        %get3A_543 = arith.constant 0 : i32
        %get3A_544 = tpu.memref_slice %arg7[%scan3A_317, %get3A_542, %get3A_543] : memref<4x128x64xf32, #tpu.memory_space<vmem>> -> memref<1x128x64xf32, #tpu.memory_space<vmem>>
        %get3A_545 = tpu.memref_squeeze %get3A_544 : memref<1x128x64xf32, #tpu.memory_space<vmem>> -> memref<128x64xf32, #tpu.memory_space<vmem>>
        %get3A_546 = arith.index_cast %scan3A_524 : i32 to index
        %get3A_547 = arith.constant 16 : index
        %get3A_548 = tpu.vector_load %get3A_545[%get3A_546, %get3A_547] {strides = array<i32>} : memref<128x64xf32, #tpu.memory_space<vmem>>, vector<1x16xf32>,
        %get3A_549 = vector.shape_cast %get3A_548 : vector<1x16xf32> to vector<16xf32>
        %max3A_550 = arith.constant 0.000000e+00 : f32
        %max3A_551 = vector.broadcast %max3A_550 : f32 to vector<16xf32>
        %max3A_552 = arith.maximumf %get3A_549, %max3A_551 : vector<16xf32>
        %swap3A_553 = arith.constant 0 : i32
        %swap3A_554 = arith.constant 0 : i32
        %swap3A_555 = tpu.memref_slice %arg7[%scan3A_317, %swap3A_553, %swap3A_554] : memref<4x128x64xf32, #tpu.memory_space<vmem>> -> memref<1x128x64xf32, #tpu.memory_space<vmem>>
        %swap3A_556 = tpu.memref_squeeze %swap3A_555 : memref<1x128x64xf32, #tpu.memory_space<vmem>> -> memref<128x64xf32, #tpu.memory_space<vmem>>
        %swap3A_557 = arith.index_cast %scan3A_524 : i32 to index
        %swap3A_558 = arith.constant 16 : index
        %swap3A_559 = tpu.vector_load %swap3A_556[%swap3A_557, %swap3A_558] {strides = array<i32>} : memref<128x64xf32, #tpu.memory_space<vmem>>, vector<1x16xf32>,
        %swap3A_560 = vector.shape_cast %swap3A_559 : vector<1x16xf32> to vector<16xf32>
        %swap3A_561 = vector.shape_cast %max3A_552 : vector<16xf32> to vector<1x16xf32>
        tpu.vector_store %swap3A_556[%swap3A_557, %swap3A_558], %swap3A_561 {strides = array<i32>} : memref<128x64xf32, #tpu.memory_space<vmem>>, vector<1x16xf32>,
        %get3A_562 = arith.constant 0 : i32
        %get3A_563 = arith.constant 0 : i32
        %get3A_564 = tpu.memref_slice %arg7[%scan3A_317, %get3A_562, %get3A_563] : memref<4x128x64xf32, #tpu.memory_space<vmem>> -> memref<1x128x64xf32, #tpu.memory_space<vmem>>
        %get3A_565 = tpu.memref_squeeze %get3A_564 : memref<1x128x64xf32, #tpu.memory_space<vmem>> -> memref<128x64xf32, #tpu.memory_space<vmem>>
        %get3A_566 = arith.index_cast %scan3A_524 : i32 to index
        %get3A_567 = arith.constant 32 : index
        %get3A_568 = tpu.vector_load %get3A_565[%get3A_566, %get3A_567] {strides = array<i32>} : memref<128x64xf32, #tpu.memory_space<vmem>>, vector<1x16xf32>,
        %get3A_569 = vector.shape_cast %get3A_568 : vector<1x16xf32> to vector<16xf32>
        %max3A_570 = arith.constant 0.000000e+00 : f32
        %max3A_571 = vector.broadcast %max3A_570 : f32 to vector<16xf32>
        %max3A_572 = arith.maximumf %get3A_569, %max3A_571 : vector<16xf32>
        %swap3A_573 = arith.constant 0 : i32
        %swap3A_574 = arith.constant 0 : i32
        %swap3A_575 = tpu.memref_slice %arg7[%scan3A_317, %swap3A_573, %swap3A_574] : memref<4x128x64xf32, #tpu.memory_space<vmem>> -> memref<1x128x64xf32, #tpu.memory_space<vmem>>
        %swap3A_576 = tpu.memref_squeeze %swap3A_575 : memref<1x128x64xf32, #tpu.memory_space<vmem>> -> memref<128x64xf32, #tpu.memory_space<vmem>>
        %swap3A_577 = arith.index_cast %scan3A_524 : i32 to index
        %swap3A_578 = arith.constant 32 : index
        %swap3A_579 = tpu.vector_load %swap3A_576[%swap3A_577, %swap3A_578] {strides = array<i32>} : memref<128x64xf32, #tpu.memory_space<vmem>>, vector<1x16xf32>,
        %swap3A_580 = vector.shape_cast %swap3A_579 : vector<1x16xf32> to vector<16xf32>
        %swap3A_581 = vector.shape_cast %max3A_572 : vector<16xf32> to vector<1x16xf32>
        tpu.vector_store %swap3A_576[%swap3A_577, %swap3A_578], %swap3A_581 {strides = array<i32>} : memref<128x64xf32, #tpu.memory_space<vmem>>, vector<1x16xf32>,
        %get3A_582 = arith.constant 0 : i32
        %get3A_583 = arith.constant 0 : i32
        %get3A_584 = tpu.memref_slice %arg7[%scan3A_317, %get3A_582, %get3A_583] : memref<4x128x64xf32, #tpu.memory_space<vmem>> -> memref<1x128x64xf32, #tpu.memory_space<vmem>>
        %get3A_585 = tpu.memref_squeeze %get3A_584 : memref<1x128x64xf32, #tpu.memory_space<vmem>> -> memref<128x64xf32, #tpu.memory_space<vmem>>
        %get3A_586 = arith.index_cast %scan3A_524 : i32 to index
        %get3A_587 = arith.constant 48 : index
        %get3A_588 = tpu.vector_load %get3A_585[%get3A_586, %get3A_587] {strides = array<i32>} : memref<128x64xf32, #tpu.memory_space<vmem>>, vector<1x16xf32>,
        %get3A_589 = vector.shape_cast %get3A_588 : vector<1x16xf32> to vector<16xf32>
        %max3A_590 = arith.constant 0.000000e+00 : f32
        %max3A_591 = vector.broadcast %max3A_590 : f32 to vector<16xf32>
        %max3A_592 = arith.maximumf %get3A_589, %max3A_591 : vector<16xf32>
        %swap3A_593 = arith.constant 0 : i32
        %swap3A_594 = arith.constant 0 : i32
        %swap3A_595 = tpu.memref_slice %arg7[%scan3A_317, %swap3A_593, %swap3A_594] : memref<4x128x64xf32, #tpu.memory_space<vmem>> -> memref<1x128x64xf32, #tpu.memory_space<vmem>>
        %swap3A_596 = tpu.memref_squeeze %swap3A_595 : memref<1x128x64xf32, #tpu.memory_space<vmem>> -> memref<128x64xf32, #tpu.memory_space<vmem>>
        %swap3A_597 = arith.index_cast %scan3A_524 : i32 to index
        %swap3A_598 = arith.constant 48 : index
        %swap3A_599 = tpu.vector_load %swap3A_596[%swap3A_597, %swap3A_598] {strides = array<i32>} : memref<128x64xf32, #tpu.memory_space<vmem>>, vector<1x16xf32>,
        %swap3A_600 = vector.shape_cast %swap3A_599 : vector<1x16xf32> to vector<16xf32>
        %swap3A_601 = vector.shape_cast %max3A_592 : vector<16xf32> to vector<1x16xf32>
        tpu.vector_store %swap3A_596[%swap3A_597, %swap3A_598], %swap3A_601 {strides = array<i32>} : memref<128x64xf32, #tpu.memory_space<vmem>>, vector<1x16xf32>,
      }
      %scan3A_322 = arith.constant 128 : i32
      %mul3A_323 = arith.constant 64 : i32
      %mul3A_324 = arith.muli %arg0, %mul3A_323 : i32
      %dma_start3A_325 = arith.constant 1 : i32
      %dma_start3A_326 = arith.constant 0 : i32
      %dma_start3A_327 = arith.constant 0 : i32
      %dma_start3A_328 = tpu.memref_slice %arg7[%dma_start3A_325, %dma_start3A_326, %dma_start3A_327] : memref<4x128x64xf32, #tpu.memory_space<vmem>> -> memref<1x128x64xf32, #tpu.memory_space<vmem>>
      %dma_start3A_329 = tpu.memref_squeeze %dma_start3A_328 : memref<1x128x64xf32, #tpu.memory_space<vmem>> -> memref<128x64xf32, #tpu.memory_space<vmem>>
      %dma_start3A_330 = arith.constant 9608 : i32
      %dma_start3A_331 = tpu.memref_slice %arg6[%dma_start3A_330, %mul3A_324] : memref<10000x128xf32, #tpu.memory_space<hbm>> -> memref<128x64xf32, #tpu.memory_space<hbm>>
      %dma_start3A_332 = arith.constant 9608 : i32
      %dma_start3A_333 = tpu.memref_slice %arg6[%dma_start3A_332, %mul3A_324] : memref<10000x128xf32, #tpu.memory_space<hbm>> -> memref<128x64xf32, #tpu.memory_space<hbm>>
      %dma_start3A_334 = arith.constant 0 : i32
      %dma_start3A_335 = arith.constant 0 : i32
      %dma_start3A_336 = tpu.memref_slice %arg7[%dma_start3A_325, %dma_start3A_334, %dma_start3A_335] : memref<4x128x64xf32, #tpu.memory_space<vmem>> -> memref<1x128x64xf32, #tpu.memory_space<vmem>>
      %dma_start3A_337 = tpu.memref_squeeze %dma_start3A_336 : memref<1x128x64xf32, #tpu.memory_space<vmem>> -> memref<128x64xf32, #tpu.memory_space<vmem>>
      tpu.enqueue_dma source(%dma_start3A_337 : memref<128x64xf32, #tpu.memory_space<vmem>>) target(%dma_start3A_333 : memref<128x64xf32, #tpu.memory_space<hbm>>) target_semaphore(%arg17 : memref<!tpu.dma_semaphore, #tpu.memory_space<semaphore_mem>>)
      %mul3A_338 = arith.constant 64 : i32
      %mul3A_339 = arith.muli %arg0, %mul3A_338 : i32
      %dma_wait3A_340 = arith.constant 1 : i32
      %dma_wait3A_341 = arith.constant 0 : i32
      %dma_wait3A_342 = arith.constant 0 : i32
      %dma_wait3A_343 = tpu.memref_slice %arg7[%dma_wait3A_340, %dma_wait3A_341, %dma_wait3A_342] : memref<4x128x64xf32, #tpu.memory_space<vmem>> -> memref<1x128x64xf32, #tpu.memory_space<vmem>>
      %dma_wait3A_344 = tpu.memref_squeeze %dma_wait3A_343 : memref<1x128x64xf32, #tpu.memory_space<vmem>> -> memref<128x64xf32, #tpu.memory_space<vmem>>
      %dma_wait3A_345 = arith.constant 9608 : i32
      %dma_wait3A_346 = tpu.memref_slice %arg6[%dma_wait3A_345, %mul3A_339] : memref<10000x128xf32, #tpu.memory_space<hbm>> -> memref<128x64xf32, #tpu.memory_space<hbm>>
      %dma_wait3A_347 = arith.constant 9608 : i32
      %dma_wait3A_348 = tpu.memref_slice %arg6[%dma_wait3A_347, %mul3A_339] : memref<10000x128xf32, #tpu.memory_space<hbm>> -> memref<128x64xf32, #tpu.memory_space<hbm>>
      %dma_wait3A_349 = arith.constant 0 : i32
      %dma_wait3A_350 = arith.constant 0 : i32
      %dma_wait3A_351 = tpu.memref_slice %arg7[%dma_wait3A_340, %dma_wait3A_349, %dma_wait3A_350] : memref<4x128x64xf32, #tpu.memory_space<vmem>> -> memref<1x128x64xf32, #tpu.memory_space<vmem>>
      %dma_wait3A_352 = tpu.memref_squeeze %dma_wait3A_351 : memref<1x128x64xf32, #tpu.memory_space<vmem>> -> memref<128x64xf32, #tpu.memory_space<vmem>>
      tpu.wait_dma2 semaphore(%arg17 : memref<!tpu.dma_semaphore, #tpu.memory_space<semaphore_mem>>) src(%dma_wait3A_352 : memref<128x64xf32, #tpu.memory_space<vmem>>) dst(%dma_wait3A_348 : memref<128x64xf32, #tpu.memory_space<hbm>>)
      %dma_start3A_353 = arith.constant 1 : i32
      %dma_start3A_354 = arith.constant 0 : i32
      %dma_start3A_355 = arith.constant 0 : i32
      %dma_start3A_356 = tpu.memref_slice %arg7[%dma_start3A_353, %dma_start3A_354, %dma_start3A_355] : memref<4x128x64xf32, #tpu.memory_space<vmem>> -> memref<1x8x64xf32, #tpu.memory_space<vmem>>
      %dma_start3A_357 = tpu.memref_squeeze %dma_start3A_356 : memref<1x8x64xf32, #tpu.memory_space<vmem>> -> memref<8x64xf32, #tpu.memory_space<vmem>>
      %dma_start3A_358 = arith.constant 9992 : i32
      %dma_start3A_359 = arith.constant 0 : i32
      %dma_start3A_360 = tpu.memref_slice %arg10[%dma_start3A_358, %dma_start3A_359] : memref<10112x64xf32, #tpu.memory_space<vmem_shared>> -> memref<8x64xf32, #tpu.memory_space<vmem_shared>>
      %dma_start3A_361 = arith.constant 0 : i32
      %dma_start3A_362 = arith.constant 0 : i32
      %dma_start3A_363 = tpu.memref_slice %arg7[%dma_start3A_353, %dma_start3A_361, %dma_start3A_362] : memref<4x128x64xf32, #tpu.memory_space<vmem>> -> memref<1x8x64xf32, #tpu.memory_space<vmem>>
      %dma_start3A_364 = tpu.memref_squeeze %dma_start3A_363 : memref<1x8x64xf32, #tpu.memory_space<vmem>> -> memref<8x64xf32, #tpu.memory_space<vmem>>
      %dma_start3A_365 = arith.constant 9992 : i32
      %dma_start3A_366 = arith.constant 0 : i32
      %dma_start3A_367 = tpu.memref_slice %arg10[%dma_start3A_365, %dma_start3A_366] : memref<10112x64xf32, #tpu.memory_space<vmem_shared>> -> memref<8x64xf32, #tpu.memory_space<vmem_shared>>
      tpu.enqueue_dma source(%dma_start3A_367 : memref<8x64xf32, #tpu.memory_space<vmem_shared>>) target(%dma_start3A_364 : memref<8x64xf32, #tpu.memory_space<vmem>>) target_semaphore(%arg13 : memref<!tpu.dma_semaphore, #tpu.memory_space<semaphore_mem>>)
      %dma_wait3A_368 = arith.constant 2 : i32
      %dma_wait3A_369 = arith.constant 0 : i32
      %dma_wait3A_370 = arith.constant 0 : i32
      %dma_wait3A_371 = tpu.memref_slice %arg7[%dma_wait3A_368, %dma_wait3A_369, %dma_wait3A_370] : memref<4x128x64xf32, #tpu.memory_space<vmem>> -> memref<1x128x64xf32, #tpu.memory_space<vmem>>
      %dma_wait3A_372 = tpu.memref_squeeze %dma_wait3A_371 : memref<1x128x64xf32, #tpu.memory_space<vmem>> -> memref<128x64xf32, #tpu.memory_space<vmem>>
      %dma_wait3A_373 = arith.constant 9736 : i32
      %dma_wait3A_374 = arith.constant 0 : i32
      %dma_wait3A_375 = tpu.memref_slice %arg10[%dma_wait3A_373, %dma_wait3A_374] : memref<10112x64xf32, #tpu.memory_space<vmem_shared>> -> memref<128x64xf32, #tpu.memory_space<vmem_shared>>
      %dma_wait3A_376 = arith.constant 0 : i32
      %dma_wait3A_377 = arith.constant 0 : i32
      %dma_wait3A_378 = tpu.memref_slice %arg7[%dma_wait3A_368, %dma_wait3A_376, %dma_wait3A_377] : memref<4x128x64xf32, #tpu.memory_space<vmem>> -> memref<1x128x64xf32, #tpu.memory_space<vmem>>
      %dma_wait3A_379 = tpu.memref_squeeze %dma_wait3A_378 : memref<1x128x64xf32, #tpu.memory_space<vmem>> -> memref<128x64xf32, #tpu.memory_space<vmem>>
      %dma_wait3A_380 = arith.constant 9736 : i32
      %dma_wait3A_381 = arith.constant 0 : i32
      %dma_wait3A_382 = tpu.memref_slice %arg10[%dma_wait3A_380, %dma_wait3A_381] : memref<10112x64xf32, #tpu.memory_space<vmem_shared>> -> memref<128x64xf32, #tpu.memory_space<vmem_shared>>
      tpu.wait_dma2 semaphore(%arg14 : memref<!tpu.dma_semaphore, #tpu.memory_space<semaphore_mem>>) src(%dma_wait3A_382 : memref<128x64xf32, #tpu.memory_space<vmem_shared>>) dst(%dma_wait3A_379 : memref<128x64xf32, #tpu.memory_space<vmem>>)
      %scan3A_383 = arith.constant 0 : i32
      %scan3A_384 = arith.constant 2 : i32
      %scan3A_385 = arith.constant 0 : i32
      %scan3A_386 = arith.constant 128 : i32
      %scan3A_387 = arith.addi %scan3A_385, %scan3A_386 : i32
      %scan3A_388 = arith.constant 1 : i32
      scf.for %scan3A_524 = %scan3A_385 to %scan3A_387 step %scan3A_388  : i32 {
        %get3A = arith.constant 0 : i32
        %get3A_525 = arith.constant 0 : i32
        %get3A_526 = tpu.memref_slice %arg7[%scan3A_384, %get3A, %get3A_525] : memref<4x128x64xf32, #tpu.memory_space<vmem>> -> memref<1x128x64xf32, #tpu.memory_space<vmem>>
        %get3A_527 = tpu.memref_squeeze %get3A_526 : memref<1x128x64xf32, #tpu.memory_space<vmem>> -> memref<128x64xf32, #tpu.memory_space<vmem>>
        %get3A_528 = arith.index_cast %scan3A_524 : i32 to index
        %get3A_529 = arith.constant 0 : index
        %get3A_530 = tpu.vector_load %get3A_527[%get3A_528, %get3A_529] {strides = array<i32>} : memref<128x64xf32, #tpu.memory_space<vmem>>, vector<1x16xf32>,
        %get3A_531 = vector.shape_cast %get3A_530 : vector<1x16xf32> to vector<16xf32>
        %max3A = arith.constant 0.000000e+00 : f32
        %max3A_532 = vector.broadcast %max3A : f32 to vector<16xf32>
        %max3A_533 = arith.maximumf %get3A_531, %max3A_532 : vector<16xf32>
        %swap3A = arith.constant 0 : i32
        %swap3A_534 = arith.constant 0 : i32
        %swap3A_535 = tpu.memref_slice %arg7[%scan3A_384, %swap3A, %swap3A_534] : memref<4x128x64xf32, #tpu.memory_space<vmem>> -> memref<1x128x64xf32, #tpu.memory_space<vmem>>
        %swap3A_536 = tpu.memref_squeeze %swap3A_535 : memref<1x128x64xf32, #tpu.memory_space<vmem>> -> memref<128x64xf32, #tpu.memory_space<vmem>>
        %swap3A_537 = arith.index_cast %scan3A_524 : i32 to index
        %swap3A_538 = arith.constant 0 : index
        %swap3A_539 = tpu.vector_load %swap3A_536[%swap3A_537, %swap3A_538] {strides = array<i32>} : memref<128x64xf32, #tpu.memory_space<vmem>>, vector<1x16xf32>,
        %swap3A_540 = vector.shape_cast %swap3A_539 : vector<1x16xf32> to vector<16xf32>
        %swap3A_541 = vector.shape_cast %max3A_533 : vector<16xf32> to vector<1x16xf32>
        tpu.vector_store %swap3A_536[%swap3A_537, %swap3A_538], %swap3A_541 {strides = array<i32>} : memref<128x64xf32, #tpu.memory_space<vmem>>, vector<1x16xf32>,
        %get3A_542 = arith.constant 0 : i32
        %get3A_543 = arith.constant 0 : i32
        %get3A_544 = tpu.memref_slice %arg7[%scan3A_384, %get3A_542, %get3A_543] : memref<4x128x64xf32, #tpu.memory_space<vmem>> -> memref<1x128x64xf32, #tpu.memory_space<vmem>>
        %get3A_545 = tpu.memref_squeeze %get3A_544 : memref<1x128x64xf32, #tpu.memory_space<vmem>> -> memref<128x64xf32, #tpu.memory_space<vmem>>
        %get3A_546 = arith.index_cast %scan3A_524 : i32 to index
        %get3A_547 = arith.constant 16 : index
        %get3A_548 = tpu.vector_load %get3A_545[%get3A_546, %get3A_547] {strides = array<i32>} : memref<128x64xf32, #tpu.memory_space<vmem>>, vector<1x16xf32>,
        %get3A_549 = vector.shape_cast %get3A_548 : vector<1x16xf32> to vector<16xf32>
        %max3A_550 = arith.constant 0.000000e+00 : f32
        %max3A_551 = vector.broadcast %max3A_550 : f32 to vector<16xf32>
        %max3A_552 = arith.maximumf %get3A_549, %max3A_551 : vector<16xf32>
        %swap3A_553 = arith.constant 0 : i32
        %swap3A_554 = arith.constant 0 : i32
        %swap3A_555 = tpu.memref_slice %arg7[%scan3A_384, %swap3A_553, %swap3A_554] : memref<4x128x64xf32, #tpu.memory_space<vmem>> -> memref<1x128x64xf32, #tpu.memory_space<vmem>>
        %swap3A_556 = tpu.memref_squeeze %swap3A_555 : memref<1x128x64xf32, #tpu.memory_space<vmem>> -> memref<128x64xf32, #tpu.memory_space<vmem>>
        %swap3A_557 = arith.index_cast %scan3A_524 : i32 to index
        %swap3A_558 = arith.constant 16 : index
        %swap3A_559 = tpu.vector_load %swap3A_556[%swap3A_557, %swap3A_558] {strides = array<i32>} : memref<128x64xf32, #tpu.memory_space<vmem>>, vector<1x16xf32>,
        %swap3A_560 = vector.shape_cast %swap3A_559 : vector<1x16xf32> to vector<16xf32>
        %swap3A_561 = vector.shape_cast %max3A_552 : vector<16xf32> to vector<1x16xf32>
        tpu.vector_store %swap3A_556[%swap3A_557, %swap3A_558], %swap3A_561 {strides = array<i32>} : memref<128x64xf32, #tpu.memory_space<vmem>>, vector<1x16xf32>,
        %get3A_562 = arith.constant 0 : i32
        %get3A_563 = arith.constant 0 : i32
        %get3A_564 = tpu.memref_slice %arg7[%scan3A_384, %get3A_562, %get3A_563] : memref<4x128x64xf32, #tpu.memory_space<vmem>> -> memref<1x128x64xf32, #tpu.memory_space<vmem>>
        %get3A_565 = tpu.memref_squeeze %get3A_564 : memref<1x128x64xf32, #tpu.memory_space<vmem>> -> memref<128x64xf32, #tpu.memory_space<vmem>>
        %get3A_566 = arith.index_cast %scan3A_524 : i32 to index
        %get3A_567 = arith.constant 32 : index
        %get3A_568 = tpu.vector_load %get3A_565[%get3A_566, %get3A_567] {strides = array<i32>} : memref<128x64xf32, #tpu.memory_space<vmem>>, vector<1x16xf32>,
        %get3A_569 = vector.shape_cast %get3A_568 : vector<1x16xf32> to vector<16xf32>
        %max3A_570 = arith.constant 0.000000e+00 : f32
        %max3A_571 = vector.broadcast %max3A_570 : f32 to vector<16xf32>
        %max3A_572 = arith.maximumf %get3A_569, %max3A_571 : vector<16xf32>
        %swap3A_573 = arith.constant 0 : i32
        %swap3A_574 = arith.constant 0 : i32
        %swap3A_575 = tpu.memref_slice %arg7[%scan3A_384, %swap3A_573, %swap3A_574] : memref<4x128x64xf32, #tpu.memory_space<vmem>> -> memref<1x128x64xf32, #tpu.memory_space<vmem>>
        %swap3A_576 = tpu.memref_squeeze %swap3A_575 : memref<1x128x64xf32, #tpu.memory_space<vmem>> -> memref<128x64xf32, #tpu.memory_space<vmem>>
        %swap3A_577 = arith.index_cast %scan3A_524 : i32 to index
        %swap3A_578 = arith.constant 32 : index
        %swap3A_579 = tpu.vector_load %swap3A_576[%swap3A_577, %swap3A_578] {strides = array<i32>} : memref<128x64xf32, #tpu.memory_space<vmem>>, vector<1x16xf32>,
        %swap3A_580 = vector.shape_cast %swap3A_579 : vector<1x16xf32> to vector<16xf32>
        %swap3A_581 = vector.shape_cast %max3A_572 : vector<16xf32> to vector<1x16xf32>
        tpu.vector_store %swap3A_576[%swap3A_577, %swap3A_578], %swap3A_581 {strides = array<i32>} : memref<128x64xf32, #tpu.memory_space<vmem>>, vector<1x16xf32>,
        %get3A_582 = arith.constant 0 : i32
        %get3A_583 = arith.constant 0 : i32
        %get3A_584 = tpu.memref_slice %arg7[%scan3A_384, %get3A_582, %get3A_583] : memref<4x128x64xf32, #tpu.memory_space<vmem>> -> memref<1x128x64xf32, #tpu.memory_space<vmem>>
        %get3A_585 = tpu.memref_squeeze %get3A_584 : memref<1x128x64xf32, #tpu.memory_space<vmem>> -> memref<128x64xf32, #tpu.memory_space<vmem>>
        %get3A_586 = arith.index_cast %scan3A_524 : i32 to index
        %get3A_587 = arith.constant 48 : index
        %get3A_588 = tpu.vector_load %get3A_585[%get3A_586, %get3A_587] {strides = array<i32>} : memref<128x64xf32, #tpu.memory_space<vmem>>, vector<1x16xf32>,
        %get3A_589 = vector.shape_cast %get3A_588 : vector<1x16xf32> to vector<16xf32>
        %max3A_590 = arith.constant 0.000000e+00 : f32
        %max3A_591 = vector.broadcast %max3A_590 : f32 to vector<16xf32>
        %max3A_592 = arith.maximumf %get3A_589, %max3A_591 : vector<16xf32>
        %swap3A_593 = arith.constant 0 : i32
        %swap3A_594 = arith.constant 0 : i32
        %swap3A_595 = tpu.memref_slice %arg7[%scan3A_384, %swap3A_593, %swap3A_594] : memref<4x128x64xf32, #tpu.memory_space<vmem>> -> memref<1x128x64xf32, #tpu.memory_space<vmem>>
        %swap3A_596 = tpu.memref_squeeze %swap3A_595 : memref<1x128x64xf32, #tpu.memory_space<vmem>> -> memref<128x64xf32, #tpu.memory_space<vmem>>
        %swap3A_597 = arith.index_cast %scan3A_524 : i32 to index
        %swap3A_598 = arith.constant 48 : index
        %swap3A_599 = tpu.vector_load %swap3A_596[%swap3A_597, %swap3A_598] {strides = array<i32>} : memref<128x64xf32, #tpu.memory_space<vmem>>, vector<1x16xf32>,
        %swap3A_600 = vector.shape_cast %swap3A_599 : vector<1x16xf32> to vector<16xf32>
        %swap3A_601 = vector.shape_cast %max3A_592 : vector<16xf32> to vector<1x16xf32>
        tpu.vector_store %swap3A_596[%swap3A_597, %swap3A_598], %swap3A_601 {strides = array<i32>} : memref<128x64xf32, #tpu.memory_space<vmem>>, vector<1x16xf32>,
      }
      %scan3A_389 = arith.constant 128 : i32
      %mul3A_390 = arith.constant 64 : i32
      %mul3A_391 = arith.muli %arg0, %mul3A_390 : i32
      %dma_start3A_392 = arith.constant 2 : i32
      %dma_start3A_393 = arith.constant 0 : i32
      %dma_start3A_394 = arith.constant 0 : i32
      %dma_start3A_395 = tpu.memref_slice %arg7[%dma_start3A_392, %dma_start3A_393, %dma_start3A_394] : memref<4x128x64xf32, #tpu.memory_space<vmem>> -> memref<1x128x64xf32, #tpu.memory_space<vmem>>
      %dma_start3A_396 = tpu.memref_squeeze %dma_start3A_395 : memref<1x128x64xf32, #tpu.memory_space<vmem>> -> memref<128x64xf32, #tpu.memory_space<vmem>>
      %dma_start3A_397 = arith.constant 9736 : i32
      %dma_start3A_398 = tpu.memref_slice %arg6[%dma_start3A_397, %mul3A_391] : memref<10000x128xf32, #tpu.memory_space<hbm>> -> memref<128x64xf32, #tpu.memory_space<hbm>>
      %dma_start3A_399 = arith.constant 9736 : i32
      %dma_start3A_400 = tpu.memref_slice %arg6[%dma_start3A_399, %mul3A_391] : memref<10000x128xf32, #tpu.memory_space<hbm>> -> memref<128x64xf32, #tpu.memory_space<hbm>>
      %dma_start3A_401 = arith.constant 0 : i32
      %dma_start3A_402 = arith.constant 0 : i32
      %dma_start3A_403 = tpu.memref_slice %arg7[%dma_start3A_392, %dma_start3A_401, %dma_start3A_402] : memref<4x128x64xf32, #tpu.memory_space<vmem>> -> memref<1x128x64xf32, #tpu.memory_space<vmem>>
      %dma_start3A_404 = tpu.memref_squeeze %dma_start3A_403 : memref<1x128x64xf32, #tpu.memory_space<vmem>> -> memref<128x64xf32, #tpu.memory_space<vmem>>
      tpu.enqueue_dma source(%dma_start3A_404 : memref<128x64xf32, #tpu.memory_space<vmem>>) target(%dma_start3A_400 : memref<128x64xf32, #tpu.memory_space<hbm>>) target_semaphore(%arg18 : memref<!tpu.dma_semaphore, #tpu.memory_space<semaphore_mem>>)
      %dma_wait3A_405 = arith.constant 0 : i32
      %dma_wait3A_406 = arith.constant 0 : i32
      %dma_wait3A_407 = arith.constant 0 : i32
      %dma_wait3A_408 = tpu.memref_slice %arg7[%dma_wait3A_405, %dma_wait3A_406, %dma_wait3A_407] : memref<4x128x64xf32, #tpu.memory_space<vmem>> -> memref<1x128x64xf32, #tpu.memory_space<vmem>>
      %dma_wait3A_409 = tpu.memref_squeeze %dma_wait3A_408 : memref<1x128x64xf32, #tpu.memory_space<vmem>> -> memref<128x64xf32, #tpu.memory_space<vmem>>
      %dma_wait3A_410 = arith.constant 9864 : i32
      %dma_wait3A_411 = arith.constant 0 : i32
      %dma_wait3A_412 = tpu.memref_slice %arg10[%dma_wait3A_410, %dma_wait3A_411] : memref<10112x64xf32, #tpu.memory_space<vmem_shared>> -> memref<128x64xf32, #tpu.memory_space<vmem_shared>>
      %dma_wait3A_413 = arith.constant 0 : i32
      %dma_wait3A_414 = arith.constant 0 : i32
      %dma_wait3A_415 = tpu.memref_slice %arg7[%dma_wait3A_405, %dma_wait3A_413, %dma_wait3A_414] : memref<4x128x64xf32, #tpu.memory_space<vmem>> -> memref<1x128x64xf32, #tpu.memory_space<vmem>>
      %dma_wait3A_416 = tpu.memref_squeeze %dma_wait3A_415 : memref<1x128x64xf32, #tpu.memory_space<vmem>> -> memref<128x64xf32, #tpu.memory_space<vmem>>
      %dma_wait3A_417 = arith.constant 9864 : i32
      %dma_wait3A_418 = arith.constant 0 : i32
      %dma_wait3A_419 = tpu.memref_slice %arg10[%dma_wait3A_417, %dma_wait3A_418] : memref<10112x64xf32, #tpu.memory_space<vmem_shared>> -> memref<128x64xf32, #tpu.memory_space<vmem_shared>>
      tpu.wait_dma2 semaphore(%arg12 : memref<!tpu.dma_semaphore, #tpu.memory_space<semaphore_mem>>) src(%dma_wait3A_419 : memref<128x64xf32, #tpu.memory_space<vmem_shared>>) dst(%dma_wait3A_416 : memref<128x64xf32, #tpu.memory_space<vmem>>)
      %scan3A_420 = arith.constant 0 : i32
      %scan3A_421 = arith.constant 0 : i32
      %scan3A_422 = arith.constant 0 : i32
      %scan3A_423 = arith.constant 128 : i32
      %scan3A_424 = arith.addi %scan3A_422, %scan3A_423 : i32
      %scan3A_425 = arith.constant 1 : i32
      scf.for %scan3A_524 = %scan3A_422 to %scan3A_424 step %scan3A_425  : i32 {
        %get3A = arith.constant 0 : i32
        %get3A_525 = arith.constant 0 : i32
        %get3A_526 = tpu.memref_slice %arg7[%scan3A_421, %get3A, %get3A_525] : memref<4x128x64xf32, #tpu.memory_space<vmem>> -> memref<1x128x64xf32, #tpu.memory_space<vmem>>
        %get3A_527 = tpu.memref_squeeze %get3A_526 : memref<1x128x64xf32, #tpu.memory_space<vmem>> -> memref<128x64xf32, #tpu.memory_space<vmem>>
        %get3A_528 = arith.index_cast %scan3A_524 : i32 to index
        %get3A_529 = arith.constant 0 : index
        %get3A_530 = tpu.vector_load %get3A_527[%get3A_528, %get3A_529] {strides = array<i32>} : memref<128x64xf32, #tpu.memory_space<vmem>>, vector<1x16xf32>,
        %get3A_531 = vector.shape_cast %get3A_530 : vector<1x16xf32> to vector<16xf32>
        %max3A = arith.constant 0.000000e+00 : f32
        %max3A_532 = vector.broadcast %max3A : f32 to vector<16xf32>
        %max3A_533 = arith.maximumf %get3A_531, %max3A_532 : vector<16xf32>
        %swap3A = arith.constant 0 : i32
        %swap3A_534 = arith.constant 0 : i32
        %swap3A_535 = tpu.memref_slice %arg7[%scan3A_421, %swap3A, %swap3A_534] : memref<4x128x64xf32, #tpu.memory_space<vmem>> -> memref<1x128x64xf32, #tpu.memory_space<vmem>>
        %swap3A_536 = tpu.memref_squeeze %swap3A_535 : memref<1x128x64xf32, #tpu.memory_space<vmem>> -> memref<128x64xf32, #tpu.memory_space<vmem>>
        %swap3A_537 = arith.index_cast %scan3A_524 : i32 to index
        %swap3A_538 = arith.constant 0 : index
        %swap3A_539 = tpu.vector_load %swap3A_536[%swap3A_537, %swap3A_538] {strides = array<i32>} : memref<128x64xf32, #tpu.memory_space<vmem>>, vector<1x16xf32>,
        %swap3A_540 = vector.shape_cast %swap3A_539 : vector<1x16xf32> to vector<16xf32>
        %swap3A_541 = vector.shape_cast %max3A_533 : vector<16xf32> to vector<1x16xf32>
        tpu.vector_store %swap3A_536[%swap3A_537, %swap3A_538], %swap3A_541 {strides = array<i32>} : memref<128x64xf32, #tpu.memory_space<vmem>>, vector<1x16xf32>,
        %get3A_542 = arith.constant 0 : i32
        %get3A_543 = arith.constant 0 : i32
        %get3A_544 = tpu.memref_slice %arg7[%scan3A_421, %get3A_542, %get3A_543] : memref<4x128x64xf32, #tpu.memory_space<vmem>> -> memref<1x128x64xf32, #tpu.memory_space<vmem>>
        %get3A_545 = tpu.memref_squeeze %get3A_544 : memref<1x128x64xf32, #tpu.memory_space<vmem>> -> memref<128x64xf32, #tpu.memory_space<vmem>>
        %get3A_546 = arith.index_cast %scan3A_524 : i32 to index
        %get3A_547 = arith.constant 16 : index
        %get3A_548 = tpu.vector_load %get3A_545[%get3A_546, %get3A_547] {strides = array<i32>} : memref<128x64xf32, #tpu.memory_space<vmem>>, vector<1x16xf32>,
        %get3A_549 = vector.shape_cast %get3A_548 : vector<1x16xf32> to vector<16xf32>
        %max3A_550 = arith.constant 0.000000e+00 : f32
        %max3A_551 = vector.broadcast %max3A_550 : f32 to vector<16xf32>
        %max3A_552 = arith.maximumf %get3A_549, %max3A_551 : vector<16xf32>
        %swap3A_553 = arith.constant 0 : i32
        %swap3A_554 = arith.constant 0 : i32
        %swap3A_555 = tpu.memref_slice %arg7[%scan3A_421, %swap3A_553, %swap3A_554] : memref<4x128x64xf32, #tpu.memory_space<vmem>> -> memref<1x128x64xf32, #tpu.memory_space<vmem>>
        %swap3A_556 = tpu.memref_squeeze %swap3A_555 : memref<1x128x64xf32, #tpu.memory_space<vmem>> -> memref<128x64xf32, #tpu.memory_space<vmem>>
        %swap3A_557 = arith.index_cast %scan3A_524 : i32 to index
        %swap3A_558 = arith.constant 16 : index
        %swap3A_559 = tpu.vector_load %swap3A_556[%swap3A_557, %swap3A_558] {strides = array<i32>} : memref<128x64xf32, #tpu.memory_space<vmem>>, vector<1x16xf32>,
        %swap3A_560 = vector.shape_cast %swap3A_559 : vector<1x16xf32> to vector<16xf32>
        %swap3A_561 = vector.shape_cast %max3A_552 : vector<16xf32> to vector<1x16xf32>
        tpu.vector_store %swap3A_556[%swap3A_557, %swap3A_558], %swap3A_561 {strides = array<i32>} : memref<128x64xf32, #tpu.memory_space<vmem>>, vector<1x16xf32>,
        %get3A_562 = arith.constant 0 : i32
        %get3A_563 = arith.constant 0 : i32
        %get3A_564 = tpu.memref_slice %arg7[%scan3A_421, %get3A_562, %get3A_563] : memref<4x128x64xf32, #tpu.memory_space<vmem>> -> memref<1x128x64xf32, #tpu.memory_space<vmem>>
        %get3A_565 = tpu.memref_squeeze %get3A_564 : memref<1x128x64xf32, #tpu.memory_space<vmem>> -> memref<128x64xf32, #tpu.memory_space<vmem>>
        %get3A_566 = arith.index_cast %scan3A_524 : i32 to index
        %get3A_567 = arith.constant 32 : index
        %get3A_568 = tpu.vector_load %get3A_565[%get3A_566, %get3A_567] {strides = array<i32>} : memref<128x64xf32, #tpu.memory_space<vmem>>, vector<1x16xf32>,
        %get3A_569 = vector.shape_cast %get3A_568 : vector<1x16xf32> to vector<16xf32>
        %max3A_570 = arith.constant 0.000000e+00 : f32
        %max3A_571 = vector.broadcast %max3A_570 : f32 to vector<16xf32>
        %max3A_572 = arith.maximumf %get3A_569, %max3A_571 : vector<16xf32>
        %swap3A_573 = arith.constant 0 : i32
        %swap3A_574 = arith.constant 0 : i32
        %swap3A_575 = tpu.memref_slice %arg7[%scan3A_421, %swap3A_573, %swap3A_574] : memref<4x128x64xf32, #tpu.memory_space<vmem>> -> memref<1x128x64xf32, #tpu.memory_space<vmem>>
        %swap3A_576 = tpu.memref_squeeze %swap3A_575 : memref<1x128x64xf32, #tpu.memory_space<vmem>> -> memref<128x64xf32, #tpu.memory_space<vmem>>
        %swap3A_577 = arith.index_cast %scan3A_524 : i32 to index
        %swap3A_578 = arith.constant 32 : index
        %swap3A_579 = tpu.vector_load %swap3A_576[%swap3A_577, %swap3A_578] {strides = array<i32>} : memref<128x64xf32, #tpu.memory_space<vmem>>, vector<1x16xf32>,
        %swap3A_580 = vector.shape_cast %swap3A_579 : vector<1x16xf32> to vector<16xf32>
        %swap3A_581 = vector.shape_cast %max3A_572 : vector<16xf32> to vector<1x16xf32>
        tpu.vector_store %swap3A_576[%swap3A_577, %swap3A_578], %swap3A_581 {strides = array<i32>} : memref<128x64xf32, #tpu.memory_space<vmem>>, vector<1x16xf32>,
        %get3A_582 = arith.constant 0 : i32
        %get3A_583 = arith.constant 0 : i32
        %get3A_584 = tpu.memref_slice %arg7[%scan3A_421, %get3A_582, %get3A_583] : memref<4x128x64xf32, #tpu.memory_space<vmem>> -> memref<1x128x64xf32, #tpu.memory_space<vmem>>
        %get3A_585 = tpu.memref_squeeze %get3A_584 : memref<1x128x64xf32, #tpu.memory_space<vmem>> -> memref<128x64xf32, #tpu.memory_space<vmem>>
        %get3A_586 = arith.index_cast %scan3A_524 : i32 to index
        %get3A_587 = arith.constant 48 : index
        %get3A_588 = tpu.vector_load %get3A_585[%get3A_586, %get3A_587] {strides = array<i32>} : memref<128x64xf32, #tpu.memory_space<vmem>>, vector<1x16xf32>,
        %get3A_589 = vector.shape_cast %get3A_588 : vector<1x16xf32> to vector<16xf32>
        %max3A_590 = arith.constant 0.000000e+00 : f32
        %max3A_591 = vector.broadcast %max3A_590 : f32 to vector<16xf32>
        %max3A_592 = arith.maximumf %get3A_589, %max3A_591 : vector<16xf32>
        %swap3A_593 = arith.constant 0 : i32
        %swap3A_594 = arith.constant 0 : i32
        %swap3A_595 = tpu.memref_slice %arg7[%scan3A_421, %swap3A_593, %swap3A_594] : memref<4x128x64xf32, #tpu.memory_space<vmem>> -> memref<1x128x64xf32, #tpu.memory_space<vmem>>
        %swap3A_596 = tpu.memref_squeeze %swap3A_595 : memref<1x128x64xf32, #tpu.memory_space<vmem>> -> memref<128x64xf32, #tpu.memory_space<vmem>>
        %swap3A_597 = arith.index_cast %scan3A_524 : i32 to index
        %swap3A_598 = arith.constant 48 : index
        %swap3A_599 = tpu.vector_load %swap3A_596[%swap3A_597, %swap3A_598] {strides = array<i32>} : memref<128x64xf32, #tpu.memory_space<vmem>>, vector<1x16xf32>,
        %swap3A_600 = vector.shape_cast %swap3A_599 : vector<1x16xf32> to vector<16xf32>
        %swap3A_601 = vector.shape_cast %max3A_592 : vector<16xf32> to vector<1x16xf32>
        tpu.vector_store %swap3A_596[%swap3A_597, %swap3A_598], %swap3A_601 {strides = array<i32>} : memref<128x64xf32, #tpu.memory_space<vmem>>, vector<1x16xf32>,
      }
      %scan3A_426 = arith.constant 128 : i32
      %mul3A_427 = arith.constant 64 : i32
      %mul3A_428 = arith.muli %arg0, %mul3A_427 : i32
      %dma_start3A_429 = arith.constant 0 : i32
      %dma_start3A_430 = arith.constant 0 : i32
      %dma_start3A_431 = arith.constant 0 : i32
      %dma_start3A_432 = tpu.memref_slice %arg7[%dma_start3A_429, %dma_start3A_430, %dma_start3A_431] : memref<4x128x64xf32, #tpu.memory_space<vmem>> -> memref<1x128x64xf32, #tpu.memory_space<vmem>>
      %dma_start3A_433 = tpu.memref_squeeze %dma_start3A_432 : memref<1x128x64xf32, #tpu.memory_space<vmem>> -> memref<128x64xf32, #tpu.memory_space<vmem>>
      %dma_start3A_434 = arith.constant 9864 : i32
      %dma_start3A_435 = tpu.memref_slice %arg6[%dma_start3A_434, %mul3A_428] : memref<10000x128xf32, #tpu.memory_space<hbm>> -> memref<128x64xf32, #tpu.memory_space<hbm>>
      %dma_start3A_436 = arith.constant 9864 : i32
      %dma_start3A_437 = tpu.memref_slice %arg6[%dma_start3A_436, %mul3A_428] : memref<10000x128xf32, #tpu.memory_space<hbm>> -> memref<128x64xf32, #tpu.memory_space<hbm>>
      %dma_start3A_438 = arith.constant 0 : i32
      %dma_start3A_439 = arith.constant 0 : i32
      %dma_start3A_440 = tpu.memref_slice %arg7[%dma_start3A_429, %dma_start3A_438, %dma_start3A_439] : memref<4x128x64xf32, #tpu.memory_space<vmem>> -> memref<1x128x64xf32, #tpu.memory_space<vmem>>
      %dma_start3A_441 = tpu.memref_squeeze %dma_start3A_440 : memref<1x128x64xf32, #tpu.memory_space<vmem>> -> memref<128x64xf32, #tpu.memory_space<vmem>>
      tpu.enqueue_dma source(%dma_start3A_441 : memref<128x64xf32, #tpu.memory_space<vmem>>) target(%dma_start3A_437 : memref<128x64xf32, #tpu.memory_space<hbm>>) target_semaphore(%arg16 : memref<!tpu.dma_semaphore, #tpu.memory_space<semaphore_mem>>)
      %dma_wait3A_442 = arith.constant 1 : i32
      %dma_wait3A_443 = arith.constant 0 : i32
      %dma_wait3A_444 = arith.constant 0 : i32
      %dma_wait3A_445 = tpu.memref_slice %arg7[%dma_wait3A_442, %dma_wait3A_443, %dma_wait3A_444] : memref<4x128x64xf32, #tpu.memory_space<vmem>> -> memref<1x8x64xf32, #tpu.memory_space<vmem>>
      %dma_wait3A_446 = tpu.memref_squeeze %dma_wait3A_445 : memref<1x8x64xf32, #tpu.memory_space<vmem>> -> memref<8x64xf32, #tpu.memory_space<vmem>>
      %dma_wait3A_447 = arith.constant 9992 : i32
      %dma_wait3A_448 = arith.constant 0 : i32
      %dma_wait3A_449 = tpu.memref_slice %arg10[%dma_wait3A_447, %dma_wait3A_448] : memref<10112x64xf32, #tpu.memory_space<vmem_shared>> -> memref<8x64xf32, #tpu.memory_space<vmem_shared>>
      %dma_wait3A_450 = arith.constant 0 : i32
      %dma_wait3A_451 = arith.constant 0 : i32
      %dma_wait3A_452 = tpu.memref_slice %arg7[%dma_wait3A_442, %dma_wait3A_450, %dma_wait3A_451] : memref<4x128x64xf32, #tpu.memory_space<vmem>> -> memref<1x8x64xf32, #tpu.memory_space<vmem>>
      %dma_wait3A_453 = tpu.memref_squeeze %dma_wait3A_452 : memref<1x8x64xf32, #tpu.memory_space<vmem>> -> memref<8x64xf32, #tpu.memory_space<vmem>>
      %dma_wait3A_454 = arith.constant 9992 : i32
      %dma_wait3A_455 = arith.constant 0 : i32
      %dma_wait3A_456 = tpu.memref_slice %arg10[%dma_wait3A_454, %dma_wait3A_455] : memref<10112x64xf32, #tpu.memory_space<vmem_shared>> -> memref<8x64xf32, #tpu.memory_space<vmem_shared>>
      tpu.wait_dma2 semaphore(%arg13 : memref<!tpu.dma_semaphore, #tpu.memory_space<semaphore_mem>>) src(%dma_wait3A_456 : memref<8x64xf32, #tpu.memory_space<vmem_shared>>) dst(%dma_wait3A_453 : memref<8x64xf32, #tpu.memory_space<vmem>>)
      %scan3A_457 = arith.constant 0 : i32
      %scan3A_458 = arith.constant 1 : i32
      %scan3A_459 = arith.constant 0 : i32
      %scan3A_460 = arith.constant 8 : i32
      %scan3A_461 = arith.addi %scan3A_459, %scan3A_460 : i32
      %scan3A_462 = arith.constant 1 : i32
      scf.for %scan3A_524 = %scan3A_459 to %scan3A_461 step %scan3A_462  : i32 {
        %get3A = arith.constant 0 : i32
        %get3A_525 = arith.constant 0 : i32
        %get3A_526 = tpu.memref_slice %arg7[%scan3A_458, %get3A, %get3A_525] : memref<4x128x64xf32, #tpu.memory_space<vmem>> -> memref<1x128x64xf32, #tpu.memory_space<vmem>>
        %get3A_527 = tpu.memref_squeeze %get3A_526 : memref<1x128x64xf32, #tpu.memory_space<vmem>> -> memref<128x64xf32, #tpu.memory_space<vmem>>
        %get3A_528 = arith.index_cast %scan3A_524 : i32 to index
        %get3A_529 = arith.constant 0 : index
        %get3A_530 = tpu.vector_load %get3A_527[%get3A_528, %get3A_529] {strides = array<i32>} : memref<128x64xf32, #tpu.memory_space<vmem>>, vector<1x16xf32>,
        %get3A_531 = vector.shape_cast %get3A_530 : vector<1x16xf32> to vector<16xf32>
        %max3A = arith.constant 0.000000e+00 : f32
        %max3A_532 = vector.broadcast %max3A : f32 to vector<16xf32>
        %max3A_533 = arith.maximumf %get3A_531, %max3A_532 : vector<16xf32>
        %swap3A = arith.constant 0 : i32
        %swap3A_534 = arith.constant 0 : i32
        %swap3A_535 = tpu.memref_slice %arg7[%scan3A_458, %swap3A, %swap3A_534] : memref<4x128x64xf32, #tpu.memory_space<vmem>> -> memref<1x128x64xf32, #tpu.memory_space<vmem>>
        %swap3A_536 = tpu.memref_squeeze %swap3A_535 : memref<1x128x64xf32, #tpu.memory_space<vmem>> -> memref<128x64xf32, #tpu.memory_space<vmem>>
        %swap3A_537 = arith.index_cast %scan3A_524 : i32 to index
        %swap3A_538 = arith.constant 0 : index
        %swap3A_539 = tpu.vector_load %swap3A_536[%swap3A_537, %swap3A_538] {strides = array<i32>} : memref<128x64xf32, #tpu.memory_space<vmem>>, vector<1x16xf32>,
        %swap3A_540 = vector.shape_cast %swap3A_539 : vector<1x16xf32> to vector<16xf32>
        %swap3A_541 = vector.shape_cast %max3A_533 : vector<16xf32> to vector<1x16xf32>
        tpu.vector_store %swap3A_536[%swap3A_537, %swap3A_538], %swap3A_541 {strides = array<i32>} : memref<128x64xf32, #tpu.memory_space<vmem>>, vector<1x16xf32>,
        %get3A_542 = arith.constant 0 : i32
        %get3A_543 = arith.constant 0 : i32
        %get3A_544 = tpu.memref_slice %arg7[%scan3A_458, %get3A_542, %get3A_543] : memref<4x128x64xf32, #tpu.memory_space<vmem>> -> memref<1x128x64xf32, #tpu.memory_space<vmem>>
        %get3A_545 = tpu.memref_squeeze %get3A_544 : memref<1x128x64xf32, #tpu.memory_space<vmem>> -> memref<128x64xf32, #tpu.memory_space<vmem>>
        %get3A_546 = arith.index_cast %scan3A_524 : i32 to index
        %get3A_547 = arith.constant 16 : index
        %get3A_548 = tpu.vector_load %get3A_545[%get3A_546, %get3A_547] {strides = array<i32>} : memref<128x64xf32, #tpu.memory_space<vmem>>, vector<1x16xf32>,
        %get3A_549 = vector.shape_cast %get3A_548 : vector<1x16xf32> to vector<16xf32>
        %max3A_550 = arith.constant 0.000000e+00 : f32
        %max3A_551 = vector.broadcast %max3A_550 : f32 to vector<16xf32>
        %max3A_552 = arith.maximumf %get3A_549, %max3A_551 : vector<16xf32>
        %swap3A_553 = arith.constant 0 : i32
        %swap3A_554 = arith.constant 0 : i32
        %swap3A_555 = tpu.memref_slice %arg7[%scan3A_458, %swap3A_553, %swap3A_554] : memref<4x128x64xf32, #tpu.memory_space<vmem>> -> memref<1x128x64xf32, #tpu.memory_space<vmem>>
        %swap3A_556 = tpu.memref_squeeze %swap3A_555 : memref<1x128x64xf32, #tpu.memory_space<vmem>> -> memref<128x64xf32, #tpu.memory_space<vmem>>
        %swap3A_557 = arith.index_cast %scan3A_524 : i32 to index
        %swap3A_558 = arith.constant 16 : index
        %swap3A_559 = tpu.vector_load %swap3A_556[%swap3A_557, %swap3A_558] {strides = array<i32>} : memref<128x64xf32, #tpu.memory_space<vmem>>, vector<1x16xf32>,
        %swap3A_560 = vector.shape_cast %swap3A_559 : vector<1x16xf32> to vector<16xf32>
        %swap3A_561 = vector.shape_cast %max3A_552 : vector<16xf32> to vector<1x16xf32>
        tpu.vector_store %swap3A_556[%swap3A_557, %swap3A_558], %swap3A_561 {strides = array<i32>} : memref<128x64xf32, #tpu.memory_space<vmem>>, vector<1x16xf32>,
        %get3A_562 = arith.constant 0 : i32
        %get3A_563 = arith.constant 0 : i32
        %get3A_564 = tpu.memref_slice %arg7[%scan3A_458, %get3A_562, %get3A_563] : memref<4x128x64xf32, #tpu.memory_space<vmem>> -> memref<1x128x64xf32, #tpu.memory_space<vmem>>
        %get3A_565 = tpu.memref_squeeze %get3A_564 : memref<1x128x64xf32, #tpu.memory_space<vmem>> -> memref<128x64xf32, #tpu.memory_space<vmem>>
        %get3A_566 = arith.index_cast %scan3A_524 : i32 to index
        %get3A_567 = arith.constant 32 : index
        %get3A_568 = tpu.vector_load %get3A_565[%get3A_566, %get3A_567] {strides = array<i32>} : memref<128x64xf32, #tpu.memory_space<vmem>>, vector<1x16xf32>,
        %get3A_569 = vector.shape_cast %get3A_568 : vector<1x16xf32> to vector<16xf32>
        %max3A_570 = arith.constant 0.000000e+00 : f32
        %max3A_571 = vector.broadcast %max3A_570 : f32 to vector<16xf32>
        %max3A_572 = arith.maximumf %get3A_569, %max3A_571 : vector<16xf32>
        %swap3A_573 = arith.constant 0 : i32
        %swap3A_574 = arith.constant 0 : i32
        %swap3A_575 = tpu.memref_slice %arg7[%scan3A_458, %swap3A_573, %swap3A_574] : memref<4x128x64xf32, #tpu.memory_space<vmem>> -> memref<1x128x64xf32, #tpu.memory_space<vmem>>
        %swap3A_576 = tpu.memref_squeeze %swap3A_575 : memref<1x128x64xf32, #tpu.memory_space<vmem>> -> memref<128x64xf32, #tpu.memory_space<vmem>>
        %swap3A_577 = arith.index_cast %scan3A_524 : i32 to index
        %swap3A_578 = arith.constant 32 : index
        %swap3A_579 = tpu.vector_load %swap3A_576[%swap3A_577, %swap3A_578] {strides = array<i32>} : memref<128x64xf32, #tpu.memory_space<vmem>>, vector<1x16xf32>,
        %swap3A_580 = vector.shape_cast %swap3A_579 : vector<1x16xf32> to vector<16xf32>
        %swap3A_581 = vector.shape_cast %max3A_572 : vector<16xf32> to vector<1x16xf32>
        tpu.vector_store %swap3A_576[%swap3A_577, %swap3A_578], %swap3A_581 {strides = array<i32>} : memref<128x64xf32, #tpu.memory_space<vmem>>, vector<1x16xf32>,
        %get3A_582 = arith.constant 0 : i32
        %get3A_583 = arith.constant 0 : i32
        %get3A_584 = tpu.memref_slice %arg7[%scan3A_458, %get3A_582, %get3A_583] : memref<4x128x64xf32, #tpu.memory_space<vmem>> -> memref<1x128x64xf32, #tpu.memory_space<vmem>>
        %get3A_585 = tpu.memref_squeeze %get3A_584 : memref<1x128x64xf32, #tpu.memory_space<vmem>> -> memref<128x64xf32, #tpu.memory_space<vmem>>
        %get3A_586 = arith.index_cast %scan3A_524 : i32 to index
        %get3A_587 = arith.constant 48 : index
        %get3A_588 = tpu.vector_load %get3A_585[%get3A_586, %get3A_587] {strides = array<i32>} : memref<128x64xf32, #tpu.memory_space<vmem>>, vector<1x16xf32>,
        %get3A_589 = vector.shape_cast %get3A_588 : vector<1x16xf32> to vector<16xf32>
        %max3A_590 = arith.constant 0.000000e+00 : f32
        %max3A_591 = vector.broadcast %max3A_590 : f32 to vector<16xf32>
        %max3A_592 = arith.maximumf %get3A_589, %max3A_591 : vector<16xf32>
        %swap3A_593 = arith.constant 0 : i32
        %swap3A_594 = arith.constant 0 : i32
        %swap3A_595 = tpu.memref_slice %arg7[%scan3A_458, %swap3A_593, %swap3A_594] : memref<4x128x64xf32, #tpu.memory_space<vmem>> -> memref<1x128x64xf32, #tpu.memory_space<vmem>>
        %swap3A_596 = tpu.memref_squeeze %swap3A_595 : memref<1x128x64xf32, #tpu.memory_space<vmem>> -> memref<128x64xf32, #tpu.memory_space<vmem>>
        %swap3A_597 = arith.index_cast %scan3A_524 : i32 to index
        %swap3A_598 = arith.constant 48 : index
        %swap3A_599 = tpu.vector_load %swap3A_596[%swap3A_597, %swap3A_598] {strides = array<i32>} : memref<128x64xf32, #tpu.memory_space<vmem>>, vector<1x16xf32>,
        %swap3A_600 = vector.shape_cast %swap3A_599 : vector<1x16xf32> to vector<16xf32>
        %swap3A_601 = vector.shape_cast %max3A_592 : vector<16xf32> to vector<1x16xf32>
        tpu.vector_store %swap3A_596[%swap3A_597, %swap3A_598], %swap3A_601 {strides = array<i32>} : memref<128x64xf32, #tpu.memory_space<vmem>>, vector<1x16xf32>,
      }
      %scan3A_463 = arith.constant 8 : i32
      %mul3A_464 = arith.constant 64 : i32
      %mul3A_465 = arith.muli %arg0, %mul3A_464 : i32
      %dma_start3A_466 = arith.constant 1 : i32
      %dma_start3A_467 = arith.constant 0 : i32
      %dma_start3A_468 = arith.constant 0 : i32
      %dma_start3A_469 = tpu.memref_slice %arg7[%dma_start3A_466, %dma_start3A_467, %dma_start3A_468] : memref<4x128x64xf32, #tpu.memory_space<vmem>> -> memref<1x8x64xf32, #tpu.memory_space<vmem>>
      %dma_start3A_470 = tpu.memref_squeeze %dma_start3A_469 : memref<1x8x64xf32, #tpu.memory_space<vmem>> -> memref<8x64xf32, #tpu.memory_space<vmem>>
      %dma_start3A_471 = arith.constant 9992 : i32
      %dma_start3A_472 = tpu.memref_slice %arg6[%dma_start3A_471, %mul3A_465] : memref<10000x128xf32, #tpu.memory_space<hbm>> -> memref<8x64xf32, #tpu.memory_space<hbm>>
      %dma_start3A_473 = arith.constant 9992 : i32
      %dma_start3A_474 = tpu.memref_slice %arg6[%dma_start3A_473, %mul3A_465] : memref<10000x128xf32, #tpu.memory_space<hbm>> -> memref<8x64xf32, #tpu.memory_space<hbm>>
      %dma_start3A_475 = arith.constant 0 : i32
      %dma_start3A_476 = arith.constant 0 : i32
      %dma_start3A_477 = tpu.memref_slice %arg7[%dma_start3A_466, %dma_start3A_475, %dma_start3A_476] : memref<4x128x64xf32, #tpu.memory_space<vmem>> -> memref<1x8x64xf32, #tpu.memory_space<vmem>>
      %dma_start3A_478 = tpu.memref_squeeze %dma_start3A_477 : memref<1x8x64xf32, #tpu.memory_space<vmem>> -> memref<8x64xf32, #tpu.memory_space<vmem>>
      tpu.enqueue_dma source(%dma_start3A_478 : memref<8x64xf32, #tpu.memory_space<vmem>>) target(%dma_start3A_474 : memref<8x64xf32, #tpu.memory_space<hbm>>) target_semaphore(%arg17 : memref<!tpu.dma_semaphore, #tpu.memory_space<semaphore_mem>>)
      %mul3A_479 = arith.constant 64 : i32
      %mul3A_480 = arith.muli %arg0, %mul3A_479 : i32
      %dma_wait3A_481 = arith.constant 2 : i32
      %dma_wait3A_482 = arith.constant 0 : i32
      %dma_wait3A_483 = arith.constant 0 : i32
      %dma_wait3A_484 = tpu.memref_slice %arg7[%dma_wait3A_481, %dma_wait3A_482, %dma_wait3A_483] : memref<4x128x64xf32, #tpu.memory_space<vmem>> -> memref<1x128x64xf32, #tpu.memory_space<vmem>>
      %dma_wait3A_485 = tpu.memref_squeeze %dma_wait3A_484 : memref<1x128x64xf32, #tpu.memory_space<vmem>> -> memref<128x64xf32, #tpu.memory_space<vmem>>
      %dma_wait3A_486 = arith.constant 9736 : i32
      %dma_wait3A_487 = tpu.memref_slice %arg6[%dma_wait3A_486, %mul3A_480] : memref<10000x128xf32, #tpu.memory_space<hbm>> -> memref<128x64xf32, #tpu.memory_space<hbm>>
      %dma_wait3A_488 = arith.constant 9736 : i32
      %dma_wait3A_489 = tpu.memref_slice %arg6[%dma_wait3A_488, %mul3A_480] : memref<10000x128xf32, #tpu.memory_space<hbm>> -> memref<128x64xf32, #tpu.memory_space<hbm>>
      %dma_wait3A_490 = arith.constant 0 : i32
      %dma_wait3A_491 = arith.constant 0 : i32
      %dma_wait3A_492 = tpu.memref_slice %arg7[%dma_wait3A_481, %dma_wait3A_490, %dma_wait3A_491] : memref<4x128x64xf32, #tpu.memory_space<vmem>> -> memref<1x128x64xf32, #tpu.memory_space<vmem>>
      %dma_wait3A_493 = tpu.memref_squeeze %dma_wait3A_492 : memref<1x128x64xf32, #tpu.memory_space<vmem>> -> memref<128x64xf32, #tpu.memory_space<vmem>>
      tpu.wait_dma2 semaphore(%arg18 : memref<!tpu.dma_semaphore, #tpu.memory_space<semaphore_mem>>) src(%dma_wait3A_493 : memref<128x64xf32, #tpu.memory_space<vmem>>) dst(%dma_wait3A_489 : memref<128x64xf32, #tpu.memory_space<hbm>>)
      %mul3A_494 = arith.constant 64 : i32
      %mul3A_495 = arith.muli %arg0, %mul3A_494 : i32
      %dma_wait3A_496 = arith.constant 0 : i32
      %dma_wait3A_497 = arith.constant 0 : i32
      %dma_wait3A_498 = arith.constant 0 : i32
      %dma_wait3A_499 = tpu.memref_slice %arg7[%dma_wait3A_496, %dma_wait3A_497, %dma_wait3A_498] : memref<4x128x64xf32, #tpu.memory_space<vmem>> -> memref<1x128x64xf32, #tpu.memory_space<vmem>>
      %dma_wait3A_500 = tpu.memref_squeeze %dma_wait3A_499 : memref<1x128x64xf32, #tpu.memory_space<vmem>> -> memref<128x64xf32, #tpu.memory_space<vmem>>
      %dma_wait3A_501 = arith.constant 9864 : i32
      %dma_wait3A_502 = tpu.memref_slice %arg6[%dma_wait3A_501, %mul3A_495] : memref<10000x128xf32, #tpu.memory_space<hbm>> -> memref<128x64xf32, #tpu.memory_space<hbm>>
      %dma_wait3A_503 = arith.constant 9864 : i32
      %dma_wait3A_504 = tpu.memref_slice %arg6[%dma_wait3A_503, %mul3A_495] : memref<10000x128xf32, #tpu.memory_space<hbm>> -> memref<128x64xf32, #tpu.memory_space<hbm>>
      %dma_wait3A_505 = arith.constant 0 : i32
      %dma_wait3A_506 = arith.constant 0 : i32
      %dma_wait3A_507 = tpu.memref_slice %arg7[%dma_wait3A_496, %dma_wait3A_505, %dma_wait3A_506] : memref<4x128x64xf32, #tpu.memory_space<vmem>> -> memref<1x128x64xf32, #tpu.memory_space<vmem>>
      %dma_wait3A_508 = tpu.memref_squeeze %dma_wait3A_507 : memref<1x128x64xf32, #tpu.memory_space<vmem>> -> memref<128x64xf32, #tpu.memory_space<vmem>>
      tpu.wait_dma2 semaphore(%arg16 : memref<!tpu.dma_semaphore, #tpu.memory_space<semaphore_mem>>) src(%dma_wait3A_508 : memref<128x64xf32, #tpu.memory_space<vmem>>) dst(%dma_wait3A_504 : memref<128x64xf32, #tpu.memory_space<hbm>>)
      %mul3A_509 = arith.constant 64 : i32
      %mul3A_510 = arith.muli %arg0, %mul3A_509 : i32
      %dma_wait3A_511 = arith.constant 1 : i32
      %dma_wait3A_512 = arith.constant 0 : i32
      %dma_wait3A_513 = arith.constant 0 : i32
      %dma_wait3A_514 = tpu.memref_slice %arg7[%dma_wait3A_511, %dma_wait3A_512, %dma_wait3A_513] : memref<4x128x64xf32, #tpu.memory_space<vmem>> -> memref<1x8x64xf32, #tpu.memory_space<vmem>>
      %dma_wait3A_515 = tpu.memref_squeeze %dma_wait3A_514 : memref<1x8x64xf32, #tpu.memory_space<vmem>> -> memref<8x64xf32, #tpu.memory_space<vmem>>
      %dma_wait3A_516 = arith.constant 9992 : i32
      %dma_wait3A_517 = tpu.memref_slice %arg6[%dma_wait3A_516, %mul3A_510] : memref<10000x128xf32, #tpu.memory_space<hbm>> -> memref<8x64xf32, #tpu.memory_space<hbm>>
      %dma_wait3A_518 = arith.constant 9992 : i32
      %dma_wait3A_519 = tpu.memref_slice %arg6[%dma_wait3A_518, %mul3A_510] : memref<10000x128xf32, #tpu.memory_space<hbm>> -> memref<8x64xf32, #tpu.memory_space<hbm>>
      %dma_wait3A_520 = arith.constant 0 : i32
      %dma_wait3A_521 = arith.constant 0 : i32
      %dma_wait3A_522 = tpu.memref_slice %arg7[%dma_wait3A_511, %dma_wait3A_520, %dma_wait3A_521] : memref<4x128x64xf32, #tpu.memory_space<vmem>> -> memref<1x8x64xf32, #tpu.memory_space<vmem>>
      %dma_wait3A_523 = tpu.memref_squeeze %dma_wait3A_522 : memref<1x8x64xf32, #tpu.memory_space<vmem>> -> memref<8x64xf32, #tpu.memory_space<vmem>>
      tpu.wait_dma2 semaphore(%arg17 : memref<!tpu.dma_semaphore, #tpu.memory_space<semaphore_mem>>) src(%dma_wait3A_523 : memref<8x64xf32, #tpu.memory_space<vmem>>) dst(%dma_wait3A_519 : memref<8x64xf32, #tpu.memory_space<hbm>>)
    } else {
    }
    return
  }
}

module attributes {stable_mosaic.version = 14 : i64} {
  func.func @_mm_body(%arg0: i32, %arg1: memref<1000x128xf32, #tpu.memory_space<vmem>>, %arg2: memref<128x128xf32, #tpu.memory_space<vmem>>, %arg3: memref<2x1000x64xf32, #tpu.memory_space<vmem>>) attributes {dimension_semantics = [#tpu.dimension_semantics<arbitrary>], iteration_bounds = array<i64: 10>, scalar_prefetch = 0 : i64, scratch_operands = 0 : i64, tpu.core_type = #tpu.core_type<tc>, window_params = [{transform_indices = @transform_0, window_bounds = array<i64: 1000, 128>}, {pipeline_mode = #tpu.pipeline_mode<synchronous>, transform_indices = @transform_1, window_bounds = array<i64: 128, 128>}, {transform_indices = @transform_2, window_bounds = array<i64: 2, 1000, 64>}]} {
    %get3A = arith.constant 0 : index
    %get3A_0 = arith.constant 0 : index
    %get3A_1 = vector.load %arg1[%get3A, %get3A_0] : memref<1000x128xf32, #tpu.memory_space<vmem>>, vector<1000x128xf32>
    %get3A_2 = arith.constant 0 : index
    %get3A_3 = arith.constant 0 : index
    %get3A_4 = vector.load %arg2[%get3A_2, %get3A_3] : memref<128x128xf32, #tpu.memory_space<vmem>>, vector<128x128xf32>
    %dot_general3A = arith.constant dense<0.000000e+00> : vector<1000x128xf32>
    %dot_general3A_5 = tpu.matmul %get3A_1, %get3A_4, %dot_general3A {dimension_numbers = #tpu.dot_dimension_numbers<[1], [0], [0], [1], [0, 0, 1, 1], [], []>, transpose_lhs_hint = false} : vector<1000x128xf32>, vector<128x128xf32>, vector<1000x128xf32> -> vector<1000x128xf32>
    %slice3A = vector.extract_strided_slice %dot_general3A_5 {offsets = [0, 0], sizes = [1000, 64], strides = [1, 1]} : vector<1000x128xf32> to vector<1000x64xf32>
    %swap3A = arith.constant 0 : index
    %swap3A_6 = arith.constant 0 : index
    %swap3A_7 = arith.constant 0 : index
    %swap3A_8 = vector.load %arg3[%swap3A, %swap3A_6, %swap3A_7] : memref<2x1000x64xf32, #tpu.memory_space<vmem>>, vector<1x1000x64xf32>
    %swap3A_9 = vector.shape_cast %swap3A_8 : vector<1x1000x64xf32> to vector<1000x64xf32>
    %swap3A_10 = vector.shape_cast %slice3A : vector<1000x64xf32> to vector<1x1000x64xf32>
    tpu.vector_store %arg3[%swap3A, %swap3A_6, %swap3A_7], %swap3A_10 {strides = array<i32>} : memref<2x1000x64xf32, #tpu.memory_space<vmem>>, vector<1x1000x64xf32>,
    %slice3A_11 = vector.extract_strided_slice %dot_general3A_5 {offsets = [0, 64], sizes = [1000, 64], strides = [1, 1]} : vector<1000x128xf32> to vector<1000x64xf32>
    %swap3A_12 = arith.constant 1 : index
    %swap3A_13 = arith.constant 0 : index
    %swap3A_14 = arith.constant 0 : index
    %swap3A_15 = vector.load %arg3[%swap3A_12, %swap3A_13, %swap3A_14] : memref<2x1000x64xf32, #tpu.memory_space<vmem>>, vector<1x1000x64xf32>
    %swap3A_16 = vector.shape_cast %swap3A_15 : vector<1x1000x64xf32> to vector<1000x64xf32>
    %swap3A_17 = vector.shape_cast %slice3A_11 : vector<1000x64xf32> to vector<1x1000x64xf32>
    tpu.vector_store %arg3[%swap3A_12, %swap3A_13, %swap3A_14], %swap3A_17 {strides = array<i32>} : memref<2x1000x64xf32, #tpu.memory_space<vmem>>, vector<1x1000x64xf32>,
    return
  }
  func.func @transform_0(%arg0: i32) -> (i32, i32) {
    %c0_i32 = arith.constant 0 : i32
    %c0_i32_0 = arith.constant 0 : i32
    return %arg0, %c0_i32 : i32, i32
  }
  func.func @transform_1(%arg0: i32) -> (i32, i32) {
    %c0_i32 = arith.constant 0 : i32
    %c0_i32_0 = arith.constant 0 : i32
    %c0_i32_1 = arith.constant 0 : i32
    return %c0_i32, %c0_i32_0 : i32, i32
  }
  func.func @transform_2(%arg0: i32) -> (i32, i32, i32) {
    %c0_i32 = arith.constant 0 : i32
    %c0_i32_0 = arith.constant 0 : i32
    %c0_i32_1 = arith.constant 0 : i32
    return %c0_i32, %arg0, %c0_i32_0 : i32, i32, i32
  }
}

</mosaic_0001>

<sc_bundles>
// kernel: kernel.4.cloned.1.call-start
scs
__scs_entry_jumppad:
0x0: {  	(pc) =	sbr.rel $0x88, $3  }
0x1: {  	(tag) =	ssettag $0x0;
	lr =	simm.s32 $0x1  }
0x2: {  	[smem:$0x3F9E] =	sst lr;
	_ =	strace $0xD0000000  }
0x3: {  	_ = 	snop  }
0x4: {  	_ = 	snop  }
0x5: {  	_ = 	snop  }
0x6: {  	_ = 	snop  }
0x7: {  	_ = 	snop  }
__scs_overlays_trampoline_lowered:
0x8: {  	[smem:$0x3FAD] =	sst s0  }
0x9: {  	[smem:$0x3FAE] =	sst s1  }
0xa: {  	[smem:$0x3FAF] =	sst s2  }
0xb: {  	[smem:$0x3FB0] =	sst s3  }
0xc: {  	[smem:$0x3FB1] =	sst s4  }
0xd: {  	[smem:$0x3FB2] =	sst s5  }
0xe: {  	[smem:$0x3FB3] =	sst s6  }
0xf: {  	[smem:$0x3FB4] =	sst s7  }
0x10: {  	[smem:$0x3FB5] =	sst s8  }
0x11: {  	[smem:$0x3FB6] =	sst s9;
	s0 =	simm.s32 @!p0 $0x0  }
0x12: {  	s1 =	sld [smem:$0x3F9C];
	s0 =	simm.s32 @p0 $0x1  }
0x13: {  	[smem:$0x3FB7] =	sst s0;
	s0 =	simm.s32 @!p1 $0x0  }
0x14: {  	s2 =	sld [smem:$0x3F9B];
	s0 =	simm.s32 @p1 $0x1  }
0x15: {  	[smem:$0x3FB8] =	sst s0;
	s0 =	simm.s32 @!p2 $0x0  }
0x16: {  	s3 =	sld [smem:$0x3FDB];
	s0 =	simm.s32 @p2 $0x1  }
0x17: {  	s4 =	simm.s32 $0x1BF5;
	[smem:$0x3FBA] =	sst s0  }
0x18: {  	s0 =	sld [smem:$0x3F9D];
	_ =	swait.ge [sflag:s4], $0x0  }
0x19: {  	s7 =	sld [smem:$0x3F9E]  }
0x1a: {  	s8 =	sadd.s32 $0xFFFFE003, lr  }
0x1b: {  	s9 =	sadd.s32 $0xFFFFFEF7, lr;
	s5 =	simm.s32 $0xFFFFFFFF;
	p2 =	slt.u32 s8, $0xFFFFF086  }
0x1c: {  	p1 =	slt.u32 s9, $0xF7A;
	s5 =	simm.s32 @!p2 $0x0  }
0x1d: {  	s5 =	simm.s32 @p1 $0x1;
	p0 =	seq.s32 s7, s2  }
0x1e: {  	s7 =	smul.u32 @!p0 $0xF7A, s2;
	p2 =	seq.s32 @!p0 s5, $0x0  }
0x1f: {  	s9 =	smul.u32 $0xF7A, s1;
	s8 =	simm.s32 @!p0 $0x1BF5;
	p2 =	por !p2, p0  }
0x20: {  	[sflag:s8] =	ssyncset.s32 @!p0 $0xFFFFF086;
	s6 =	sadd.s32 @!p0 s3, s7;
	s7 =	simm.s32 @!p0 $0x108  }
0x21: {  	s3 =	sadd.s32 s3, s9;
	s6 =	sadd.s32 @!p0 $0x88, s6;
	s7 =	simm.s32 @p2 $0x1082  }
0x22: {  	[simem:s7], [sflag:s8] =	dma.local @!p0 [hbm:s6], $0xF7A  }
0x23: {  	s9 =	sor.u32 $0xD0000000, s2;
	s6 =	simm.s32 $0x108;
	_ =	swait.ge @!p0 [sflag:s8], $0x0  }
0x24: {  	s3 =	sadd.s32 $0x88, s3;
	s6 =	simm.s32 @!p1 $0x1082;
	[sflag:s4] =	ssyncset.s32 $0xFFFFF086  }
0x25: {  	[simem:s6], [sflag:s4] =	dma.local [hbm:s3], $0xF7A  }
0x26: {  	[smem:$0x3F9E] =	sst s1;
	(tag) =	ssettag s2;
	_ =	strace s9  }
0x27: {  	s1 =	sld [smem:$0x3FAE]  }
0x28: {  	s2 =	sld [smem:$0x3FAF]  }
0x29: {  	s4 =	sld [smem:$0x3FB1]  }
0x2a: {  	p0 =	seq.s32 s5, $0x0;
	s5 =	sld [smem:$0x3FB2]  }
0x2b: {  	s6 =	sld [smem:$0x3FB3]  }
0x2c: {  	s7 =	sld [smem:$0x3FB4]  }
0x2d: {  	s3 =	simm.s32 $0x108;
	s8 =	sld [smem:$0x3FB5]  }
0x2e: {  	s3 =	simm.s32 @!p0 $0x1082;
	s9 =	sld [smem:$0x3FB6]  }
0x2f: {  	lr =	sadd.s32 s0, s3;
	s0 =	sld [smem:$0x3FAD]  }
0x30: {  	s3 =	sld [smem:$0x3FB0]  }
0x31: {  	[smem:$0x3FB9] =	sst s10  }
0x32: {  	s10 =	sld [smem:$0x3FB7];
	_ =	sdelay $0x3  }
0x33: {  	p0 =	seq.s32 s10, $0x1;
	s10 =	sld [smem:$0x3FB9];
	_ =	sdelay $0x3  }
0x34: {  	[smem:$0x3FB9] =	sst s10  }
0x35: {  	s10 =	sld [smem:$0x3FB8];
	_ =	sdelay $0x3  }
0x36: {  	p1 =	seq.s32 s10, $0x1;
	s10 =	sld [smem:$0x3FB9];
	_ =	sdelay $0x3  }
0x37: {  	[smem:$0x3FB9] =	sst s10  }
0x38: {  	s10 =	sld [smem:$0x3FBA]  }
0x39: {  	_ = 	snop;
	(pc) =	sbr.ind lr, $3  }
0x3a: {  	_ = 	snop  }
0x3b: {  	_ = 	snop  }
0x3c: {  	p2 =	seq.s32 s10, $0x1;
	s10 =	sld [smem:$0x3FB9]  }
0x3d: {  	_ =	shalt  }
0x3e: {  	_ =	shalt  }
0x3f: {  	_ =	shalt  }
0x40: {  	_ =	shalt  }
0x41: {  	_ =	shalt  }
0x42: {  	_ =	shalt  }
0x43: {  	_ =	shalt  }
0x44: {  	_ =	shalt  }
0x45: {  	_ =	shalt  }
0x46: {  	_ =	shalt  }
0x47: {  	_ =	shalt  }
0x48: {  	_ =	shalt  }
0x49: {  	_ =	shalt  }
0x4a: {  	_ =	shalt  }
0x4b: {  	_ =	shalt  }
0x4c: {  	_ =	shalt  }
0x4d: {  	_ =	shalt  }
0x4e: {  	_ =	shalt  }
0x4f: {  	_ =	shalt  }
0x50: {  	_ =	shalt  }
0x51: {  	_ =	shalt  }
0x52: {  	_ =	shalt  }
0x53: {  	_ =	shalt  }
0x54: {  	_ =	shalt  }
0x55: {  	_ =	shalt  }
0x56: {  	_ =	shalt  }
0x57: {  	_ =	shalt  }
0x58: {  	_ =	shalt  }
0x59: {  	_ =	shalt  }
0x5a: {  	_ =	shalt  }
0x5b: {  	_ =	shalt  }
0x5c: {  	_ =	shalt  }
0x5d: {  	_ =	shalt  }
0x5e: {  	_ =	shalt  }
0x5f: {  	_ =	shalt  }
0x60: {  	_ =	shalt  }
0x61: {  	_ =	shalt  }
0x62: {  	_ =	shalt  }
0x63: {  	_ =	shalt  }
0x64: {  	_ =	shalt  }
0x65: {  	_ =	shalt  }
0x66: {  	_ =	shalt  }
0x67: {  	_ =	shalt  }
0x68: {  	_ =	shalt  }
0x69: {  	_ =	shalt  }
0x6a: {  	_ =	shalt  }
0x6b: {  	_ =	shalt  }
0x6c: {  	_ =	shalt  }
0x6d: {  	_ =	shalt  }
0x6e: {  	_ =	shalt  }
0x6f: {  	_ =	shalt  }
0x70: {  	_ =	shalt  }
0x71: {  	_ =	shalt  }
0x72: {  	_ =	shalt  }
0x73: {  	_ =	shalt  }
0x74: {  	_ =	shalt  }
0x75: {  	_ =	shalt  }
0x76: {  	_ =	shalt  }
0x77: {  	_ =	shalt  }
0x78: {  	_ =	shalt  }
0x79: {  	_ =	shalt  }
0x7a: {  	_ =	shalt  }
0x7b: {  	_ =	shalt  }
0x7c: {  	_ =	shalt  }
0x7d: {  	_ =	shalt  }
0x7e: {  	_ =	shalt  }
0x7f: {  	_ =	shalt  }
0x80: {  	_ =	shalt  }
0x81: {  	_ =	shalt  }
0x82: {  	_ =	shalt  }
0x83: {  	_ =	shalt  }
0x84: {  	_ =	shalt  }
0x85: {  	_ =	shalt  }
0x86: {  	_ =	shalt  }
0x87: {  	_ =	shalt  }
.Lfunc_end0:
.L_simem_size_0:
called_computation_lowered:
.L_overlay_start_0:
0x88: {  	s2 =	sld [smem:$0x3FD9]  }
0x89: {  	s3 =	sld [smem:$0x3FFE];
	_ =	sdelay $0x1  }
0x8a: {  	s1 =	srdreg.scid  }
0x8b: {  	s0 =	sand.u32 $0x1, s1  }
0x8c: {  	s17 =	sshll.u32 s0, $0xA;
	s2 =	sadd.s32 s3, s2  }
0x8d: {  	s2 =	sadd.s32 s2, s17  }
0x8e: {  	[smem:$0x3FC5] =	sst s2  }
0x8f: {  	_ = 	snop  }
0x90: {  	s2 =	sld [smem:$0x3FC9]  }
0x91: {  	s18 =	sld [smem:$0x3FD0];
	(tm) =	ssettm $0x1  }
0x92: {  	s4 =	sld [smem:$0x3FFB];
	_ =	sdelay $0x3  }
0x93: {  	_ =	strace s4  }
0x94: {  	s4 =	sld [smem:$0x3FFC];
	_ =	sdelay $0x3  }
0x95: {  	_ =	strace s4  }
0x96: {  	s4 =	sld [smem:$0x3FFD];
	_ =	sdelay $0x3  }
0x97: {  	_ =	strace s4  }
0x98: {  	_ =	strace $0x8FFFFFFF  }
0x99: {  	s19 =	sld [smem:$0x3FDB];
	_ =	sdelay $0x1  }
0x9a: {  	s5 =	simm.s32 $_scs_section_size  }
0x9b: {  	s6 =	simm.s32 $_size__tile_overlayer_lowered;
	s7 =	simm.s32 $_tile_overlayer_lowered  }
0x9c: {  	s22 =	simm.s32 $0x1BFF;
	s21 =	sshll.u32 s7, $0x1;
	s4 =	sadd.s32 s5, s19  }
0x9d: {  	s8 =	simm.s32 $0x0;
	s20 =	sshll.u32 s6, $0x1;
	s6 =	sadd.s32 s21, s4  }
0x9e: {  	[timem:s8], [sflag:s22] =	dma.local [hbm:s6], s20  }
0x9f: {  	_ =	swait.ge [sflag:s22], s20  }
0xa0: {  	s5 =	ssub.s32 $0x0, s20;
	[sflag:s22] =	ssyncset.done $0x0  }
0xa1: {  	[sflag:s22] =	ssyncadd.s32 s5;
	_ =	sdelay $0x1  }
0xa2: {  	s23 =	simm.s32 $0x1B8B  }
0xa3: {  	_ =	swait.ge [sflag:s23], $0x1  }
0xa4: {  	[sflag:s23] =	ssyncset.done $0x0  }
0xa5: {  	s25 =	simm.s32 $0x1B8E;
	s24 =	sld [smem:$0x3FFE];
	[sflag:s23] =	ssyncadd.s32 $0xFFFFFFFF  }
0xa6: {  	s26 =	simm.s32 $execute0_lowered;
	[smem:$0x3FD2] =	sst s25  }
0xa7: {  	s6 =	sshll.u32 s26, $0x1;
	_ =	strace $0x80000046;
	[dreg:$0x1] =	wrdreg $0xFFFFFFFF  }
0xa8: {  	s28 =	simm.s32 $_size_execute0_lowered;
	s4 =	sadd.s32 s4, s6;
	[dreg:$0x0] =	wrdreg $0x0  }
0xa9: {  	s6 =	sshll.u32 s28, $0x1;
	[dreg:$0x2] =	wrdreg s4  }
0xaa: {  	[dreg:$0x3] =	wrdreg s6  }
0xab: {  	[dreg:$0x4] =	wrdreg $0xC0  }
0xac: {  	_ =	task [dreg:s8], $0x5FFFF  }
0xad: {  	[dreg:$0x1] =	wrdreg $0xFFFFFFFF  }
0xae: {  	[dreg:$0x0] =	wrdreg $0x60  }
0xaf: {  	[dreg:$0x2] =	wrdreg s2  }
0xb0: {  	[dreg:$0x3] =	wrdreg s24  }
0xb1: {  	[dreg:$0x4] =	wrdreg s18  }
0xb2: {  	[dreg:$0x5] =	wrdreg $0x15E000  }
0xb3: {  	[dreg:$0x6] =	wrdreg $0xC0000  }
0xb4: {  	[dreg:$0x7] =	wrdreg $0x9  }
0xb5: {  	_ =	task.clear_ibuf [dreg:s8], $0x8FFFF;
	_ =	strace $0x90000046  }
0xb6: {  	s29 =	simm.s32 $0x9;
	_ =	strace $0x80000048  }
0xb7: {  	_ =	swait.ge [sflag:s29], $0x1  }
0xb8: {  	[sflag:s29] =	ssyncadd.s32 $0xFFFFFFFF  }
0xb9: {  	_ =	strace $0x90000048  }
0xba: {  	_ =	sfence  }
0xbb: {  	s30 =	sld [smem:$0x0];
	_ =	sdelay $0x2  }
0xbc: {  	s31 =	sshll.u32 s1, $0xD;
	s1 =	sshrl.u32 s1, $0x2  }
0xbd: {  	s3 =	sand.u32 $0x4000, s31;
	s1 =	sadd.s32 s1, s30  }
0xbe: {  	s0 =	sor.u32 s3, s0;
	s1 =	sshll.u32 s1, $0x11  }
0xbf: {  	s0 =	sor.u32 s1, s0  }
0xc0: {  	s0 =	sadd.s32 $0x8F2B, s0  }
0xc1: {  	[sflag:s0] =	ssyncadd.remote.s32 $0x1  }
0xc2: {  	_ =	sfence.sel $0xFFFF  }
0xc3: {  	[dreg:$0x0] =	wrdreg $0xFFFFFFFF;
	(pc) =	sbr.abs _section_cstart, $3  }
0xc4: {  	[dreg:$0x1] =	wrdreg $0xFFFFFFFF  }
0xc5: {  	_ =	task.clear_ibuf [dreg:s8], $0x2FFFF;
	_ =	strace $0x9FFFFFFF  }
0xc6: {  	(tm) =	ssettm $0x7FFFFFFF  }
0xc7: {  	_ =	shalt  }
tec
execute0_lowered:
.L_overlay_start_1:
0x0: {  	(tag) =	ssettag $0x1  }
0x1: {  	s0 =	rddreg [dreg:$0x0]  }
0x2: {  	s1 =	rddreg [dreg:$0x1]  }
0x3: {  	s8 =	rddreg [dreg:$0x2]  }
0x4: {  	s2 =	rddreg [dreg:$0x3];
	s24 =	stileid.u32  }
0x5: {  	s3 =	rddreg [dreg:$0x4];
	s10 =	smul.u32 $0x9E00, s24  }
0x6: {  	s5 =	srdreg.scid;
	s12 =	smul.u32 $0x13C00, s24  }
0x7: {  	s4 =	simm.s32 $0x0;
	s9 =	sand.u32 $0x1, s5;
	s13 =	smul.u32 $0x27800, s24  }
0x8: {  	[smem:$0x7FF] =	sst s4;
	s5 =	sadd.s32 $0x32600, s1;
	s16 =	smul.u32 $0x278, s24  }
0x9: {  	s7 =	sadd.s32 $0x28600, s1;
	s6 =	smul.u32 $0x9E000, s9;
	_ =	strace $0x80000047  }
0xa: {  	s30 =	ssub.s32 $0x2, s9;
	s15 =	sshll.u32 s9, $0x6;
	s9 =	sshll.u32 s9, $0x3  }
0xb: {  	s14 =	sshrl.u32 s30, $0x1;
	s12 =	sor.u32 s15, s12;
	s18 =	sadd.s32 $0x80, s16  }
0xc: {  	s19 =	sadd.s32 $0x100, s16;
	s20 =	sadd.s32 $0x180, s16;
	s16 =	sadd.s32 $0x200, s16  }
0xd: {  	s11 =	sadd.s32 s10, s6;
	s6 =	smul.u32 $0x5000, s24;
	s12 =	sshrl.u32 s12, $0x3  }
0xe: {  	s17 =	sshll.u32 s18, $0x7;
	s21 =	sshll.u32 s19, $0x7;
	s22 =	sshll.u32 s20, $0x7  }
0xf: {  	s23 =	sshll.u32 s16, $0x7;
	s11 =	sshrl.u32 s11, $0x3;
	s17 =	sor.u32 s15, s17  }
0x10: {  	s21 =	sor.u32 s15, s21;
	s22 =	sor.u32 s15, s22;
	s15 =	sor.u32 s15, s23  }
0x11: {  	s31 =	sadd.s32 s0, s12;
	s0 =	sadd.s32 s9, s0;
	s12 =	sadd.s32 s8, s12  }
0x12: {  	s1 =	sadd.s32 s11, s1;
	s11 =	ssub.s32 s30, s14;
	[dreg:$0x6] =	wrdreg s31  }
0x13: {  	s17 =	sshrl.u32 s17, $0x3;
	[dreg:$0x7] =	wrdreg s12;
	s0 =	sadd.s32 $0x25080, s0  }
0x14: {  	s25 =	sshrl.u32 s21, $0x3;
	s23 =	sadd.s32 s8, s17;
	[dreg:$0xe] =	wrdreg s0  }
0x15: {  	s15 =	sshrl.u32 s15, $0x3;
	s12 =	sadd.s32 s8, s25;
	[dreg:$0x8] =	wrdreg s23  }
0x16: {  	s14 =	sshrl.u32 s6, $0x3;
	s29 =	sadd.s32 s8, s15;
	[dreg:$0x9] =	wrdreg s12  }
0x17: {  	p0 =	seq.s32 s24, $0xF;
	s30 =	sadd.s32 s5, s14;
	[dreg:$0xb] =	wrdreg s29  }
0x18: {  	s13 =	sshrl.u32 s13, $0x2;
	s31 =	sadd.s32 s7, s14;
	[dreg:$0xc] =	wrdreg s30  }
0x19: {  	s26 =	sshrl.u32 s22, $0x3;
	s1 =	sadd.s32 $0xE00, s1;
	[dreg:$0xd] =	wrdreg s31  }
0x1a: {  	s17 =	sshll.u32 s16, $0x6;
	s24 =	smax.u32 s11, $0x1;
	[dreg:$0x10] =	wrdreg s1  }
0x1b: {  	s25 =	sadd.s32 $0x94200, s3;
	s12 =	sadd.s32 s8, s26;
	[dreg:$0x1a] =	wrdreg s24  }
0x1c: {  	s8 =	sadd.s32 s9, s8;
	s9 =	sadd.s32 s13, s2;
	[dreg:$0x1d] =	wrdreg s25  }
0x1d: {  	s13 =	sshll.u32 s18, $0x6;
	s18 =	sadd.s32 s17, s3;
	[dreg:$0xa] =	wrdreg s12  }
0x1e: {  	s26 =	sadd.s32 $0x96200, s3;
	[dreg:$0x14] =	wrdreg s18  }
0x1f: {  	s29 =	sadd.s32 $0x98200, s3;
	[dreg:$0x1e] =	wrdreg s26  }
0x20: {  	s30 =	sadd.s32 $0x9A200, s3;
	[dreg:$0x1f] =	wrdreg s29  }
0x21: {  	s31 =	sadd.s32 $0x9C200, s3;
	[smem:$0x7FC] =	sst s30  }
0x22: {  	s12 =	sadd.s32 s10, s3;
	[smem:$0x7FD] =	sst s31  }
0x23: {  	s0 =	sadd.s32 s13, s3;
	[dreg:$0xf] =	wrdreg s12  }
0x24: {  	s14 =	sshll.u32 s19, $0x6;
	s19 =	sadd.s32 $0x25080, s8;
	[dreg:$0x11] =	wrdreg s0  }
0x25: {  	s15 =	sshll.u32 s20, $0x6;
	s20 =	sadd.s32 $0x25880, s8;
	[dreg:$0x15] =	wrdreg s19  }
0x26: {  	s28 =	simm.s32 $0x2;
	s21 =	sadd.s32 $0x26080, s8;
	[dreg:$0x16] =	wrdreg s20  }
0x27: {  	s24 =	simm.s32 $0x4000;
	s22 =	sadd.s32 $0x26880, s8;
	[dreg:$0x17] =	wrdreg s21  }
0x28: {  	s25 =	simm.s32 $0x1;
	s23 =	sadd.s32 $0x27080, s8;
	[dreg:$0x18] =	wrdreg s22  }
0x29: {  	s26 =	simm.s32 $0x6000;
	s0 =	sadd.s32 s14, s3;
	[dreg:$0x19] =	wrdreg s23  }
.Ltmp0:
0x2a: {  	[dreg:$0x12] =	wrdreg s0;
	s0 =	sadd.s32 s15, s3;
	(pc) =	sbr.rel .LBB2_1-.Ltmp0, $4  }
0x2b: {  	s19 =	simm.s32 $0x5;
	[dreg:$0x13] =	wrdreg s0;
	s0 =	sadd.s32 $0x94200, s2  }
0x2c: {  	s22 =	simm.s32 $0x80;
	s23 =	simm.s32 $0x2000;
	s0 =	sshrl.u32 @p0 s0, $0x3  }
0x2d: {  	s12 =	simm.s32 $0x6;
	[dreg:$0x1b] =	wrdreg s0;
	s0 =	sshrl.u32 @!p0 s9, $0x3  }
0x2e: {  	s14 =	simm.s32 $0x0;
	[dreg:$0x1c] =	wrdreg s0;
	s0 =	simm.s32 $0x4  }
.LBB2_14:
0x2f: {  	v3 =	vld [tilespmem:s1+$0x2030];
	_ =	sdelay $0x1  }
0x30: {  	v2 =	vmax.f32 v2, $0.0e+00  }
0x31: {  	v1 =	vmax.f32 v1, $0.0e+00;
	[tilespmem:s1+$0x2000] =	vst v2  }
0x32: {  	v0 =	vmax.f32 v0, $0.0e+00;
	[tilespmem:s1+$0x2010] =	vst v1  }
0x33: {  	[tilespmem:s1+$0x2020] =	vst v0;
	v63 =	vmax.f32 v3, $0.0e+00  }
0x34: {  	s31 =	rddreg [dreg:$0xb];
	[tilespmem:s1+$0x2030] =	vst v63  }
0x35: {  	[hbm4b:s31+s11] =	stream.strided.scatter [tilespmem:s23], [sflag:$0x6], $0x1E00, s22, s11, $0x38;
	[tilespmem:$0x1FC00] =	vst v63  }
0x36: {  	_ =	swait.ge [sflag:s10], $0x2000  }
0x37: {  	[sflag:s10] =	ssyncset.done $0x0  }
0x38: {  	[sflag:s10] =	ssyncadd.s32 $0xFFFFE000  }
0x39: {  	_ =	swait.ge [sflag:s19], $0x2000  }
0x3a: {  	[sflag:s19] =	ssyncset.done $0x0  }
0x3b: {  	[sflag:s19] =	ssyncadd.s32 $0xFFFFE000  }
0x3c: {  	_ =	swait.ge [sflag:s12], $0x1E00  }
0x3d: {  	[sflag:s12] =	ssyncset.done $0x0  }
0x3e: {  	[sflag:s12] =	ssyncadd.s32 $0xFFFFE200  }
.LBB2_24:
0x3f: {  	s14 =	sadd.s32 $0x1, s14;
	s1 =	rddreg [dreg:$0x1a]  }
0x40: {  	p1 =	sne.s32 s14, s1  }
.Ltmp1:
0x41: {  	_ = 	snop;
	(pc) =	sbr.rel @!p1 .LBB2_25-.Ltmp1, $1  }
0x42: {  	_ =	sdelay $0x3  }
.LBB2_1:
0x43: {  	s1 =	rddreg [dreg:$0xc]  }
0x44: {  	s18 =	simm.s32 $0x8000;
	s21 =	rddreg [dreg:$0xd];
	s8 =	simm.s32 $0xA000  }
0x45: {  	[tilespmem:s18], [sflag:$0x9] =	stream.linear.gather [hbm4b:s1+s4], $0x1000, $0x38;
	[tilespmem:$0x1FC00] =	vst v63  }
0x46: {  	s10 =	simm.s32 @p0 $0x10;
	s13 =	simm.s32 @p0 $0x1FC1;
	s9 =	rddreg [dreg:$0xe]  }
0x47: {  	[tilespmem:s8], [sflag:$0xA] =	stream.linear.gather [hbm4b:s21+s4], $0x1000, $0x38;
	[tilespmem:$0x1FC00] =	vst v63  }
0x48: {  	s11 =	rddreg [dreg:$0x1b];
	s1 =	simm.s32 @p0 $0x1;
	s8 =	simm.s32 @p0 $0x8  }
0x49: {  	[spmem:s11@s8], [sflag:s13] =	dma.strided @p0 [hbm:s9@s10], $0x1040, s1, $0x8   }
0x4a: {  	s9 =	stileid.u32  }
0x4b: {  	s15 =	simm.s32 @!p0 $0x10;
	s8 =	sshll.u32 @p0 s9, $0x6;
	s11 =	rddreg [dreg:$0xf]  }
0x4c: {  	s16 =	rddreg [dreg:$0x10];
	s8 =	sor.u32 @p0 $0x1C05, s8;
	s10 =	sshrl.u32 @p0 s11, $0x3  }
0x4d: {  	[spmem:s10], [sflag:s8] =	dma.local @p0 [hbm:s16], $0x13C0  }
0x4e: {  	s13 =	simm.s32 @!p0 $0x8;
	s8 =	sshll.u32 @!p0 s9, $0x6;
	_ =	swait.ge @p0 [sflag:s1], $0x1040  }
0x4f: {  	s10 =	simm.s32 @!p0 $0x1;
	[sflag:s1] =	ssyncset.done @p0 $0x0;
	s9 =	rddreg [dreg:$0x6]  }
0x50: {  	s17 =	rddreg [dreg:$0x1c];
	[sflag:s1] =	ssyncadd.s32 @p0 $0xFFFFEFC0;
	s1 =	sor.u32 @!p0 $0x1C01, s8  }
0x51: {  	[spmem:s17@s13], [sflag:s1] =	dma.strided @!p0 [hbm:s9@s15], $0x13C0, s10, $0x8   }
0x52: {  	s1 =	sor.u32 @!p0 $0x1C05, s8;
	s8 =	sshrl.u32 @!p0 s11, $0x3  }
0x53: {  	[spmem:s8], [sflag:s1] =	dma.local @!p0 [hbm:s16], $0x13C0  }
0x54: {  	_ =	swait.ge @!p0 [sflag:s10], $0x13C0  }
0x55: {  	[sflag:s10] =	ssyncset.done @!p0 $0x0  }
0x56: {  	[sflag:s10] =	ssyncadd.s32 @!p0 $0xFFFFEC40  }
0x57: {  	_ =	swait.ge [sflag:s19], $0x13C0  }
0x58: {  	[sflag:s19] =	ssyncset.done $0x0  }
0x59: {  	s8 =	simm.s32 $0x9;
	[sflag:s19] =	ssyncadd.s32 $0xFFFFEC40  }
0x5a: {  	_ =	swait.ge [sflag:s8], $0x1000  }
0x5b: {  	[sflag:s8] =	ssyncset.done $0x0  }
0x5c: {  	s9 =	simm.s32 $0xA;
	[sflag:s8] =	ssyncadd.s32 $0xFFFFF000  }
0x5d: {  	_ =	swait.ge [sflag:s9], $0x1000  }
0x5e: {  	[sflag:s9] =	ssyncset.done $0x0  }
0x5f: {  	p1 =	por $0x1, $0x1;
	[sflag:s9] =	ssyncadd.s32 $0xFFFFF000  }
0x60: {  	s11 =	simm.s32 $0x0;
	s16 =	simm.s32 $0x400;
	[bflag:$0x0] =	sbarrier.arrive $0xFFFF  }
0x61: {  	[tilespmem:s4], [sflag:$0x1] =	stream.indirect.gather [spmem:s2], $0x40, s18, s22, $0xb8;
	[tilespmem:$0x1FC00] =	vst v63  }
0x62: {  	s17 =	sand.u32 $0x4000, s11;
	s10 =	simm.s32 $0x8080;
	s8 =	simm.s32 @!p1 $0x7  }
0x63: {  	[tilespmem:s23], [sflag:$0x2] =	stream.indirect.gather [spmem:s2], $0x40, s10, s22, $0xb8;
	[tilespmem:$0x1FC00] =	vst v63  }
0x64: {  	s18 =	sand.u32 $0x3C00, s16;
	s10 =	sshrl.u32 s17, $0x2;
	_ =	swait.ge @!p1 [sflag:s8], $0x2000  }
0x65: {  	s15 =	sshrl.u32 s18, $0x2;
	s13 =	sor.u32 $0x8000, s10;
	[sflag:s8] =	ssyncset.done @!p1 $0x0  }
0x66: {  	s20 =	sor.u32 s15, s13;
	[sflag:s8] =	ssyncadd.s32 @!p1 $0xFFFFE000  }
0x67: {  	[tilespmem:s24], [sflag:$0x3] =	stream.indirect.gather [spmem:s2], $0x40, s20, s22, $0xb8;
	[tilespmem:$0x1FC00] =	vst v63  }
0x68: {  	s1 =	sand.u32 $0x3800, s11;
	_ =	swait.ge [sflag:s25], $0x2000  }
0x69: {  	s21 =	sshrl.u32 s1, $0x2;
	s16 =	sor.u32 $0xA000, s10;
	[sflag:s25] =	ssyncset.done $0x0  }
0x6a: {  	s15 =	simm.s32 @!p1 $0x8;
	s8 =	sor.u32 s21, s16;
	[sflag:s25] =	ssyncadd.s32 $0xFFFFE000  }
0x6b: {  	[spmem:s3] =	stream.indirect.scatter.add.f32 [tilespmem:s4], [sflag:$0x5], $0x40, s8, s22, $0xb8;
	[tilespmem:$0x1FC00] =	vst v63  }
0x6c: {  	s1 =	sor.u32 $0x600, s1;
	s18 =	sand.u32 $0x1E, s28;
	_ =	swait.ge @!p1 [sflag:s15], $0x2000  }
0x6d: {  	s1 =	sshrl.u32 s1, $0x2;
	p2 =	seq.s32 s18, $0x1E;
	[sflag:s15] =	ssyncset.done @!p1 $0x0  }
0x6e: {  	p3 =	sne.s32 @!p2 s18, $0x2;
	s13 =	sadd.s32 s1, s13;
	[sflag:s15] =	ssyncadd.s32 @!p1 $0xFFFFE000  }
0x6f: {  	[tilespmem:s26], [sflag:$0x4] =	stream.indirect.gather [spmem:s2], $0x40, s13, s22, $0xb8;
	[tilespmem:$0x1FC00] =	vst v63  }
0x70: {  	s30 =	simm.s32 $0x1A00;
	p4 =	por p3, p2;
	_ =	swait.ge [sflag:s28], $0x2000  }
0x71: {  	p4 =	por @!p4 $0x0, $0x0;
	p1 =	por @p2 $0x0, $0x0;
	[sflag:s28] =	ssyncset.done $0x0  }
0x72: {  	s8 =	sadd.s32 $0x80, s8;
	p1 =	por p1, !p2;
	[sflag:s28] =	ssyncadd.s32 $0xFFFFE000  }
0x73: {  	[spmem:s3] =	stream.indirect.scatter.add.f32 [tilespmem:s23], [sflag:$0x6], $0x40, s8, s22, $0xb8;
	[tilespmem:$0x1FC00] =	vst v63  }
0x74: {  	s1 =	sadd.s32 s1, s16;
	p3 =	por @!p2 p4, p3;
	s8 =	simm.s32 @!p1 $0x9  }
0x75: {  	s20 =	simm.s32 $0xA00;
	p2 =	por p3, p2;
	_ =	swait.ge @!p1 [sflag:s8], $0x1000  }
0x76: {  	p3 =	por $0x0, $0x0;
	s13 =	sand.u32 @!p2 $0x3000, s4;
	[sflag:s8] =	ssyncset.done @!p1 $0x0  }
0x77: {  	s13 =	sadd.s32 @!p2 $0x1000, s13;
	[sflag:s8] =	ssyncadd.s32 @!p1 $0xFFFFF000;
	s8 =	simm.s32 @!p1 $0xA  }
0x78: {  	s21 =	simm.s32 @!p2 $0x0;
	s15 =	sadd.s32 @!p2 s6, s13;
	_ =	swait.ge @!p1 [sflag:s8], $0x1000  }
0x79: {  	s13 =	sand.u32 @!p2 $0x1000, s13;
	s29 =	sshrl.u32 @!p2 s15, $0x3;
	[sflag:s8] =	ssyncset.done @!p1 $0x0  }
0x7a: {  	s15 =	sadd.s32 @!p2 s5, s29;
	[sflag:s8] =	ssyncadd.s32 @!p1 $0xFFFFF000;
	s8 =	sor.u32 @!p2 $0x8000, s13  }
0x7b: {  	[tilespmem:s8], [sflag:$0x9] =	stream.linear.gather @!p2 [hbm4b:s15+s21], $0x1000, $0x38;
	[tilespmem:$0x1FC00] =	vst v63  }
0x7c: {  	p1 =	por $0x0, $0x0;
	s8 =	sor.u32 @!p2 $0xA000, s13;
	s13 =	sadd.s32 @!p2 s7, s29  }
0x7d: {  	[tilespmem:s8], [sflag:$0xA] =	stream.linear.gather @!p2 [hbm4b:s13+s21], $0x1000, $0x38;
	[tilespmem:$0x1FC00] =	vst v63  }
0x7e: {  	s15 =	simm.s32 $0x1200;
	s18 =	sshll.u32 @!p1 s18, $0x7;
	_ =	swait.ge [sflag:s19], $0x2000  }
0x7f: {  	s29 =	simm.s32 @p1 $0x4000;
	s31 =	simm.s32 @p1 $0x6;
	[sflag:s19] =	ssyncset.done $0x0  }
0x80: {  	s10 =	sadd.s32 @p1 $0xAF00, s10;
	s21 =	simm.s32 @p1 $0x3;
	[sflag:s19] =	ssyncadd.s32 $0xFFFFE000  }
0x81: {  	s17 =	simm.s32 @!p1 $0x3;
	s8 =	simm.s32 @!p1 $0x800;
	_ =	swait.ge @p1 [sflag:s21], $0x2000  }
0x82: {  	s13 =	simm.s32 $0x800;
	s8 =	sand.u32 @!p1 $0x7800, s8;
	[sflag:s21] =	ssyncset.done @p1 $0x0  }
0x83: {  	s8 =	sshrl.u32 @!p1 s8, $0x2;
	[sflag:s21] =	ssyncadd.s32 @p1 $0xFFFFE000;
	s21 =	simm.s32 @p1 $0x80  }
0x84: {  	[spmem:s3] =	stream.indirect.scatter.add.f32 @p1 [tilespmem:s29], [sflag:$0x7], $0x40, s10, s21, $0xb8;
	[tilespmem:$0x1FC00] =	vst v63  }
0x85: {  	s8 =	sor.u32 @!p1 $0x8000, s8;
	s10 =	sand.u32 @!p1 $0x7A00, s20;
	_ =	swait.ge @p1 [sflag:s31], $0x2000  }
0x86: {  	s20 =	simm.s32 @!p1 $0x80;
	s21 =	simm.s32 @!p1 $0x0;
	[sflag:s31] =	ssyncset.done @p1 $0x0  }
0x87: {  	s29 =	simm.s32 $0x6;
	s10 =	sshrl.u32 @!p1 s10, $0x2;
	[sflag:s31] =	ssyncadd.s32 @p1 $0xFFFFE000  }
0x88: {  	[tilespmem:s21], [sflag:$0x1] =	stream.indirect.gather @!p1 [spmem:s2], $0x40, s8, s20, $0xb8;
	[tilespmem:$0x1FC00] =	vst v63  }
0x89: {  	s31 =	simm.s32 $0x0;
	s8 =	sadd.s32 @!p1 s18, s16;
	_ =	swait.ge @!p1 [sflag:s17], $0x2000  }
0x8a: {  	s21 =	sor.u32 @!p1 $0x8000, s10;
	s10 =	simm.s32 @!p1 $0x4000;
	[sflag:s17] =	ssyncset.done @!p1 $0x0  }
0x8b: {  	s18 =	simm.s32 @!p1 $0x6;
	s16 =	simm.s32 $0x200;
	[sflag:s17] =	ssyncadd.s32 @!p1 $0xFFFFE000  }
0x8c: {  	[spmem:s3] =	stream.indirect.scatter.add.f32 @!p1 [tilespmem:s10], [sflag:$0x7], $0x40, s8, s20, $0xb8;
	[tilespmem:$0x1FC00] =	vst v63  }
0x8d: {  	s8 =	simm.s32 @!p3 $0x7;
	s10 =	simm.s32 $0xC00;
	_ =	swait.ge @!p1 [sflag:s18], $0x2000  }
.LBB2_2:
0x8e: {  	[sflag:s18] =	ssyncset.done @!p1 $0x0;
	s17 =	simm.s32 @!p1 $0x2000;
	s31 =	sadd.s32 $0x1, s31  }
0x8f: {  	s11 =	sand.u32 $0x4000, s13;
	s10 =	sand.u32 $0x3C00, s10;
	[sflag:s18] =	ssyncadd.s32 @!p1 $0xFFFFE000  }
0x90: {  	[tilespmem:s17], [sflag:$0x2] =	stream.indirect.gather @!p1 [spmem:s2], $0x40, s21, s20, $0xb8;
	[tilespmem:$0x1FC00] =	vst v63  }
0x91: {  	s17 =	sadd.s32 $0xFFFFF600, s30;
	s20 =	sshrl.u32 s11, $0x2;
	_ =	swait.ge [sflag:s0], $0x2000  }
0x92: {  	s21 =	smov.u32 s30;
	s11 =	sor.u32 $0x8000, s20;
	[sflag:s0] =	ssyncset.done $0x0  }
0x93: {  	s13 =	sand.u32 $0x3800, s13;
	s30 =	sadd.s32 $0x800, s30;
	[sflag:s0] =	ssyncadd.s32 $0xFFFFE000  }
0x94: {  	[spmem:s3] =	stream.indirect.scatter.add.f32 [tilespmem:s26], [sflag:$0x8], $0x40, s1, s22, $0xb8;
	[tilespmem:$0x1FC00] =	vst v63  }
0x95: {  	p2 =	sne.s32 s30, $0x14A00;
	s1 =	sshrl.u32 s13, $0x2;
	_ =	swait.ge @!p3 [sflag:s8], $0x2000  }
0x96: {  	s10 =	sshrl.u32 s10, $0x2;
	s18 =	sor.u32 $0x600, s13;
	[sflag:s8] =	ssyncset.done @!p3 $0x0  }
0x97: {  	s13 =	smov.u32 s17;
	[sflag:s8] =	ssyncadd.s32 @!p3 $0xFFFFE000;
	s8 =	sor.u32 s10, s11  }
0x98: {  	[tilespmem:s24], [sflag:$0x3] =	stream.indirect.gather [spmem:s2], $0x40, s8, s22, $0xb8;
	[tilespmem:$0x1FC00] =	vst v63  }
0x99: {  	s10 =	sshrl.u32 s18, $0x2;
	s8 =	sor.u32 $0xA000, s20;
	_ =	swait.ge [sflag:s25], $0x2000  }
0x9a: {  	s17 =	simm.s32 @!p3 $0x8;
	s11 =	sadd.s32 s10, s11;
	[sflag:s25] =	ssyncset.done $0x0  }
0x9b: {  	s18 =	sor.u32 s1, s8;
	s1 =	sadd.s32 s10, s8;
	[sflag:s25] =	ssyncadd.s32 $0xFFFFE000  }
0x9c: {  	[spmem:s3] =	stream.indirect.scatter.add.f32 [tilespmem:s4], [sflag:$0x5], $0x40, s18, s22, $0xb8;
	[tilespmem:$0x1FC00] =	vst v63  }
0x9d: {  	_ =	swait.ge @!p3 [sflag:s17], $0x2000  }
0x9e: {  	p1 =	seq.s32 s15, $0x14200;
	s10 =	sand.u32 $0x1E, s29;
	[sflag:s17] =	ssyncset.done @!p3 $0x0  }
0x9f: {  	p4 =	seq.s32 s10, $0x1E;
	[sflag:s17] =	ssyncadd.s32 @!p3 $0xFFFFE000;
	s17 =	sadd.s32 $0x80, s18  }
0xa0: {  	[tilespmem:s26], [sflag:$0x4] =	stream.indirect.gather [spmem:s2], $0x40, s11, s22, $0xb8;
	[tilespmem:$0x1FC00] =	vst v63  }
0xa1: {  	p5 =	sne.s32 @!p4 s10, $0x2;
	p3 =	sgt.u32 @p4 s31, $0x1F;
	_ =	swait.ge [sflag:s28], $0x2000  }
0xa2: {  	p6 =	por p5, p4;
	p3 =	por p3, !p4;
	[sflag:s28] =	ssyncset.done $0x0  }
0xa3: {  	p6 =	sgt.u32 @!p6 s31, $0x1F;
	s11 =	simm.s32 @!p3 $0x9;
	[sflag:s28] =	ssyncadd.s32 $0xFFFFE000  }
0xa4: {  	[spmem:s3] =	stream.indirect.scatter.add.f32 [tilespmem:s23], [sflag:$0x6], $0x40, s17, s22, $0xb8;
	[tilespmem:$0x1FC00] =	vst v63  }
0xa5: {  	s10 =	sshll.u32 @!p1 s10, $0x7;
	p5 =	por @!p4 p6, p5;
	_ =	swait.ge @!p3 [sflag:s11], $0x1000  }
0xa6: {  	s10 =	sadd.s32 @!p1 s10, s8;
	p4 =	por p5, p4;
	[sflag:s11] =	ssyncset.done @!p3 $0x0  }
0xa7: {  	s8 =	simm.s32 @!p3 $0xA;
	[sflag:s11] =	ssyncadd.s32 @!p3 $0xFFFFF000;
	s11 =	sand.u32 @!p4 $0x3000, s16  }
0xa8: {  	s17 =	simm.s32 @!p4 $0x0;
	_ =	swait.ge @!p3 [sflag:s8], $0x1000;
	s11 =	sadd.s32 @!p4 $0x1000, s11  }
0xa9: {  	[sflag:s8] =	ssyncset.done @!p3 $0x0;
	s18 =	sadd.s32 @!p4 s6, s11;
	s11 =	sand.u32 @!p4 $0x1000, s11  }
0xaa: {  	[sflag:s8] =	ssyncadd.s32 @!p3 $0xFFFFF000;
	s8 =	sor.u32 @!p4 $0x8000, s11;
	s18 =	sshrl.u32 @!p4 s18, $0x3  }
0xab: {  	s11 =	sor.u32 @!p4 $0xA000, s11;
	s9 =	sadd.s32 @!p4 s5, s18;
	s18 =	sadd.s32 @!p4 s7, s18  }
0xac: {  	[tilespmem:s8], [sflag:$0x9] =	stream.linear.gather @!p4 [hbm4b:s9+s17], $0x1000, $0x38;
	[tilespmem:$0x1FC00] =	vst v63  }
0xad: {  	s8 =	sadd.s32 @!p1 $0xFFFFFE00, s15;
	s9 =	sand.u32 @!p1 $0x7A00, s15;
	s15 =	smov.u32 s21  }
0xae: {  	[tilespmem:s11], [sflag:$0xA] =	stream.linear.gather @!p4 [hbm4b:s18+s17], $0x1000, $0x38;
	[tilespmem:$0x1FC00] =	vst v63  }
0xaf: {  	s8 =	sand.u32 @!p1 $0x7800, s8;
	s9 =	sshrl.u32 @!p1 s9, $0x2;
	_ =	swait.ge [sflag:s19], $0x2000  }
0xb0: {  	s8 =	sshrl.u32 @!p1 s8, $0x2;
	s21 =	sor.u32 @!p1 $0x8000, s9;
	[sflag:s19] =	ssyncset.done $0x0  }
0xb1: {  	s9 =	simm.s32 @p1 $0x3;
	s8 =	sor.u32 @!p1 $0x8000, s8;
	[sflag:s19] =	ssyncadd.s32 $0xFFFFE000  }
0xb2: {  	_ =	swait.ge @p1 [sflag:s9], $0x2000  }
0xb3: {  	s11 =	simm.s32 @p1 $0x4000;
	s17 =	simm.s32 @p1 $0x6;
	[sflag:s9] =	ssyncset.done @p1 $0x0  }
0xb4: {  	s18 =	simm.s32 @p1 $0x80;
	[sflag:s9] =	ssyncadd.s32 @p1 $0xFFFFE000;
	s9 =	sadd.s32 @p1 $0xAF00, s20  }
0xb5: {  	[spmem:s3] =	stream.indirect.scatter.add.f32 @p1 [tilespmem:s11], [sflag:$0x7], $0x40, s9, s18, $0xb8;
	[tilespmem:$0x1FC00] =	vst v63  }
0xb6: {  	_ =	swait.ge @p1 [sflag:s17], $0x2000  }
0xb7: {  	s9 =	simm.s32 @!p1 $0x3;
	[sflag:s17] =	ssyncset.done @p1 $0x0  }
0xb8: {  	s20 =	simm.s32 @!p1 $0x80;
	s11 =	simm.s32 @!p1 $0x0;
	[sflag:s17] =	ssyncadd.s32 @p1 $0xFFFFE000  }
0xb9: {  	[tilespmem:s11], [sflag:$0x1] =	stream.indirect.gather @!p1 [spmem:s2], $0x40, s8, s20, $0xb8;
	[tilespmem:$0x1FC00] =	vst v63  }
.Ltmp2:
0xba: {  	s29 =	sadd.s32 $0x4, s29;
	_ =	swait.ge @!p1 [sflag:s9], $0x2000;
	(pc) =	sbr.rel @p2 .LBB2_2-.Ltmp2, $4  }
0xbb: {  	s16 =	sadd.s32 $0x200, s16;
	s18 =	simm.s32 @!p1 $0x6;
	[sflag:s9] =	ssyncset.done @!p1 $0x0  }
0xbc: {  	p3 =	seq.s32 s15, $0xA00;
	s8 =	simm.s32 @!p1 $0x4000;
	[sflag:s9] =	ssyncadd.s32 @!p1 $0xFFFFE000  }
0xbd: {  	[spmem:s3] =	stream.indirect.scatter.add.f32 @!p1 [tilespmem:s8], [sflag:$0x7], $0x40, s10, s20, $0xb8;
	[tilespmem:$0x1FC00] =	vst v63  }
0xbe: {  	s8 =	simm.s32 @!p3 $0x7;
	s10 =	sadd.s32 $0xFFFFFA00, s15;
	_ =	swait.ge @!p1 [sflag:s18], $0x2000  }
0xbf: {  	[sflag:s18] =	ssyncset.done @!p1 $0x0  }
0xc0: {  	s9 =	simm.s32 @!p1 $0x2000;
	[sflag:s18] =	ssyncadd.s32 @!p1 $0xFFFFE000  }
0xc1: {  	[tilespmem:s9], [sflag:$0x2] =	stream.indirect.gather @!p1 [spmem:s2], $0x40, s21, s20, $0xb8;
	[tilespmem:$0x1FC00] =	vst v63  }
0xc2: {  	_ =	swait.ge [sflag:s0], $0x2000  }
0xc3: {  	[sflag:s0] =	ssyncset.done $0x0  }
0xc4: {  	s17 =	sand.u32 $0x4000, s13;
	[sflag:s0] =	ssyncadd.s32 $0xFFFFE000  }
0xc5: {  	[spmem:s3] =	stream.indirect.scatter.add.f32 [tilespmem:s26], [sflag:$0x8], $0x40, s1, s22, $0xb8;
	[tilespmem:$0x1FC00] =	vst v63  }
0xc6: {  	s18 =	sand.u32 $0x3C00, s10;
	s10 =	sshrl.u32 s17, $0x2;
	_ =	swait.ge @!p3 [sflag:s8], $0x2000  }
0xc7: {  	s9 =	sor.u32 $0x8000, s10;
	s1 =	sshrl.u32 s18, $0x2;
	[sflag:s8] =	ssyncset.done @!p3 $0x0  }
0xc8: {  	s20 =	sand.u32 $0x3800, s13;
	s1 =	sor.u32 s1, s9;
	[sflag:s8] =	ssyncadd.s32 @!p3 $0xFFFFE000  }
0xc9: {  	[tilespmem:s24], [sflag:$0x3] =	stream.indirect.gather [spmem:s2], $0x40, s1, s22, $0xb8;
	[tilespmem:$0x1FC00] =	vst v63  }
0xca: {  	s17 =	simm.s32 @!p3 $0x8;
	s11 =	sshrl.u32 s20, $0x2;
	_ =	swait.ge [sflag:s25], $0x2000  }
0xcb: {  	s18 =	sadd.s32 $0x1, s31;
	s1 =	sor.u32 $0xA000, s10;
	[sflag:s25] =	ssyncset.done $0x0  }
0xcc: {  	s8 =	sor.u32 $0x600, s20;
	s11 =	sor.u32 s11, s1;
	[sflag:s25] =	ssyncadd.s32 $0xFFFFE000  }
0xcd: {  	[spmem:s3] =	stream.indirect.scatter.add.f32 [tilespmem:s4], [sflag:$0x5], $0x40, s11, s22, $0xb8;
	[tilespmem:$0x1FC00] =	vst v63  }
0xce: {  	s21 =	sshrl.u32 s8, $0x2;
	s8 =	sand.u32 $0x1E, s29;
	_ =	swait.ge @!p3 [sflag:s17], $0x2000  }
0xcf: {  	s9 =	sadd.s32 s21, s9;
	p2 =	seq.s32 s8, $0x1E;
	[sflag:s17] =	ssyncset.done @!p3 $0x0  }
0xd0: {  	s30 =	sadd.s32 $0x80, s11;
	[sflag:s17] =	ssyncadd.s32 @!p3 $0xFFFFE000;
	p3 =	sne.s32 @!p2 s8, $0x2  }
0xd1: {  	[tilespmem:s26], [sflag:$0x4] =	stream.indirect.gather [spmem:s2], $0x40, s9, s22, $0xb8;
	[tilespmem:$0x1FC00] =	vst v63  }
0xd2: {  	p1 =	sgt.u32 @p2 s18, $0x1F;
	p4 =	por p3, p2;
	_ =	swait.ge [sflag:s28], $0x2000  }
0xd3: {  	p1 =	por p1, !p2;
	p4 =	sgt.u32 @!p4 s18, $0x1F;
	[sflag:s28] =	ssyncset.done $0x0  }
0xd4: {  	s9 =	simm.s32 @!p1 $0x9;
	p3 =	por @!p2 p4, p3;
	[sflag:s28] =	ssyncadd.s32 $0xFFFFE000  }
0xd5: {  	[spmem:s3] =	stream.indirect.scatter.add.f32 [tilespmem:s23], [sflag:$0x6], $0x40, s30, s22, $0xb8;
	[tilespmem:$0x1FC00] =	vst v63  }
0xd6: {  	p2 =	por p3, p2;
	_ =	swait.ge @!p1 [sflag:s9], $0x1000  }
0xd7: {  	s11 =	sand.u32 @!p2 $0x3000, s16;
	[sflag:s9] =	ssyncset.done @!p1 $0x0  }
0xd8: {  	s11 =	sadd.s32 @!p2 $0x1000, s11;
	[sflag:s9] =	ssyncadd.s32 @!p1 $0xFFFFF000;
	s9 =	simm.s32 @!p1 $0xA  }
0xd9: {  	s16 =	simm.s32 @!p2 $0x0;
	s17 =	sadd.s32 @!p2 s6, s11;
	_ =	swait.ge @!p1 [sflag:s9], $0x1000  }
0xda: {  	s11 =	sand.u32 @!p2 $0x1000, s11;
	s17 =	sshrl.u32 @!p2 s17, $0x3;
	[sflag:s9] =	ssyncset.done @!p1 $0x0  }
0xdb: {  	s18 =	sadd.s32 @!p2 s5, s17;
	[sflag:s9] =	ssyncadd.s32 @!p1 $0xFFFFF000;
	s9 =	sor.u32 @!p2 $0x8000, s11  }
0xdc: {  	[tilespmem:s9], [sflag:$0x9] =	stream.linear.gather @!p2 [hbm4b:s18+s16], $0x1000, $0x38;
	[tilespmem:$0x1FC00] =	vst v63  }
0xdd: {  	s9 =	sor.u32 @!p2 $0xA000, s11;
	s11 =	sadd.s32 @!p2 s7, s17  }
0xde: {  	[tilespmem:s9], [sflag:$0xA] =	stream.linear.gather @!p2 [hbm4b:s11+s16], $0x1000, $0x38;
	[tilespmem:$0x1FC00] =	vst v63  }
0xdf: {  	_ =	swait.ge [sflag:s19], $0x2000  }
0xe0: {  	p1 =	seq.s32 s15, $0x14200;
	[sflag:s19] =	ssyncset.done $0x0  }
0xe1: {  	s9 =	simm.s32 @p1 $0x3;
	[sflag:s19] =	ssyncadd.s32 $0xFFFFE000  }
0xe2: {  	_ =	swait.ge @p1 [sflag:s9], $0x2000  }
0xe3: {  	s11 =	simm.s32 @p1 $0x4000;
	[sflag:s9] =	ssyncset.done @p1 $0x0  }
0xe4: {  	[sflag:s9] =	ssyncadd.s32 @p1 $0xFFFFE000;
	s9 =	sadd.s32 @p1 $0xAF00, s10;
	s10 =	simm.s32 @p1 $0x80  }
0xe5: {  	[spmem:s3] =	stream.indirect.scatter.add.f32 @p1 [tilespmem:s11], [sflag:$0x7], $0x40, s9, s10, $0xb8;
	[tilespmem:$0x1FC00] =	vst v63  }
0xe6: {  	s9 =	sadd.s32 @!p1 $0xFFFFFE00, s15;
	s10 =	simm.s32 @p1 $0x6  }
0xe7: {  	s9 =	sand.u32 @!p1 $0x7800, s9;
	_ =	swait.ge @p1 [sflag:s10], $0x2000  }
0xe8: {  	s11 =	simm.s32 @!p1 $0x0;
	s9 =	sshrl.u32 @!p1 s9, $0x2;
	[sflag:s10] =	ssyncset.done @p1 $0x0  }
0xe9: {  	s9 =	sor.u32 @!p1 $0x8000, s9;
	[sflag:s10] =	ssyncadd.s32 @p1 $0xFFFFE000;
	s10 =	simm.s32 @!p1 $0x80  }
0xea: {  	[tilespmem:s11], [sflag:$0x1] =	stream.indirect.gather @!p1 [spmem:s2], $0x40, s9, s10, $0xb8;
	[tilespmem:$0x1FC00] =	vst v63  }
0xeb: {  	s9 =	simm.s32 @!p1 $0x3  }
0xec: {  	_ =	swait.ge @!p1 [sflag:s9], $0x2000  }
0xed: {  	s8 =	sshll.u32 @!p1 s8, $0x7;
	[sflag:s9] =	ssyncset.done @!p1 $0x0  }
0xee: {  	s8 =	sadd.s32 @!p1 s8, s1;
	[sflag:s9] =	ssyncadd.s32 @!p1 $0xFFFFE000;
	s9 =	simm.s32 @!p1 $0x4000  }
0xef: {  	[spmem:s3] =	stream.indirect.scatter.add.f32 @!p1 [tilespmem:s9], [sflag:$0x7], $0x40, s8, s10, $0xb8;
	[tilespmem:$0x1FC00] =	vst v63  }
0xf0: {  	s8 =	simm.s32 @!p1 $0x6  }
0xf1: {  	s9 =	sand.u32 @!p1 $0x7A00, s15;
	_ =	swait.ge @!p1 [sflag:s8], $0x2000  }
0xf2: {  	s9 =	sshrl.u32 @!p1 s9, $0x2;
	[sflag:s8] =	ssyncset.done @!p1 $0x0  }
0xf3: {  	s9 =	sor.u32 @!p1 $0x8000, s9;
	[sflag:s8] =	ssyncadd.s32 @!p1 $0xFFFFE000;
	s8 =	simm.s32 @!p1 $0x2000  }
0xf4: {  	[tilespmem:s8], [sflag:$0x2] =	stream.indirect.gather @!p1 [spmem:s2], $0x40, s9, s10, $0xb8;
	[tilespmem:$0x1FC00] =	vst v63  }
0xf5: {  	_ =	swait.ge [sflag:s0], $0x2000  }
0xf6: {  	[sflag:s0] =	ssyncset.done $0x0  }
0xf7: {  	s1 =	sadd.s32 s21, s1;
	s10 =	simm.s32 $0x7;
	[sflag:s0] =	ssyncadd.s32 $0xFFFFE000  }
0xf8: {  	[spmem:s3] =	stream.indirect.scatter.add.f32 [tilespmem:s26], [sflag:$0x8], $0x40, s1, s22, $0xb8;
	[tilespmem:$0x1FC00] =	vst v63  }
0xf9: {  	_ =	swait.ge [sflag:s10], $0x2000  }
0xfa: {  	[sflag:s10] =	ssyncset.done $0x0  }
0xfb: {  	s31 =	simm.s32 $0x8;
	[sflag:s10] =	ssyncadd.s32 $0xFFFFE000  }
.Ltmp3:
0xfc: {  	_ =	swait.ge [sflag:s31], $0x2000;
	(pc) =	sbr.rel @!p0 .LBB2_4-.Ltmp3, $4  }
0xfd: {  	[sflag:s31] =	ssyncset.done $0x0  }
0xfe: {  	[sflag:s31] =	ssyncadd.s32 $0xFFFFE000  }
0xff: {  	[bflag:$0x0] =	sbarrier.arrive $0xFFFF  }
0x100: {  	s1 =	simm.s32 $0x0  }
0x101: {  	s8 =	rddreg [dreg:$0x1d]  }
0x102: {  	[tilespmem:s1], [sflag:$0x1] =	stream.linear.gather [spmem:s8], $0x2000, $0x38;
	[tilespmem:$0x1FC00] =	vst v63  }
0x103: {  	s30 =	rddreg [dreg:$0x1e]  }
0x104: {  	[tilespmem:s23], [sflag:$0x2] =	stream.linear.gather [spmem:s30], $0x2000, $0x38;
	[tilespmem:$0x1FC00] =	vst v63  }
0x105: {  	s31 =	rddreg [dreg:$0x1f]  }
0x106: {  	[tilespmem:s24], [sflag:$0x3] =	stream.linear.gather [spmem:s31], $0x2000, $0x38;
	[tilespmem:$0x1FC00] =	vst v63  }
0x107: {  	_ =	swait.ge [sflag:s25], $0x2000  }
0x108: {  	[sflag:s25] =	ssyncset.done $0x0  }
0x109: {  	s1 =	simm.s32 $0x0;
	[sflag:s25] =	ssyncadd.s32 $0xFFFFE000  }
0x10a: {  	v2 =	vld [tilespmem:s1+$0x0]  }
0x10b: {  	v1 =	vld [tilespmem:s1+$0x10]  }
0x10c: {  	s11 =	simm.s32 $0x40;
	s8 =	simm.s32 $0x100;
	v0 =	vld [tilespmem:s1+$0x20]  }
.LBB2_16:
0x10d: {  	p1 =	sne.s32 s8, $0x7F00;
	v3 =	vld [tilespmem:s1+$0x30];
	_ =	sdelay $0x1  }
.Ltmp4:
0x10e: {  	v2 =	vmax.f32 v2, $0.0e+00;
	(pc) =	sbr.rel @p1 .LBB2_16-.Ltmp4, $4  }
0x10f: {  	s9 =	sshra.s32 s8, $0x2;
	[tilespmem:s1+$0x0] =	vst v2;
	v1 =	vmax.f32 v1, $0.0e+00  }
0x110: {  	v2 =	vld [tilespmem:s9+$0x0];
	[tilespmem:s1+$0x10] =	vst v1;
	v0 =	vmax.f32 v0, $0.0e+00  }
0x111: {  	v1 =	vld [tilespmem:s9+$0x10];
	[tilespmem:s1+$0x20] =	vst v0;
	v3 =	vmax.f32 v3, $0.0e+00  }
0x112: {  	s8 =	sadd.s32 $0x100, s8;
	v0 =	vld [tilespmem:s9+$0x20];
	[tilespmem:s1+$0x30] =	vst v3;
	s1 =	smov.u32 s9  }
0x113: {  	v3 =	vld [tilespmem:s1+$0x30];
	_ =	sdelay $0x1  }
0x114: {  	v2 =	vmax.f32 v2, $0.0e+00  }
0x115: {  	[tilespmem:s1+$0x0] =	vst v2;
	v1 =	vmax.f32 v1, $0.0e+00  }
0x116: {  	[tilespmem:s1+$0x10] =	vst v1;
	v0 =	vmax.f32 v0, $0.0e+00  }
0x117: {  	[tilespmem:s1+$0x20] =	vst v0;
	v0 =	vmax.f32 v3, $0.0e+00  }
0x118: {  	s30 =	simm.s32 $0x0;
	s8 =	rddreg [dreg:$0x15];
	[tilespmem:s1+$0x30] =	vst v0  }
0x119: {  	[hbm4b:s8+s11] =	stream.strided.scatter [tilespmem:s30], [sflag:$0x5], $0x2000, s22, s11, $0x38;
	[tilespmem:$0x1FC00] =	vst v63  }
0x11a: {  	_ =	swait.ge [sflag:s19], $0x2000  }
0x11b: {  	s31 =	sld [smem:$0x7FC]  }
0x11c: {  	[sflag:s19] =	ssyncset.done $0x0  }
0x11d: {  	[sflag:s19] =	ssyncadd.s32 $0xFFFFE000  }
0x11e: {  	[tilespmem:s30], [sflag:$0x1] =	stream.linear.gather [spmem:s31], $0x2000, $0x38;
	[tilespmem:$0x1FC00] =	vst v63  }
0x11f: {  	_ =	swait.ge [sflag:s28], $0x2000  }
0x120: {  	[sflag:s28] =	ssyncset.done $0x0  }
0x121: {  	s1 =	simm.s32 $0x0;
	[sflag:s28] =	ssyncadd.s32 $0xFFFFE000  }
0x122: {  	v2 =	vld [tilespmem:s1+$0x2000]  }
0x123: {  	v1 =	vld [tilespmem:s1+$0x2010]  }
0x124: {  	s8 =	simm.s32 $0x100;
	v0 =	vld [tilespmem:s1+$0x2020]  }
.LBB2_18:
0x125: {  	p1 =	sne.s32 s8, $0x7F00;
	v3 =	vld [tilespmem:s1+$0x2030];
	_ =	sdelay $0x1  }
.Ltmp5:
0x126: {  	v2 =	vmax.f32 v2, $0.0e+00;
	(pc) =	sbr.rel @p1 .LBB2_18-.Ltmp5, $4  }
0x127: {  	s9 =	sshra.s32 s8, $0x2;
	[tilespmem:s1+$0x2000] =	vst v2;
	v1 =	vmax.f32 v1, $0.0e+00  }
0x128: {  	v2 =	vld [tilespmem:s9+$0x2000];
	[tilespmem:s1+$0x2010] =	vst v1;
	v0 =	vmax.f32 v0, $0.0e+00  }
0x129: {  	v1 =	vld [tilespmem:s9+$0x2010];
	[tilespmem:s1+$0x2020] =	vst v0;
	v3 =	vmax.f32 v3, $0.0e+00  }
0x12a: {  	s8 =	sadd.s32 $0x100, s8;
	v0 =	vld [tilespmem:s9+$0x2020];
	[tilespmem:s1+$0x2030] =	vst v3;
	s1 =	smov.u32 s9  }
0x12b: {  	v3 =	vld [tilespmem:s1+$0x2030];
	_ =	sdelay $0x1  }
0x12c: {  	v2 =	vmax.f32 v2, $0.0e+00  }
0x12d: {  	[tilespmem:s1+$0x2000] =	vst v2;
	v1 =	vmax.f32 v1, $0.0e+00  }
0x12e: {  	[tilespmem:s1+$0x2010] =	vst v1;
	v0 =	vmax.f32 v0, $0.0e+00  }
0x12f: {  	[tilespmem:s1+$0x2020] =	vst v0;
	v0 =	vmax.f32 v3, $0.0e+00  }
0x130: {  	s29 =	rddreg [dreg:$0x16];
	[tilespmem:s1+$0x2030] =	vst v0  }
0x131: {  	[hbm4b:s29+s11] =	stream.strided.scatter [tilespmem:s23], [sflag:$0x6], $0x2000, s22, s11, $0x38;
	[tilespmem:$0x1FC00] =	vst v63  }
0x132: {  	_ =	swait.ge [sflag:s12], $0x2000  }
0x133: {  	s30 =	sld [smem:$0x7FD]  }
0x134: {  	[sflag:s12] =	ssyncset.done $0x0  }
0x135: {  	s31 =	simm.s32 $0x3;
	[sflag:s12] =	ssyncadd.s32 $0xFFFFE000  }
0x136: {  	[tilespmem:s23], [sflag:$0x2] =	stream.linear.gather [spmem:s30], $0x200, $0x38;
	[tilespmem:$0x1FC00] =	vst v63  }
0x137: {  	_ =	swait.ge [sflag:s31], $0x2000  }
0x138: {  	[sflag:s31] =	ssyncset.done $0x0  }
0x139: {  	s1 =	simm.s32 $0x0;
	[sflag:s31] =	ssyncadd.s32 $0xFFFFE000  }
0x13a: {  	v2 =	vld [tilespmem:s1+$0x4000]  }
0x13b: {  	v1 =	vld [tilespmem:s1+$0x4010]  }
0x13c: {  	s8 =	simm.s32 $0x100;
	v0 =	vld [tilespmem:s1+$0x4020]  }
.LBB2_20:
0x13d: {  	p1 =	sne.s32 s8, $0x7F00;
	v3 =	vld [tilespmem:s1+$0x4030];
	_ =	sdelay $0x1  }
.Ltmp6:
0x13e: {  	v2 =	vmax.f32 v2, $0.0e+00;
	(pc) =	sbr.rel @p1 .LBB2_20-.Ltmp6, $4  }
0x13f: {  	s9 =	sshra.s32 s8, $0x2;
	[tilespmem:s1+$0x4000] =	vst v2;
	v1 =	vmax.f32 v1, $0.0e+00  }
0x140: {  	v2 =	vld [tilespmem:s9+$0x4000];
	[tilespmem:s1+$0x4010] =	vst v1;
	v0 =	vmax.f32 v0, $0.0e+00  }
0x141: {  	v1 =	vld [tilespmem:s9+$0x4010];
	[tilespmem:s1+$0x4020] =	vst v0;
	v3 =	vmax.f32 v3, $0.0e+00  }
0x142: {  	s8 =	sadd.s32 $0x100, s8;
	v0 =	vld [tilespmem:s9+$0x4020];
	[tilespmem:s1+$0x4030] =	vst v3;
	s1 =	smov.u32 s9  }
0x143: {  	v3 =	vld [tilespmem:s1+$0x4030];
	_ =	sdelay $0x1  }
0x144: {  	v2 =	vmax.f32 v2, $0.0e+00  }
0x145: {  	[tilespmem:s1+$0x4000] =	vst v2;
	v1 =	vmax.f32 v1, $0.0e+00  }
0x146: {  	[tilespmem:s1+$0x4010] =	vst v1;
	v0 =	vmax.f32 v0, $0.0e+00  }
0x147: {  	[tilespmem:s1+$0x4020] =	vst v0;
	v0 =	vmax.f32 v3, $0.0e+00  }
0x148: {  	s31 =	rddreg [dreg:$0x17];
	[tilespmem:s1+$0x4030] =	vst v0  }
0x149: {  	[hbm4b:s31+s11] =	stream.strided.scatter [tilespmem:s24], [sflag:$0x7], $0x2000, s22, s11, $0x38;
	[tilespmem:$0x1FC00] =	vst v63  }
0x14a: {  	_ =	swait.ge [sflag:s25], $0x2000  }
0x14b: {  	[sflag:s25] =	ssyncset.done $0x0  }
0x14c: {  	s1 =	simm.s32 $0x0;
	[sflag:s25] =	ssyncadd.s32 $0xFFFFE000  }
0x14d: {  	v2 =	vld [tilespmem:s1+$0x0]  }
0x14e: {  	v1 =	vld [tilespmem:s1+$0x10]  }
0x14f: {  	s8 =	simm.s32 $0x100;
	v0 =	vld [tilespmem:s1+$0x20]  }
.LBB2_22:
0x150: {  	p1 =	sne.s32 s8, $0x7F00;
	v3 =	vld [tilespmem:s1+$0x30];
	_ =	sdelay $0x1  }
.Ltmp7:
0x151: {  	v2 =	vmax.f32 v2, $0.0e+00;
	(pc) =	sbr.rel @p1 .LBB2_22-.Ltmp7, $4  }
0x152: {  	s9 =	sshra.s32 s8, $0x2;
	[tilespmem:s1+$0x0] =	vst v2;
	v1 =	vmax.f32 v1, $0.0e+00  }
0x153: {  	v2 =	vld [tilespmem:s9+$0x0];
	[tilespmem:s1+$0x10] =	vst v1;
	v0 =	vmax.f32 v0, $0.0e+00  }
0x154: {  	v1 =	vld [tilespmem:s9+$0x10];
	[tilespmem:s1+$0x20] =	vst v0;
	v3 =	vmax.f32 v3, $0.0e+00  }
0x155: {  	s8 =	sadd.s32 $0x100, s8;
	v0 =	vld [tilespmem:s9+$0x20];
	[tilespmem:s1+$0x30] =	vst v3;
	s1 =	smov.u32 s9  }
0x156: {  	v3 =	vld [tilespmem:s1+$0x30];
	_ =	sdelay $0x1  }
0x157: {  	v2 =	vmax.f32 v2, $0.0e+00  }
0x158: {  	[tilespmem:s1+$0x0] =	vst v2;
	v1 =	vmax.f32 v1, $0.0e+00  }
0x159: {  	[tilespmem:s1+$0x10] =	vst v1;
	v0 =	vmax.f32 v0, $0.0e+00  }
0x15a: {  	[tilespmem:s1+$0x20] =	vst v0;
	v59 =	vmax.f32 v3, $0.0e+00  }
0x15b: {  	s30 =	rddreg [dreg:$0x18];
	[tilespmem:s1+$0x30] =	vst v59  }
0x15c: {  	[hbm4b:s30+s11] =	stream.strided.scatter [tilespmem:s4], [sflag:$0x5], $0x2000, s22, s11, $0x38;
	[tilespmem:$0x1FC00] =	vst v63  }
0x15d: {  	_ =	swait.ge [sflag:s28], $0x200  }
0x15e: {  	[sflag:s28] =	ssyncset.done $0x0  }
0x15f: {  	[sflag:s28] =	ssyncadd.s32 $0xFFFFFE00  }
0x160: {  	v60 =	vld [tilespmem:$0x2000]  }
0x161: {  	v61 =	vld [tilespmem:$0x2010]  }
0x162: {  	v62 =	vld [tilespmem:$0x2020]  }
0x163: {  	v63 =	vld [tilespmem:$0x2030]  }
0x164: {  	v4 =	vld [tilespmem:$0x2040]  }
0x165: {  	v5 =	vld [tilespmem:$0x2050];
	v0 =	vmax.f32 v60, $0.0e+00  }
0x166: {  	v8 =	vld [tilespmem:$0x2060];
	v7 =	vmax.f32 v61, $0.0e+00;
	[tilespmem:$0x2000] =	vst v0  }
0x167: {  	v10 =	vld [tilespmem:$0x2070];
	v9 =	vmax.f32 v62, $0.0e+00;
	[tilespmem:$0x2010] =	vst v7  }
0x168: {  	v12 =	vld [tilespmem:$0x2080];
	v11 =	vmax.f32 v63, $0.0e+00;
	[tilespmem:$0x2020] =	vst v9  }
0x169: {  	v14 =	vld [tilespmem:$0x2090];
	v13 =	vmax.f32 v4, $0.0e+00;
	[tilespmem:$0x2030] =	vst v11  }
0x16a: {  	v16 =	vld [tilespmem:$0x20A0];
	v15 =	vmax.f32 v5, $0.0e+00;
	[tilespmem:$0x2040] =	vst v13  }
0x16b: {  	v18 =	vld [tilespmem:$0x20B0];
	v17 =	vmax.f32 v8, $0.0e+00;
	[tilespmem:$0x2050] =	vst v15  }
0x16c: {  	v20 =	vld [tilespmem:$0x20C0];
	v19 =	vmax.f32 v10, $0.0e+00;
	[tilespmem:$0x2060] =	vst v17  }
0x16d: {  	v22 =	vld [tilespmem:$0x20D0];
	v21 =	vmax.f32 v12, $0.0e+00;
	[tilespmem:$0x2070] =	vst v19  }
0x16e: {  	v24 =	vld [tilespmem:$0x20E0];
	v23 =	vmax.f32 v14, $0.0e+00;
	[tilespmem:$0x2080] =	vst v21  }
0x16f: {  	v26 =	vld [tilespmem:$0x20F0];
	v25 =	vmax.f32 v16, $0.0e+00;
	[tilespmem:$0x2090] =	vst v23  }
0x170: {  	v28 =	vld [tilespmem:$0x2100];
	v27 =	vmax.f32 v18, $0.0e+00;
	[tilespmem:$0x20A0] =	vst v25  }
0x171: {  	v30 =	vld [tilespmem:$0x2110];
	v29 =	vmax.f32 v20, $0.0e+00;
	[tilespmem:$0x20B0] =	vst v27  }
0x172: {  	v32 =	vld [tilespmem:$0x2120];
	v31 =	vmax.f32 v22, $0.0e+00;
	[tilespmem:$0x20C0] =	vst v29  }
0x173: {  	v34 =	vld [tilespmem:$0x2130];
	v33 =	vmax.f32 v24, $0.0e+00;
	[tilespmem:$0x20D0] =	vst v31  }
0x174: {  	v36 =	vld [tilespmem:$0x2140];
	v35 =	vmax.f32 v26, $0.0e+00;
	[tilespmem:$0x20E0] =	vst v33  }
0x175: {  	v38 =	vld [tilespmem:$0x2150];
	v37 =	vmax.f32 v28, $0.0e+00;
	[tilespmem:$0x20F0] =	vst v35  }
0x176: {  	v40 =	vld [tilespmem:$0x2160];
	v39 =	vmax.f32 v30, $0.0e+00;
	[tilespmem:$0x2100] =	vst v37  }
0x177: {  	v42 =	vld [tilespmem:$0x2170];
	v41 =	vmax.f32 v32, $0.0e+00;
	[tilespmem:$0x2110] =	vst v39  }
0x178: {  	v44 =	vld [tilespmem:$0x2180];
	v43 =	vmax.f32 v34, $0.0e+00;
	[tilespmem:$0x2120] =	vst v41  }
0x179: {  	v46 =	vld [tilespmem:$0x2190];
	v45 =	vmax.f32 v36, $0.0e+00;
	[tilespmem:$0x2130] =	vst v43  }
0x17a: {  	v48 =	vld [tilespmem:$0x21A0];
	v47 =	vmax.f32 v38, $0.0e+00;
	[tilespmem:$0x2140] =	vst v45  }
0x17b: {  	v50 =	vld [tilespmem:$0x21B0];
	v49 =	vmax.f32 v40, $0.0e+00;
	[tilespmem:$0x2150] =	vst v47  }
0x17c: {  	v52 =	vld [tilespmem:$0x21C0];
	v51 =	vmax.f32 v42, $0.0e+00;
	[tilespmem:$0x2160] =	vst v49  }
0x17d: {  	v54 =	vld [tilespmem:$0x21D0];
	v53 =	vmax.f32 v44, $0.0e+00;
	[tilespmem:$0x2170] =	vst v51  }
0x17e: {  	v56 =	vld [tilespmem:$0x21E0];
	v55 =	vmax.f32 v46, $0.0e+00;
	[tilespmem:$0x2180] =	vst v53  }
0x17f: {  	v58 =	vld [tilespmem:$0x21F0];
	v57 =	vmax.f32 v48, $0.0e+00;
	[tilespmem:$0x2190] =	vst v55  }
0x180: {  	v59 =	vmax.f32 v50, $0.0e+00;
	[tilespmem:$0x21A0] =	vst v57  }
0x181: {  	v60 =	vmax.f32 v52, $0.0e+00;
	[tilespmem:$0x21B0] =	vst v59  }
0x182: {  	v61 =	vmax.f32 v54, $0.0e+00;
	[tilespmem:$0x21C0] =	vst v60  }
0x183: {  	v62 =	vmax.f32 v56, $0.0e+00;
	[tilespmem:$0x21D0] =	vst v61  }
0x184: {  	v63 =	vmax.f32 v58, $0.0e+00;
	[tilespmem:$0x21E0] =	vst v62  }
0x185: {  	s31 =	rddreg [dreg:$0x19];
	[tilespmem:$0x21F0] =	vst v63  }
0x186: {  	[hbm4b:s31+s11] =	stream.strided.scatter [tilespmem:s23], [sflag:$0x6], $0x200, s22, s11, $0x38;
	[tilespmem:$0x1FC00] =	vst v63  }
0x187: {  	_ =	swait.ge [sflag:s10], $0x2000  }
0x188: {  	[sflag:s10] =	ssyncset.done $0x0  }
0x189: {  	[sflag:s10] =	ssyncadd.s32 $0xFFFFE000  }
0x18a: {  	_ =	swait.ge [sflag:s19], $0x2000  }
.Ltmp8:
0x18b: {  	[sflag:s19] =	ssyncset.done $0x0;
	(pc) =	sbr.rel .LBB2_24-.Ltmp8, $4  }
0x18c: {  	[sflag:s19] =	ssyncadd.s32 $0xFFFFE000  }
0x18d: {  	_ =	swait.ge [sflag:s12], $0x200  }
0x18e: {  	[sflag:s12] =	ssyncset.done $0x0  }
0x18f: {  	[sflag:s12] =	ssyncadd.s32 $0xFFFFFE00  }
.LBB2_4:
0x190: {  	s8 =	rddreg [dreg:$0xf]  }
0x191: {  	[tilespmem:s1], [sflag:$0x1] =	stream.linear.gather [spmem:s8], $0x2000, $0x38;
	[tilespmem:$0x1FC00] =	vst v63  }
0x192: {  	s30 =	rddreg [dreg:$0x11]  }
0x193: {  	[tilespmem:s23], [sflag:$0x2] =	stream.linear.gather [spmem:s30], $0x2000, $0x38;
	[tilespmem:$0x1FC00] =	vst v63  }
0x194: {  	s31 =	rddreg [dreg:$0x12]  }
0x195: {  	[tilespmem:s24], [sflag:$0x3] =	stream.linear.gather [spmem:s31], $0x2000, $0x38;
	[tilespmem:$0x1FC00] =	vst v63  }
0x196: {  	_ =	swait.ge [sflag:s25], $0x2000  }
0x197: {  	[sflag:s25] =	ssyncset.done $0x0  }
0x198: {  	s1 =	simm.s32 $0x0;
	[sflag:s25] =	ssyncadd.s32 $0xFFFFE000  }
0x199: {  	v2 =	vld [tilespmem:s1+$0x0]  }
0x19a: {  	v1 =	vld [tilespmem:s1+$0x10]  }
0x19b: {  	s11 =	simm.s32 $0x40;
	s8 =	simm.s32 $0x100;
	v0 =	vld [tilespmem:s1+$0x20]  }
.LBB2_5:
0x19c: {  	p1 =	sne.s32 s8, $0x7F00;
	v3 =	vld [tilespmem:s1+$0x30];
	_ =	sdelay $0x1  }
.Ltmp9:
0x19d: {  	v2 =	vmax.f32 v2, $0.0e+00;
	(pc) =	sbr.rel @p1 .LBB2_5-.Ltmp9, $4  }
0x19e: {  	s9 =	sshra.s32 s8, $0x2;
	[tilespmem:s1+$0x0] =	vst v2;
	v1 =	vmax.f32 v1, $0.0e+00  }
0x19f: {  	v2 =	vld [tilespmem:s9+$0x0];
	[tilespmem:s1+$0x10] =	vst v1;
	v0 =	vmax.f32 v0, $0.0e+00  }
0x1a0: {  	v1 =	vld [tilespmem:s9+$0x10];
	[tilespmem:s1+$0x20] =	vst v0;
	v3 =	vmax.f32 v3, $0.0e+00  }
0x1a1: {  	s8 =	sadd.s32 $0x100, s8;
	v0 =	vld [tilespmem:s9+$0x20];
	[tilespmem:s1+$0x30] =	vst v3;
	s1 =	smov.u32 s9  }
0x1a2: {  	v3 =	vld [tilespmem:s1+$0x30];
	_ =	sdelay $0x1  }
0x1a3: {  	v2 =	vmax.f32 v2, $0.0e+00  }
0x1a4: {  	[tilespmem:s1+$0x0] =	vst v2;
	v1 =	vmax.f32 v1, $0.0e+00  }
0x1a5: {  	[tilespmem:s1+$0x10] =	vst v1;
	v0 =	vmax.f32 v0, $0.0e+00  }
0x1a6: {  	[tilespmem:s1+$0x20] =	vst v0;
	v0 =	vmax.f32 v3, $0.0e+00  }
0x1a7: {  	s30 =	simm.s32 $0x0;
	s8 =	rddreg [dreg:$0x7];
	[tilespmem:s1+$0x30] =	vst v0  }
0x1a8: {  	[hbm4b:s8+s11] =	stream.strided.scatter [tilespmem:s30], [sflag:$0x5], $0x2000, s22, s11, $0x38;
	[tilespmem:$0x1FC00] =	vst v63  }
0x1a9: {  	_ =	swait.ge [sflag:s19], $0x2000  }
0x1aa: {  	[sflag:s19] =	ssyncset.done $0x0  }
0x1ab: {  	s31 =	rddreg [dreg:$0x13];
	[sflag:s19] =	ssyncadd.s32 $0xFFFFE000  }
0x1ac: {  	[tilespmem:s30], [sflag:$0x1] =	stream.linear.gather [spmem:s31], $0x2000, $0x38;
	[tilespmem:$0x1FC00] =	vst v63  }
0x1ad: {  	_ =	swait.ge [sflag:s28], $0x2000  }
0x1ae: {  	[sflag:s28] =	ssyncset.done $0x0  }
0x1af: {  	s1 =	simm.s32 $0x0;
	[sflag:s28] =	ssyncadd.s32 $0xFFFFE000  }
0x1b0: {  	v2 =	vld [tilespmem:s1+$0x2000]  }
0x1b1: {  	v1 =	vld [tilespmem:s1+$0x2010]  }
0x1b2: {  	s8 =	simm.s32 $0x100;
	v0 =	vld [tilespmem:s1+$0x2020]  }
.LBB2_7:
0x1b3: {  	p1 =	sne.s32 s8, $0x7F00;
	v3 =	vld [tilespmem:s1+$0x2030];
	_ =	sdelay $0x1  }
.Ltmp10:
0x1b4: {  	v2 =	vmax.f32 v2, $0.0e+00;
	(pc) =	sbr.rel @p1 .LBB2_7-.Ltmp10, $4  }
0x1b5: {  	s9 =	sshra.s32 s8, $0x2;
	[tilespmem:s1+$0x2000] =	vst v2;
	v1 =	vmax.f32 v1, $0.0e+00  }
0x1b6: {  	v2 =	vld [tilespmem:s9+$0x2000];
	[tilespmem:s1+$0x2010] =	vst v1;
	v0 =	vmax.f32 v0, $0.0e+00  }
0x1b7: {  	v1 =	vld [tilespmem:s9+$0x2010];
	[tilespmem:s1+$0x2020] =	vst v0;
	v3 =	vmax.f32 v3, $0.0e+00  }
0x1b8: {  	s8 =	sadd.s32 $0x100, s8;
	v0 =	vld [tilespmem:s9+$0x2020];
	[tilespmem:s1+$0x2030] =	vst v3;
	s1 =	smov.u32 s9  }
0x1b9: {  	v3 =	vld [tilespmem:s1+$0x2030];
	_ =	sdelay $0x1  }
0x1ba: {  	v2 =	vmax.f32 v2, $0.0e+00  }
0x1bb: {  	[tilespmem:s1+$0x2000] =	vst v2;
	v1 =	vmax.f32 v1, $0.0e+00  }
0x1bc: {  	[tilespmem:s1+$0x2010] =	vst v1;
	v0 =	vmax.f32 v0, $0.0e+00  }
0x1bd: {  	[tilespmem:s1+$0x2020] =	vst v0;
	v0 =	vmax.f32 v3, $0.0e+00  }
0x1be: {  	s29 =	rddreg [dreg:$0x8];
	[tilespmem:s1+$0x2030] =	vst v0  }
0x1bf: {  	[hbm4b:s29+s11] =	stream.strided.scatter [tilespmem:s23], [sflag:$0x6], $0x2000, s22, s11, $0x38;
	[tilespmem:$0x1FC00] =	vst v63  }
0x1c0: {  	_ =	swait.ge [sflag:s12], $0x2000  }
0x1c1: {  	[sflag:s12] =	ssyncset.done $0x0  }
0x1c2: {  	s31 =	simm.s32 $0x3;
	s30 =	rddreg [dreg:$0x14];
	[sflag:s12] =	ssyncadd.s32 $0xFFFFE000  }
0x1c3: {  	[tilespmem:s23], [sflag:$0x2] =	stream.linear.gather [spmem:s30], $0x1E00, $0x38;
	[tilespmem:$0x1FC00] =	vst v63  }
0x1c4: {  	_ =	swait.ge [sflag:s31], $0x2000  }
0x1c5: {  	[sflag:s31] =	ssyncset.done $0x0  }
0x1c6: {  	s1 =	simm.s32 $0x0;
	[sflag:s31] =	ssyncadd.s32 $0xFFFFE000  }
0x1c7: {  	v2 =	vld [tilespmem:s1+$0x4000]  }
0x1c8: {  	v1 =	vld [tilespmem:s1+$0x4010]  }
0x1c9: {  	s8 =	simm.s32 $0x100;
	v0 =	vld [tilespmem:s1+$0x4020]  }
.LBB2_9:
0x1ca: {  	p1 =	sne.s32 s8, $0x7F00;
	v3 =	vld [tilespmem:s1+$0x4030];
	_ =	sdelay $0x1  }
.Ltmp11:
0x1cb: {  	v2 =	vmax.f32 v2, $0.0e+00;
	(pc) =	sbr.rel @p1 .LBB2_9-.Ltmp11, $4  }
0x1cc: {  	s9 =	sshra.s32 s8, $0x2;
	[tilespmem:s1+$0x4000] =	vst v2;
	v1 =	vmax.f32 v1, $0.0e+00  }
0x1cd: {  	v2 =	vld [tilespmem:s9+$0x4000];
	[tilespmem:s1+$0x4010] =	vst v1;
	v0 =	vmax.f32 v0, $0.0e+00  }
0x1ce: {  	v1 =	vld [tilespmem:s9+$0x4010];
	[tilespmem:s1+$0x4020] =	vst v0;
	v3 =	vmax.f32 v3, $0.0e+00  }
0x1cf: {  	s8 =	sadd.s32 $0x100, s8;
	v0 =	vld [tilespmem:s9+$0x4020];
	[tilespmem:s1+$0x4030] =	vst v3;
	s1 =	smov.u32 s9  }
0x1d0: {  	v3 =	vld [tilespmem:s1+$0x4030];
	_ =	sdelay $0x1  }
0x1d1: {  	v2 =	vmax.f32 v2, $0.0e+00  }
0x1d2: {  	[tilespmem:s1+$0x4000] =	vst v2;
	v1 =	vmax.f32 v1, $0.0e+00  }
0x1d3: {  	[tilespmem:s1+$0x4010] =	vst v1;
	v0 =	vmax.f32 v0, $0.0e+00  }
0x1d4: {  	[tilespmem:s1+$0x4020] =	vst v0;
	v0 =	vmax.f32 v3, $0.0e+00  }
0x1d5: {  	s31 =	rddreg [dreg:$0x9];
	[tilespmem:s1+$0x4030] =	vst v0  }
0x1d6: {  	[hbm4b:s31+s11] =	stream.strided.scatter [tilespmem:s24], [sflag:$0x7], $0x2000, s22, s11, $0x38;
	[tilespmem:$0x1FC00] =	vst v63  }
0x1d7: {  	_ =	swait.ge [sflag:s25], $0x2000  }
0x1d8: {  	[sflag:s25] =	ssyncset.done $0x0  }
0x1d9: {  	s1 =	simm.s32 $0x0;
	[sflag:s25] =	ssyncadd.s32 $0xFFFFE000  }
0x1da: {  	v2 =	vld [tilespmem:s1+$0x0]  }
0x1db: {  	v1 =	vld [tilespmem:s1+$0x10]  }
0x1dc: {  	s8 =	simm.s32 $0x100;
	v0 =	vld [tilespmem:s1+$0x20]  }
.LBB2_11:
0x1dd: {  	p1 =	sne.s32 s8, $0x7F00;
	v3 =	vld [tilespmem:s1+$0x30];
	_ =	sdelay $0x1  }
.Ltmp12:
0x1de: {  	v2 =	vmax.f32 v2, $0.0e+00;
	(pc) =	sbr.rel @p1 .LBB2_11-.Ltmp12, $4  }
0x1df: {  	s9 =	sshra.s32 s8, $0x2;
	[tilespmem:s1+$0x0] =	vst v2;
	v1 =	vmax.f32 v1, $0.0e+00  }
0x1e0: {  	v2 =	vld [tilespmem:s9+$0x0];
	[tilespmem:s1+$0x10] =	vst v1;
	v0 =	vmax.f32 v0, $0.0e+00  }
0x1e1: {  	v1 =	vld [tilespmem:s9+$0x10];
	[tilespmem:s1+$0x20] =	vst v0;
	v3 =	vmax.f32 v3, $0.0e+00  }
0x1e2: {  	s8 =	sadd.s32 $0x100, s8;
	v0 =	vld [tilespmem:s9+$0x20];
	[tilespmem:s1+$0x30] =	vst v3;
	s1 =	smov.u32 s9  }
0x1e3: {  	v3 =	vld [tilespmem:s1+$0x30];
	_ =	sdelay $0x1  }
0x1e4: {  	v2 =	vmax.f32 v2, $0.0e+00  }
0x1e5: {  	[tilespmem:s1+$0x0] =	vst v2;
	v1 =	vmax.f32 v1, $0.0e+00  }
0x1e6: {  	[tilespmem:s1+$0x10] =	vst v1;
	v0 =	vmax.f32 v0, $0.0e+00  }
0x1e7: {  	[tilespmem:s1+$0x20] =	vst v0;
	v0 =	vmax.f32 v3, $0.0e+00  }
0x1e8: {  	s31 =	simm.s32 $0x0;
	s8 =	rddreg [dreg:$0xa];
	[tilespmem:s1+$0x30] =	vst v0  }
0x1e9: {  	[hbm4b:s8+s11] =	stream.strided.scatter [tilespmem:s31], [sflag:$0x5], $0x2000, s22, s11, $0x38;
	[tilespmem:$0x1FC00] =	vst v63  }
0x1ea: {  	_ =	swait.ge [sflag:s28], $0x1E00  }
0x1eb: {  	[sflag:s28] =	ssyncset.done $0x0  }
0x1ec: {  	s1 =	simm.s32 $0x0;
	[sflag:s28] =	ssyncadd.s32 $0xFFFFE200  }
0x1ed: {  	v2 =	vld [tilespmem:s1+$0x2000]  }
0x1ee: {  	v1 =	vld [tilespmem:s1+$0x2010]  }
0x1ef: {  	s8 =	simm.s32 $0x100;
	v0 =	vld [tilespmem:s1+$0x2020]  }
.LBB2_13:
0x1f0: {  	p1 =	sne.s32 s8, $0x7700;
	v3 =	vld [tilespmem:s1+$0x2030];
	_ =	sdelay $0x1  }
.Ltmp13:
0x1f1: {  	v2 =	vmax.f32 v2, $0.0e+00;
	(pc) =	sbr.rel @p1 .LBB2_13-.Ltmp13, $4  }
0x1f2: {  	s9 =	sshra.s32 s8, $0x2;
	v1 =	vmax.f32 v1, $0.0e+00;
	[tilespmem:s1+$0x2000] =	vst v2  }
0x1f3: {  	v0 =	vmax.f32 v0, $0.0e+00;
	v2 =	vld [tilespmem:s9+$0x2000];
	[tilespmem:s1+$0x2010] =	vst v1  }
0x1f4: {  	v1 =	vld [tilespmem:s9+$0x2010];
	[tilespmem:s1+$0x2020] =	vst v0;
	v3 =	vmax.f32 v3, $0.0e+00  }
0x1f5: {  	s8 =	sadd.s32 $0x100, s8;
	v0 =	vld [tilespmem:s9+$0x2020];
	[tilespmem:s1+$0x2030] =	vst v3;
	s1 =	smov.u32 s9  }
.Ltmp14:
0x1f6: {  	_ = 	snop;
	(pc) =	sbr.rel .LBB2_14-.Ltmp14, $1  }
0x1f7: {  	_ =	sdelay $0x3  }
.LBB2_25:
0x1f8: {  	_ =	sfence.sel $0x180000  }
0x1f9: {  	[bflag:$0x0] =	sbarrier.arrive $0xFFFF  }
0x1fa: {  	_ =	strace $0x90000047  }
0x1fb: {  	s0 =	stileid.u32;
	[bflag:$0x2] =	sbarrier.arrive $0xFFFF  }
0x1fc: {  	p0 =	sne.s32 s0, $0x0;
	s0 =	rddreg [dreg:$0x5]  }
0x1fd: {  	s0 =	sadd.s32 @!p0 $0x100000, s0  }
0x1fe: {  	[sflag:s0] =	ssyncadd.tile.s32 @!p0 $0x1;
	_ =	shalt  }
.Lfunc_end2:
_tile_overlayer_lowered:
.L_overlay_start_2:
0x1ff: {  	(tag) =	ssettag $0x2  }
0x200: {  	s0 =	rddreg [dreg:$0x0];
	s2 =	stileid.u32  }
0x201: {  	s1 =	rddreg [dreg:$0x1];
	p0 =	sne.s32 s2, $0x0  }
0x202: {  	s3 =	rddreg [dreg:$0x2];
	[bflag:$0x3] =	sbarrier.arrive $0xFFFF;
	s2 =	simm.s32 @!p0 $0x1C0B  }
0x203: {  	[timem:s3], [sflag:s2] =	dma.local @!p0 [hbm:s0], s1  }
0x204: {  	s0 =	simm.s32 @!p0 $0xB  }
0x205: {  	_ =	swait.ge @!p0 [sflag:s0], s1  }
0x206: {  	s1 =	ssub.s32 @!p0 $0x0, s1;
	[sflag:s0] =	ssyncset.done @!p0 $0x0  }
0x207: {  	[sflag:s0] =	ssyncadd.s32 @!p0 s1  }
0x208: {  	[bflag:$0x3] =	sbarrier.arrive $0xFFFF  }
0x209: {  	_ =	shalt  }

</sc_bundles>
